<compile_context>
chip_gen: v7x
topology: tpu7x:2x2x1
jax: 0.10.2.dev20260603
libtpu: 0.0.44.dev20260713+nightly
codegen_flags: <defaults>
</compile_context>

<pallas_src>
import functools
import math

import jax
import jax.numpy as jnp
from jax import lax
from jax.experimental import pallas as pl
from jax.experimental.pallas import tpu as pltpu
from jax.experimental.pallas import tpu_sc as plsc

NTIPS = 256
HID = 256
LAT = 50
B = 4
Z = 32
NDIM = 509
NNODE = 510
ZB = 32
NPAD = 512
LOG2PI = math.log(2.0 * math.pi)


def _elu(x):
    return jnp.where(x > 0, x, jnp.exp(x) - 1.0)


def _parent_gather(h_flat, pi_glob):
    info = plsc.get_sparse_core_info()
    nw = info.num_cores * info.num_subcores
    rows_per_w = (B * NPAD) // nw
    mesh = plsc.VectorSubcoreMesh(core_axis_name="c", subcore_axis_name="s")

    @functools.partial(
        pl.kernel,
        out_type=jax.ShapeDtypeStruct((B * NPAD, NTIPS), jnp.float32),
        mesh=mesh,
        scratch_types=[
            pltpu.VMEM((rows_per_w,), jnp.int32),
            pltpu.VMEM((rows_per_w, NTIPS), jnp.float32),
            pltpu.SemaphoreType.DMA,
        ],
    )
    def gather_k(h_hbm, idx_hbm, out_hbm, idx_v, rows_v, sem):
        wid = lax.axis_index("s") * info.num_cores + lax.axis_index("c")
        base = wid * rows_per_w
        pltpu.sync_copy(idx_hbm.at[pl.ds(base, rows_per_w)], idx_v)
        pltpu.async_copy(h_hbm.at[idx_v], rows_v, sem).wait()
        pltpu.sync_copy(rows_v, out_hbm.at[pl.ds(base, rows_per_w)])

    return gather_k(h_flat, pi_glob)


def _readout_kernel(h_ref, hp_ref, w1_ref, b1_ref, w2_ref, b2_ref,
                    wr1a_ref, br1_ref, sz_ref, wr1b_ref, wr2_ref, br2_ref,
                    sxr_ref, slb_ref, logq_ref, base_s, slb_s):
    zb = pl.program_id(1)

    @pl.when(zb == 0)
    def _():
        w1 = w1_ref[...]
        w2 = w2_ref[...]
        b1 = b1_ref[...]
        b2 = b2_ref[...]

        def mlp(x):
            y = _elu(jnp.dot(x, w1, preferred_element_type=jnp.float32) + b1)
            return _elu(jnp.dot(y, w2, preferred_element_type=jnp.float32) + b2)

        ms = mlp(h_ref[0, :NDIM, :])
        msp = mlp(hp_ref[0, :NDIM, :])
        mst = jnp.maximum(ms, msp)
        base_s[...] = lax.dot_general(
            wr1a_ref[...], mst, (((0,), (1,)), ((), ())),
            preferred_element_type=jnp.float32) + br1_ref[...]

    base = base_s[...]
    logqs = []
    for k in range(ZB):
        sz = sz_ref[0, k]
        zc = lax.dot_general(wr1b_ref[...], sz, (((0,), (1,)), ((), ())),
                             preferred_element_type=jnp.float32)
        r = _elu(base + zc)
        out = lax.dot_general(wr2_ref[...], r, (((0,), (0,)), ((), ())),
                              preferred_element_type=jnp.float32) + br2_ref[...]
        mean = out[0:1, :]
        ls = jnp.maximum(out[1:2, :], -3.0)

        if k == 0:
            @pl.when(zb == 0)
            def _():
                slb_s[...] = sxr_ref[0] * jnp.exp(ls) + mean - 2.0
                slb_ref[0] = slb_s[...]

        slb = slb_s[...]
        dev = (slb - mean + 2.0) * jnp.exp(-ls)
        logq = -0.5 * jnp.sum(LOG2PI + dev * dev) - jnp.sum(ls)
        logqs.append(jnp.full((1, 1, 1, 128), logq, jnp.float32))
    logq_ref[...] = jnp.concatenate(logqs, axis=1)


def kernel(node_features, parent_index, samp_z, samp_x_raw, W1, b1, W2, b2,
           Wr1, br1, Wr2, br2):
    f32 = jnp.float32
    sxr = samp_x_raw.reshape(B, 1, NDIM)
    b1r = b1.reshape(1, HID)
    b2r = b2.reshape(1, HID)
    wr1a = Wr1[:HID]
    wr1b = Wr1[HID:]
    br1c = br1.reshape(HID, 1)
    br2c = br2.reshape(2, 1)
    pi32 = parent_index.astype(jnp.int32)
    pi_glob = jnp.pad(
        pi32 + (jnp.arange(B, dtype=jnp.int32) * NNODE)[:, None],
        ((0, 0), (0, NPAD - NDIM)),
    ).reshape(B * NPAD)

    hp = _parent_gather(node_features.reshape(B * NNODE, NTIPS), pi_glob)
    hp = hp.reshape(B, NPAD, NTIPS)

    slb_p, logq_p = pl.pallas_call(
        _readout_kernel,
        grid=(B, Z // ZB),
        in_specs=[
            pl.BlockSpec((1, NNODE, NTIPS), lambda b, z: (b, 0, 0)),
            pl.BlockSpec((1, NPAD, NTIPS), lambda b, z: (b, 0, 0)),
            pl.BlockSpec((NTIPS, HID), lambda b, z: (0, 0)),
            pl.BlockSpec((1, HID), lambda b, z: (0, 0)),
            pl.BlockSpec((HID, HID), lambda b, z: (0, 0)),
            pl.BlockSpec((1, HID), lambda b, z: (0, 0)),
            pl.BlockSpec((HID, HID), lambda b, z: (0, 0)),
            pl.BlockSpec((HID, 1), lambda b, z: (0, 0)),
            pl.BlockSpec((1, ZB, NDIM, LAT), lambda b, z: (b, z, 0, 0)),
            pl.BlockSpec((LAT, HID), lambda b, z: (0, 0)),
            pl.BlockSpec((HID, 2), lambda b, z: (0, 0)),
            pl.BlockSpec((2, 1), lambda b, z: (0, 0)),
            pl.BlockSpec((1, 1, NDIM), lambda b, z: (b, 0, 0)),
        ],
        out_specs=[
            pl.BlockSpec((1, 1, NDIM), lambda b, z: (b, 0, 0)),
            pl.BlockSpec((1, ZB, 1, 128), lambda b, z: (b, z, 0, 0)),
        ],
        out_shape=[
            jax.ShapeDtypeStruct((B, 1, NDIM), f32),
            jax.ShapeDtypeStruct((B, Z, 1, 128), f32),
        ],
        scratch_shapes=[pltpu.VMEM((HID, NDIM), f32), pltpu.VMEM((1, NDIM), f32)],
    )(node_features, hp, W1, b1r, W2, b2r, wr1a, br1c, samp_z, wr1b, Wr2,
      br2c, sxr)

    samp_log_branch = slb_p[:, 0, :]
    logq_branch_batch = logq_p[:, :, 0, 0]
    return (samp_log_branch, logq_branch_batch)

# --- scband reference (transcript-rebuilt; emitter-appended) ---
"""Pipeline reference for scband-sivimodel-76922864271848 (READ-ONLY COPY).

The authoritative reference and input builder live on the scoring server;
editing this copy changes nothing except your own understanding.
"""

import jax, jax.numpy as jnp
import numpy as np
import math

NTIPS = 256
HID = 256
LAT = 50
B = 4
Z = 32
NDIM = 2 * NTIPS - 3  # 509
NNODE = NDIM + 1      # 510


def elu(x):
    return jnp.where(x > 0, x, jnp.expm1(x))


def setup_inputs(seed: int = 0) -> dict:
    key = jax.random.key(seed)
    ks = jax.random.split(key, 12)
    inp = {}
    inp["node_features"] = jax.random.normal(ks[0], (B, NNODE, NTIPS), dtype=jnp.float32)
    inp["parent_index"] = jax.random.randint(ks[1], (B, NDIM), 0, NNODE)
    inp["samp_z"] = jax.random.normal(ks[2], (B, Z, NDIM, LAT), dtype=jnp.float32)
    inp["samp_x_raw"] = jax.random.normal(ks[3], (B, NDIM), dtype=jnp.float32)
    s1 = 1.0 / math.sqrt(NTIPS)
    s2 = 1.0 / math.sqrt(HID)
    s3 = 1.0 / math.sqrt(HID + LAT)
    inp["W1"] = jax.random.uniform(ks[4], (NTIPS, HID), jnp.float32, -s1, s1)
    inp["b1"] = jax.random.uniform(ks[5], (HID,), jnp.float32, -s1, s1)
    inp["W2"] = jax.random.uniform(ks[6], (HID, HID), jnp.float32, -s2, s2)
    inp["b2"] = jax.random.uniform(ks[7], (HID,), jnp.float32, -s2, s2)
    inp["Wr1"] = jax.random.uniform(ks[8], (HID + LAT, HID), jnp.float32, -s3, s3)
    inp["br1"] = jax.random.uniform(ks[9], (HID,), jnp.float32, -s3, s3)
    inp["Wr2"] = jax.random.uniform(ks[10], (HID, 2), jnp.float32, -s2, s2)
    inp["br2"] = jax.random.uniform(ks[11], (2,), jnp.float32, -s2, s2)
    return inp


def reference(node_features, parent_index, samp_z, samp_x_raw, W1, b1, W2, b2, Wr1, br1, Wr2, br2):
    log_std_min = -3.0
    # GNN: gnn_type='identity' -> passthrough
    h = node_features
    # MeanStdPooling: 2-layer ELU MLP then parent-max pooling
    ms = elu(jnp.einsum('bnf,fh->bnh', h, W1) + b1)
    ms = elu(jnp.einsum('bnh,hk->bnk', ms, W2) + b2)
    parent_feat = jnp.take_along_axis(ms, parent_index[..., None], axis=1)  # [B, NDIM, HID]
    mean_std = jnp.maximum(ms[:, :-1, :], parent_feat)  # [B, NDIM, HID]
    # readout over z samples
    rep = jnp.broadcast_to(mean_std[:, None, :, :], (B, Z, NDIM, HID))
    cat = jnp.concatenate([rep, samp_z], axis=-1)  # [B, Z, NDIM, HID+LAT]
    r = elu(jnp.einsum('bznc,ch->bznh', cat, Wr1) + br1)
    out = jnp.einsum('bznh,ho->bzno', r, Wr2) + br2  # [B, Z, NDIM, 2]
    mean = out[..., 0]
    log_std = jnp.maximum(out[..., 1], log_std_min)
    samp_log_branch = samp_x_raw * jnp.exp(log_std[:, 0, :]) + mean[:, 0, :] - 2.0  # [B, NDIM]
    logq_branch_batch = -0.5 * jnp.sum(
        math.log(2 * math.pi) + ((samp_log_branch[:, None, :] - mean + 2.0) / jnp.exp(log_std)) ** 2,
        axis=-1,
    ) - jnp.sum(log_std, axis=-1)  # [B, Z]
    return (samp_log_branch, logq_branch_batch)

if __name__ == "__main__":
    import jax
    _d = setup_inputs()
    print(jax.jit(kernel)(*tuple(_d.values())))

</pallas_src>

<mosaic_0001>
#map = affine_map<(d0, d1) -> (0, 0)>
#map1 = affine_map<(d0, d1) -> (0)>
module attributes {stable_mosaic.version = 14 : i64} {
  func.func @gather_k(%arg0: i32, %arg1: i32, %arg2: memref<2040x256xf32, #tpu.memory_space<hbm>>, %arg3: memref<2048xi32, #tpu.memory_space<hbm>>, %arg4: memref<2048x256xf32, #tpu.memory_space<hbm>>, %arg5: memref<64xi32, #tpu.memory_space<vmem>>, %arg6: memref<64x256xf32, #tpu.memory_space<vmem>>, %arg7: memref<!tpu.dma_semaphore, #tpu.memory_space<semaphore_mem>>) attributes {dimension_semantics = [#tpu.dimension_semantics<core_parallel>, #tpu.dimension_semantics<subcore_parallel>], iteration_bounds = array<i64: 2, 16>, scalar_prefetch = 0 : i64, scratch_operands = 3 : i64, tpu.core_type = #tpu.core_type<sc_vector_subcore>, window_params = [{transform_indices = #map}, {transform_indices = #map1}, {transform_indices = #map}]} {
    %mul3A = arith.constant 2 : i32
    %mul3A_0 = arith.muli %arg1, %mul3A : i32
    %add3A = arith.addi %mul3A_0, %arg0 : i32
    %mul3A_1 = arith.constant 64 : i32
    %mul3A_2 = arith.muli %add3A, %mul3A_1 : i32
    "tpu.region"() ({
      %run_scoped3A = tpu.sem_alloc : memref<!tpu.dma_semaphore, #tpu.memory_space<semaphore_mem>>
      %dma_start3A_7 = tpu.memref_slice %arg3[%mul3A_2] : memref<2048xi32, #tpu.memory_space<hbm>> -> memref<64xi32, #tpu.memory_space<hbm>>
      %dma_start3A_8 = tpu.memref_slice %arg3[%mul3A_2] : memref<2048xi32, #tpu.memory_space<hbm>> -> memref<64xi32, #tpu.memory_space<hbm>>
      tpu.enqueue_dma source(%dma_start3A_8 : memref<64xi32, #tpu.memory_space<hbm>>) target(%arg5 : memref<64xi32, #tpu.memory_space<vmem>>) target_semaphore(%run_scoped3A : memref<!tpu.dma_semaphore, #tpu.memory_space<semaphore_mem>>)
      %dma_wait3A_9 = tpu.memref_slice %arg3[%mul3A_2] : memref<2048xi32, #tpu.memory_space<hbm>> -> memref<64xi32, #tpu.memory_space<hbm>>
      %dma_wait3A_10 = tpu.memref_slice %arg3[%mul3A_2] : memref<2048xi32, #tpu.memory_space<hbm>> -> memref<64xi32, #tpu.memory_space<hbm>>
      tpu.wait_dma2 semaphore(%run_scoped3A : memref<!tpu.dma_semaphore, #tpu.memory_space<semaphore_mem>>) src(%dma_wait3A_10 : memref<64xi32, #tpu.memory_space<hbm>>) dst(%arg5 : memref<64xi32, #tpu.memory_space<vmem>>)
      tpu.yield
    }) : () -> ()
    %dma_start3A = arith.constant 0 : i32
    %dma_start3A_3 = arith.constant 0 : i32
    %dma_start3A_4 = tpu.memref_slice %arg2[%dma_start3A, %dma_start3A_3] : memref<2040x256xf32, #tpu.memory_space<hbm>> -> memref<2040x256xf32, #tpu.memory_space<hbm>>
    tpu.enqueue_indirect_dma source(%dma_start3A_4 : memref<2040x256xf32, #tpu.memory_space<hbm>>) target(%arg6 : memref<64x256xf32, #tpu.memory_space<vmem>>) offsets(%arg5 : memref<64xi32, #tpu.memory_space<vmem>>) semaphore(%arg7 : memref<!tpu.dma_semaphore, #tpu.memory_space<semaphore_mem>>)
    %dma_wait3A = arith.constant 0 : i32
    %dma_wait3A_5 = arith.constant 0 : i32
    %dma_wait3A_6 = tpu.memref_slice %arg2[%dma_wait3A, %dma_wait3A_5] : memref<2040x256xf32, #tpu.memory_space<hbm>> -> memref<2040x256xf32, #tpu.memory_space<hbm>>
    tpu.wait_indirect_dma semaphore(%arg7 : memref<!tpu.dma_semaphore, #tpu.memory_space<semaphore_mem>>) src(%dma_wait3A_6 : memref<2040x256xf32, #tpu.memory_space<hbm>>) dst(%arg6 : memref<64x256xf32, #tpu.memory_space<vmem>>)
    "tpu.region"() ({
      %run_scoped3A = tpu.sem_alloc : memref<!tpu.dma_semaphore, #tpu.memory_space<semaphore_mem>>
      %dma_start3A_7 = arith.constant 0 : i32
      %dma_start3A_8 = tpu.memref_slice %arg4[%mul3A_2, %dma_start3A_7] : memref<2048x256xf32, #tpu.memory_space<hbm>> -> memref<64x256xf32, #tpu.memory_space<hbm>>
      %dma_start3A_9 = arith.constant 0 : i32
      %dma_start3A_10 = tpu.memref_slice %arg4[%mul3A_2, %dma_start3A_9] : memref<2048x256xf32, #tpu.memory_space<hbm>> -> memref<64x256xf32, #tpu.memory_space<hbm>>
      tpu.enqueue_dma source(%arg6 : memref<64x256xf32, #tpu.memory_space<vmem>>) target(%dma_start3A_10 : memref<64x256xf32, #tpu.memory_space<hbm>>) target_semaphore(%run_scoped3A : memref<!tpu.dma_semaphore, #tpu.memory_space<semaphore_mem>>)
      %dma_wait3A_11 = arith.constant 0 : i32
      %dma_wait3A_12 = tpu.memref_slice %arg4[%mul3A_2, %dma_wait3A_11] : memref<2048x256xf32, #tpu.memory_space<hbm>> -> memref<64x256xf32, #tpu.memory_space<hbm>>
      %dma_wait3A_13 = arith.constant 0 : i32
      %dma_wait3A_14 = tpu.memref_slice %arg4[%mul3A_2, %dma_wait3A_13] : memref<2048x256xf32, #tpu.memory_space<hbm>> -> memref<64x256xf32, #tpu.memory_space<hbm>>
      tpu.wait_dma2 semaphore(%run_scoped3A : memref<!tpu.dma_semaphore, #tpu.memory_space<semaphore_mem>>) src(%arg6 : memref<64x256xf32, #tpu.memory_space<vmem>>) dst(%dma_wait3A_14 : memref<64x256xf32, #tpu.memory_space<hbm>>)
      tpu.yield
    }) : () -> ()
    return
  }
}

module attributes {stable_mosaic.version = 14 : i64} {
  func.func @_readout_kernel(%arg0: i32, %arg1: i32, %arg2: memref<1x510x256xf32, #tpu.memory_space<vmem>>, %arg3: memref<1x512x256xf32, #tpu.memory_space<vmem>>, %arg4: memref<256x256xf32, #tpu.memory_space<vmem>>, %arg5: memref<1x256xf32, #tpu.memory_space<vmem>>, %arg6: memref<256x256xf32, #tpu.memory_space<vmem>>, %arg7: memref<1x256xf32, #tpu.memory_space<vmem>>, %arg8: memref<256x256xf32, #tpu.memory_space<vmem>>, %arg9: memref<256x1xf32, #tpu.memory_space<vmem>>, %arg10: memref<1x32x509x50xf32, #tpu.memory_space<vmem>>, %arg11: memref<50x256xf32, #tpu.memory_space<vmem>>, %arg12: memref<256x2xf32, #tpu.memory_space<vmem>>, %arg13: memref<2x1xf32, #tpu.memory_space<vmem>>, %arg14: memref<1x1x509xf32, #tpu.memory_space<vmem>>, %arg15: memref<1x1x509xf32, #tpu.memory_space<vmem>>, %arg16: memref<1x32x1x128xf32, #tpu.memory_space<vmem>>, %arg17: memref<256x509xf32, #tpu.memory_space<vmem>>, %arg18: memref<1x509xf32, #tpu.memory_space<vmem>>) attributes {dimension_semantics = [#tpu.dimension_semantics<arbitrary>, #tpu.dimension_semantics<arbitrary>], iteration_bounds = array<i64: 4, 1>, scalar_prefetch = 0 : i64, scratch_operands = 2 : i64, tpu.core_type = #tpu.core_type<tc>, window_params = [{transform_indices = @transform_0, window_bounds = array<i64: 1, 510, 256>}, {transform_indices = @transform_1, window_bounds = array<i64: 1, 512, 256>}, {pipeline_mode = #tpu.pipeline_mode<synchronous>, transform_indices = @transform_2, window_bounds = array<i64: 256, 256>}, {pipeline_mode = #tpu.pipeline_mode<synchronous>, transform_indices = @transform_3, window_bounds = array<i64: 1, 256>}, {pipeline_mode = #tpu.pipeline_mode<synchronous>, transform_indices = @transform_4, window_bounds = array<i64: 256, 256>}, {pipeline_mode = #tpu.pipeline_mode<synchronous>, transform_indices = @transform_5, window_bounds = array<i64: 1, 256>}, {pipeline_mode = #tpu.pipeline_mode<synchronous>, transform_indices = @transform_6, window_bounds = array<i64: 256, 256>}, {pipeline_mode = #tpu.pipeline_mode<synchronous>, transform_indices = @transform_7, window_bounds = array<i64: 256, 1>}, {transform_indices = @transform_8, window_bounds = array<i64: 1, 32, 509, 50>}, {pipeline_mode = #tpu.pipeline_mode<synchronous>, transform_indices = @transform_9, window_bounds = array<i64: 50, 256>}, {pipeline_mode = #tpu.pipeline_mode<synchronous>, transform_indices = @transform_10, window_bounds = array<i64: 256, 2>}, {pipeline_mode = #tpu.pipeline_mode<synchronous>, transform_indices = @transform_11, window_bounds = array<i64: 2, 1>}, {transform_indices = @transform_12, window_bounds = array<i64: 1, 1, 509>}, {transform_indices = @transform_13, window_bounds = array<i64: 1, 1, 509>}, {transform_indices = @transform_14, window_bounds = array<i64: 1, 32, 1, 128>}]} {
    %eq3A = arith.constant 0 : i32
    %eq3A_0 = arith.cmpi eq, %arg1, %eq3A : i32
    %convert_element_type3A = arith.extui %eq3A_0 : i1 to i32
    %cond3A = arith.constant 0 : i32
    %cond3A_1 = arith.cmpi ne, %convert_element_type3A, %cond3A : i32
    scf.if %cond3A_1 {
      %get3A_2081 = arith.constant 0 : index
      %get3A_2082 = arith.constant 0 : index
      %get3A_2083 = vector.load %arg4[%get3A_2081, %get3A_2082] : memref<256x256xf32, #tpu.memory_space<vmem>>, vector<256x256xf32>
      %get3A_2084 = arith.constant 0 : index
      %get3A_2085 = arith.constant 0 : index
      %get3A_2086 = vector.load %arg6[%get3A_2084, %get3A_2085] : memref<256x256xf32, #tpu.memory_space<vmem>>, vector<256x256xf32>
      %get3A_2087 = arith.constant 0 : index
      %get3A_2088 = arith.constant 0 : index
      %get3A_2089 = vector.load %arg5[%get3A_2087, %get3A_2088] : memref<1x256xf32, #tpu.memory_space<vmem>>, vector<1x256xf32>
      %get3A_2090 = arith.constant 0 : index
      %get3A_2091 = arith.constant 0 : index
      %get3A_2092 = vector.load %arg7[%get3A_2090, %get3A_2091] : memref<1x256xf32, #tpu.memory_space<vmem>>, vector<1x256xf32>
      %get3A_2093 = arith.constant 0 : index
      %get3A_2094 = arith.constant 0 : index
      %get3A_2095 = arith.constant 0 : index
      %get3A_2096 = vector.load %arg2[%get3A_2093, %get3A_2094, %get3A_2095] : memref<1x510x256xf32, #tpu.memory_space<vmem>>, vector<1x509x256xf32>
      %get3A_2097 = vector.shape_cast %get3A_2096 : vector<1x509x256xf32> to vector<509x256xf32>
      %dot_general3A_2098 = arith.constant dense<0.000000e+00> : vector<509x256xf32>
      %dot_general3A_2099 = tpu.matmul %get3A_2097, %get3A_2083, %dot_general3A_2098 {dimension_numbers = #tpu.dot_dimension_numbers<[1], [0], [0], [1], [0, 0, 1, 1], [], []>, transpose_lhs_hint = false} : vector<509x256xf32>, vector<256x256xf32>, vector<509x256xf32> -> vector<509x256xf32>
      %add3A_2100 = vector.broadcast %get3A_2089 : vector<1x256xf32> to vector<509x256xf32>
      %add3A_2101 = arith.addf %dot_general3A_2099, %add3A_2100 : vector<509x256xf32>
      %gt3A_2102 = arith.constant 0.000000e+00 : f32
      %gt3A_2103 = vector.broadcast %gt3A_2102 : f32 to vector<509x256xf32>
      %gt3A_2104 = arith.cmpf ogt, %add3A_2101, %gt3A_2103 : vector<509x256xf32>
      %exp3A_2105 = math.exp %add3A_2101 : vector<509x256xf32>
      %sub3A_2106 = arith.constant 1.000000e+00 : f32
      %sub3A_2107 = vector.broadcast %sub3A_2106 : f32 to vector<509x256xf32>
      %sub3A_2108 = arith.subf %exp3A_2105, %sub3A_2107 : vector<509x256xf32>
      %select_n3A_2109 = arith.select %gt3A_2104, %add3A_2101, %sub3A_2108 : vector<509x256xi1>, vector<509x256xf32>
      %dot_general3A_2110 = arith.constant dense<0.000000e+00> : vector<509x256xf32>
      %dot_general3A_2111 = tpu.matmul %select_n3A_2109, %get3A_2086, %dot_general3A_2110 {dimension_numbers = #tpu.dot_dimension_numbers<[1], [0], [0], [1], [0, 0, 1, 1], [], []>, transpose_lhs_hint = false} : vector<509x256xf32>, vector<256x256xf32>, vector<509x256xf32> -> vector<509x256xf32>
      %add3A_2112 = vector.broadcast %get3A_2092 : vector<1x256xf32> to vector<509x256xf32>
      %add3A_2113 = arith.addf %dot_general3A_2111, %add3A_2112 : vector<509x256xf32>
      %gt3A_2114 = arith.constant 0.000000e+00 : f32
      %gt3A_2115 = vector.broadcast %gt3A_2114 : f32 to vector<509x256xf32>
      %gt3A_2116 = arith.cmpf ogt, %add3A_2113, %gt3A_2115 : vector<509x256xf32>
      %exp3A_2117 = math.exp %add3A_2113 : vector<509x256xf32>
      %sub3A_2118 = arith.constant 1.000000e+00 : f32
      %sub3A_2119 = vector.broadcast %sub3A_2118 : f32 to vector<509x256xf32>
      %sub3A_2120 = arith.subf %exp3A_2117, %sub3A_2119 : vector<509x256xf32>
      %select_n3A_2121 = arith.select %gt3A_2116, %add3A_2113, %sub3A_2120 : vector<509x256xi1>, vector<509x256xf32>
      %get3A_2122 = arith.constant 0 : index
      %get3A_2123 = arith.constant 0 : index
      %get3A_2124 = arith.constant 0 : index
      %get3A_2125 = vector.load %arg3[%get3A_2122, %get3A_2123, %get3A_2124] : memref<1x512x256xf32, #tpu.memory_space<vmem>>, vector<1x509x256xf32>
      %get3A_2126 = vector.shape_cast %get3A_2125 : vector<1x509x256xf32> to vector<509x256xf32>
      %dot_general3A_2127 = arith.constant dense<0.000000e+00> : vector<509x256xf32>
      %dot_general3A_2128 = tpu.matmul %get3A_2126, %get3A_2083, %dot_general3A_2127 {dimension_numbers = #tpu.dot_dimension_numbers<[1], [0], [0], [1], [0, 0, 1, 1], [], []>, transpose_lhs_hint = false} : vector<509x256xf32>, vector<256x256xf32>, vector<509x256xf32> -> vector<509x256xf32>
      %add3A_2129 = vector.broadcast %get3A_2089 : vector<1x256xf32> to vector<509x256xf32>
      %add3A_2130 = arith.addf %dot_general3A_2128, %add3A_2129 : vector<509x256xf32>
      %gt3A_2131 = arith.constant 0.000000e+00 : f32
      %gt3A_2132 = vector.broadcast %gt3A_2131 : f32 to vector<509x256xf32>
      %gt3A_2133 = arith.cmpf ogt, %add3A_2130, %gt3A_2132 : vector<509x256xf32>
      %exp3A_2134 = math.exp %add3A_2130 : vector<509x256xf32>
      %sub3A_2135 = arith.constant 1.000000e+00 : f32
      %sub3A_2136 = vector.broadcast %sub3A_2135 : f32 to vector<509x256xf32>
      %sub3A_2137 = arith.subf %exp3A_2134, %sub3A_2136 : vector<509x256xf32>
      %select_n3A_2138 = arith.select %gt3A_2133, %add3A_2130, %sub3A_2137 : vector<509x256xi1>, vector<509x256xf32>
      %dot_general3A_2139 = arith.constant dense<0.000000e+00> : vector<509x256xf32>
      %dot_general3A_2140 = tpu.matmul %select_n3A_2138, %get3A_2086, %dot_general3A_2139 {dimension_numbers = #tpu.dot_dimension_numbers<[1], [0], [0], [1], [0, 0, 1, 1], [], []>, transpose_lhs_hint = false} : vector<509x256xf32>, vector<256x256xf32>, vector<509x256xf32> -> vector<509x256xf32>
      %add3A_2141 = vector.broadcast %get3A_2092 : vector<1x256xf32> to vector<509x256xf32>
      %add3A_2142 = arith.addf %dot_general3A_2140, %add3A_2141 : vector<509x256xf32>
      %gt3A_2143 = arith.constant 0.000000e+00 : f32
      %gt3A_2144 = vector.broadcast %gt3A_2143 : f32 to vector<509x256xf32>
      %gt3A_2145 = arith.cmpf ogt, %add3A_2142, %gt3A_2144 : vector<509x256xf32>
      %exp3A_2146 = math.exp %add3A_2142 : vector<509x256xf32>
      %sub3A_2147 = arith.constant 1.000000e+00 : f32
      %sub3A_2148 = vector.broadcast %sub3A_2147 : f32 to vector<509x256xf32>
      %sub3A_2149 = arith.subf %exp3A_2146, %sub3A_2148 : vector<509x256xf32>
      %select_n3A_2150 = arith.select %gt3A_2145, %add3A_2142, %sub3A_2149 : vector<509x256xi1>, vector<509x256xf32>
      %max3A_2151 = arith.maximumf %select_n3A_2121, %select_n3A_2150 : vector<509x256xf32>
      %get3A_2152 = arith.constant 0 : index
      %get3A_2153 = arith.constant 0 : index
      %get3A_2154 = vector.load %arg8[%get3A_2152, %get3A_2153] : memref<256x256xf32, #tpu.memory_space<vmem>>, vector<256x256xf32>
      %dot_general3A_2155 = arith.constant dense<0.000000e+00> : vector<256x509xf32>
      %dot_general3A_2156 = tpu.matmul %get3A_2154, %max3A_2151, %dot_general3A_2155 {dimension_numbers = #tpu.dot_dimension_numbers<[0], [1], [1], [0], [0, 1, 1, 0], [], []>, transpose_lhs_hint = false} : vector<256x256xf32>, vector<509x256xf32>, vector<256x509xf32> -> vector<256x509xf32>
      %get3A_2157 = arith.constant 0 : index
      %get3A_2158 = arith.constant 0 : index
      %get3A_2159 = vector.load %arg9[%get3A_2157, %get3A_2158] : memref<256x1xf32, #tpu.memory_space<vmem>>, vector<256x1xf32>
      %add3A_2160 = vector.broadcast %get3A_2159 : vector<256x1xf32> to vector<256x509xf32>
      %add3A_2161 = arith.addf %dot_general3A_2156, %add3A_2160 : vector<256x509xf32>
      %swap3A_2162 = arith.constant 0 : index
      %swap3A_2163 = arith.constant 0 : index
      %swap3A_2164 = vector.load %arg17[%swap3A_2162, %swap3A_2163] : memref<256x509xf32, #tpu.memory_space<vmem>>, vector<256x509xf32>
      tpu.vector_store %arg17[%swap3A_2162, %swap3A_2163], %add3A_2161 {strides = array<i32>} : memref<256x509xf32, #tpu.memory_space<vmem>>, vector<256x509xf32>,
    } else {
    }
    %get3A = arith.constant 0 : index
    %get3A_2 = arith.constant 0 : index
    %get3A_3 = vector.load %arg17[%get3A, %get3A_2] : memref<256x509xf32, #tpu.memory_space<vmem>>, vector<256x509xf32>
    %get3A_4 = arith.constant 0 : index
    %get3A_5 = arith.constant 0 : index
    %get3A_6 = arith.constant 0 : index
    %get3A_7 = arith.constant 0 : index
    %get3A_8 = vector.load %arg10[%get3A_4, %get3A_5, %get3A_6, %get3A_7] : memref<1x32x509x50xf32, #tpu.memory_space<vmem>>, vector<1x1x509x50xf32>
    %get3A_9 = vector.shape_cast %get3A_8 : vector<1x1x509x50xf32> to vector<509x50xf32>
    %get3A_10 = arith.constant 0 : index
    %get3A_11 = arith.constant 0 : index
    %get3A_12 = vector.load %arg11[%get3A_10, %get3A_11] : memref<50x256xf32, #tpu.memory_space<vmem>>, vector<50x256xf32>
    %dot_general3A = arith.constant dense<0.000000e+00> : vector<256x509xf32>
    %dot_general3A_13 = tpu.matmul %get3A_12, %get3A_9, %dot_general3A {dimension_numbers = #tpu.dot_dimension_numbers<[0], [1], [1], [0], [0, 1, 1, 0], [], []>, transpose_lhs_hint = false} : vector<50x256xf32>, vector<509x50xf32>, vector<256x509xf32> -> vector<256x509xf32>
    %add3A = arith.addf %get3A_3, %dot_general3A_13 : vector<256x509xf32>
    %gt3A = arith.constant 0.000000e+00 : f32
    %gt3A_14 = vector.broadcast %gt3A : f32 to vector<256x509xf32>
    %gt3A_15 = arith.cmpf ogt, %add3A, %gt3A_14 : vector<256x509xf32>
    %exp3A = math.exp %add3A : vector<256x509xf32>
    %sub3A = arith.constant 1.000000e+00 : f32
    %sub3A_16 = vector.broadcast %sub3A : f32 to vector<256x509xf32>
    %sub3A_17 = arith.subf %exp3A, %sub3A_16 : vector<256x509xf32>
    %select_n3A = arith.select %gt3A_15, %add3A, %sub3A_17 : vector<256x509xi1>, vector<256x509xf32>
    %get3A_18 = arith.constant 0 : index
    %get3A_19 = arith.constant 0 : index
    %get3A_20 = vector.load %arg12[%get3A_18, %get3A_19] : memref<256x2xf32, #tpu.memory_space<vmem>>, vector<256x2xf32>
    %dot_general3A_21 = arith.constant dense<0.000000e+00> : vector<2x509xf32>
    %dot_general3A_22 = tpu.matmul %get3A_20, %select_n3A, %dot_general3A_21 {dimension_numbers = #tpu.dot_dimension_numbers<[0], [0], [1], [1], [0, 1, 1, 1], [], []>, transpose_lhs_hint = false} : vector<256x2xf32>, vector<256x509xf32>, vector<2x509xf32> -> vector<2x509xf32>
    %get3A_23 = arith.constant 0 : index
    %get3A_24 = arith.constant 0 : index
    %get3A_25 = vector.load %arg13[%get3A_23, %get3A_24] : memref<2x1xf32, #tpu.memory_space<vmem>>, vector<2x1xf32>
    %add3A_26 = vector.broadcast %get3A_25 : vector<2x1xf32> to vector<2x509xf32>
    %add3A_27 = arith.addf %dot_general3A_22, %add3A_26 : vector<2x509xf32>
    %slice3A = vector.extract_strided_slice %add3A_27 {offsets = [0, 0], sizes = [1, 509], strides = [1, 1]} : vector<2x509xf32> to vector<1x509xf32>
    %slice3A_28 = vector.extract_strided_slice %add3A_27 {offsets = [1, 0], sizes = [1, 509], strides = [1, 1]} : vector<2x509xf32> to vector<1x509xf32>
    %max3A = arith.constant -3.000000e+00 : f32
    %max3A_29 = vector.broadcast %max3A : f32 to vector<1x509xf32>
    %max3A_30 = arith.maximumf %slice3A_28, %max3A_29 : vector<1x509xf32>
    %eq3A_31 = arith.constant 0 : i32
    %eq3A_32 = arith.cmpi eq, %arg1, %eq3A_31 : i32
    %convert_element_type3A_33 = arith.extui %eq3A_32 : i1 to i32
    %cond3A_34 = arith.constant 0 : i32
    %cond3A_35 = arith.cmpi ne, %convert_element_type3A_33, %cond3A_34 : i32
    scf.if %cond3A_35 {
      %get3A_2081 = arith.constant 0 : index
      %get3A_2082 = arith.constant 0 : index
      %get3A_2083 = arith.constant 0 : index
      %get3A_2084 = vector.load %arg14[%get3A_2081, %get3A_2082, %get3A_2083] : memref<1x1x509xf32, #tpu.memory_space<vmem>>, vector<1x1x509xf32>
      %get3A_2085 = vector.shape_cast %get3A_2084 : vector<1x1x509xf32> to vector<1x509xf32>
      %exp3A_2086 = math.exp %max3A_30 : vector<1x509xf32>
      %mul3A_2087 = arith.mulf %get3A_2085, %exp3A_2086 : vector<1x509xf32>
      %add3A_2088 = arith.addf %mul3A_2087, %slice3A : vector<1x509xf32>
      %sub3A_2089 = arith.constant 2.000000e+00 : f32
      %sub3A_2090 = vector.broadcast %sub3A_2089 : f32 to vector<1x509xf32>
      %sub3A_2091 = arith.subf %add3A_2088, %sub3A_2090 : vector<1x509xf32>
      %swap3A_2092 = arith.constant 0 : index
      %swap3A_2093 = arith.constant 0 : index
      %swap3A_2094 = vector.load %arg18[%swap3A_2092, %swap3A_2093] : memref<1x509xf32, #tpu.memory_space<vmem>>, vector<1x509xf32>
      tpu.vector_store %arg18[%swap3A_2092, %swap3A_2093], %sub3A_2091 {strides = array<i32>} : memref<1x509xf32, #tpu.memory_space<vmem>>, vector<1x509xf32>,
      %get3A_2095 = arith.constant 0 : index
      %get3A_2096 = arith.constant 0 : index
      %get3A_2097 = vector.load %arg18[%get3A_2095, %get3A_2096] : memref<1x509xf32, #tpu.memory_space<vmem>>, vector<1x509xf32>
      %swap3A_2098 = arith.constant 0 : index
      %swap3A_2099 = arith.constant 0 : index
      %swap3A_2100 = arith.constant 0 : index
      %swap3A_2101 = vector.load %arg15[%swap3A_2098, %swap3A_2099, %swap3A_2100] : memref<1x1x509xf32, #tpu.memory_space<vmem>>, vector<1x1x509xf32>
      %swap3A_2102 = vector.shape_cast %swap3A_2101 : vector<1x1x509xf32> to vector<1x509xf32>
      %swap3A_2103 = vector.shape_cast %get3A_2097 : vector<1x509xf32> to vector<1x1x509xf32>
      tpu.vector_store %arg15[%swap3A_2098, %swap3A_2099, %swap3A_2100], %swap3A_2103 {strides = array<i32>} : memref<1x1x509xf32, #tpu.memory_space<vmem>>, vector<1x1x509xf32>,
    } else {
    }
    %get3A_36 = arith.constant 0 : index
    %get3A_37 = arith.constant 0 : index
    %get3A_38 = vector.load %arg18[%get3A_36, %get3A_37] : memref<1x509xf32, #tpu.memory_space<vmem>>, vector<1x509xf32>
    %sub3A_39 = arith.subf %get3A_38, %slice3A : vector<1x509xf32>
    %add3A_40 = arith.constant 2.000000e+00 : f32
    %add3A_41 = vector.broadcast %add3A_40 : f32 to vector<1x509xf32>
    %add3A_42 = arith.addf %sub3A_39, %add3A_41 : vector<1x509xf32>
    %neg3A = arith.constant 0.000000e+00 : f32
    %neg3A_43 = vector.broadcast %neg3A : f32 to vector<1x509xf32>
    %neg3A_44 = arith.subf %neg3A_43, %max3A_30 : vector<1x509xf32>
    %exp3A_45 = math.exp %neg3A_44 : vector<1x509xf32>
    %mul3A = arith.mulf %add3A_42, %exp3A_45 : vector<1x509xf32>
    %mul3A_46 = arith.mulf %mul3A, %mul3A : vector<1x509xf32>
    %add3A_47 = arith.constant 1.83787704 : f32
    %add3A_48 = vector.broadcast %add3A_47 : f32 to vector<1x509xf32>
    %add3A_49 = arith.addf %add3A_48, %mul3A_46 : vector<1x509xf32>
    %reduce_sum3A = vector.shape_cast %add3A_49 : vector<1x509xf32> to vector<1x1x509xf32>
    %reduce_sum3A_50 = arith.constant dense<0.000000e+00> : vector<1xf32>
    %reduce_sum3A_51 = vector.multi_reduction <add>, %reduce_sum3A, %reduce_sum3A_50 [1, 2] : vector<1x1x509xf32> to vector<1xf32>
    %reduce_sum3A_52 = vector.shape_cast %reduce_sum3A_51 : vector<1xf32> to vector<1x1x1xf32>
    %reduce_sum3A_53 = vector.extract %reduce_sum3A_52[0, 0, 0] : f32 from vector<1x1x1xf32>
    %mul3A_54 = arith.constant -5.000000e-01 : f32
    %mul3A_55 = arith.mulf %mul3A_54, %reduce_sum3A_53 : f32
    %reduce_sum3A_56 = vector.shape_cast %max3A_30 : vector<1x509xf32> to vector<1x1x509xf32>
    %reduce_sum3A_57 = arith.constant dense<0.000000e+00> : vector<1xf32>
    %reduce_sum3A_58 = vector.multi_reduction <add>, %reduce_sum3A_56, %reduce_sum3A_57 [1, 2] : vector<1x1x509xf32> to vector<1xf32>
    %reduce_sum3A_59 = vector.shape_cast %reduce_sum3A_58 : vector<1xf32> to vector<1x1x1xf32>
    %reduce_sum3A_60 = vector.extract %reduce_sum3A_59[0, 0, 0] : f32 from vector<1x1x1xf32>
    %sub3A_61 = arith.subf %mul3A_55, %reduce_sum3A_60 : f32
    %broadcast_in_dim3A = vector.broadcast %sub3A_61 : f32 to vector<1x1x1x128xf32>
    %get3A_62 = arith.constant 0 : index
    %get3A_63 = arith.constant 1 : index
    %get3A_64 = arith.constant 0 : index
    %get3A_65 = arith.constant 0 : index
    %get3A_66 = vector.load %arg10[%get3A_62, %get3A_63, %get3A_64, %get3A_65] : memref<1x32x509x50xf32, #tpu.memory_space<vmem>>, vector<1x1x509x50xf32>
    %get3A_67 = vector.shape_cast %get3A_66 : vector<1x1x509x50xf32> to vector<509x50xf32>
    %get3A_68 = arith.constant 0 : index
    %get3A_69 = arith.constant 0 : index
    %get3A_70 = vector.load %arg11[%get3A_68, %get3A_69] : memref<50x256xf32, #tpu.memory_space<vmem>>, vector<50x256xf32>
    %dot_general3A_71 = arith.constant dense<0.000000e+00> : vector<256x509xf32>
    %dot_general3A_72 = tpu.matmul %get3A_70, %get3A_67, %dot_general3A_71 {dimension_numbers = #tpu.dot_dimension_numbers<[0], [1], [1], [0], [0, 1, 1, 0], [], []>, transpose_lhs_hint = false} : vector<50x256xf32>, vector<509x50xf32>, vector<256x509xf32> -> vector<256x509xf32>
    %add3A_73 = arith.addf %get3A_3, %dot_general3A_72 : vector<256x509xf32>
    %gt3A_74 = arith.constant 0.000000e+00 : f32
    %gt3A_75 = vector.broadcast %gt3A_74 : f32 to vector<256x509xf32>
    %gt3A_76 = arith.cmpf ogt, %add3A_73, %gt3A_75 : vector<256x509xf32>
    %exp3A_77 = math.exp %add3A_73 : vector<256x509xf32>
    %sub3A_78 = arith.constant 1.000000e+00 : f32
    %sub3A_79 = vector.broadcast %sub3A_78 : f32 to vector<256x509xf32>
    %sub3A_80 = arith.subf %exp3A_77, %sub3A_79 : vector<256x509xf32>
    %select_n3A_81 = arith.select %gt3A_76, %add3A_73, %sub3A_80 : vector<256x509xi1>, vector<256x509xf32>
    %get3A_82 = arith.constant 0 : index
    %get3A_83 = arith.constant 0 : index
    %get3A_84 = vector.load %arg12[%get3A_82, %get3A_83] : memref<256x2xf32, #tpu.memory_space<vmem>>, vector<256x2xf32>
    %dot_general3A_85 = arith.constant dense<0.000000e+00> : vector<2x509xf32>
    %dot_general3A_86 = tpu.matmul %get3A_84, %select_n3A_81, %dot_general3A_85 {dimension_numbers = #tpu.dot_dimension_numbers<[0], [0], [1], [1], [0, 1, 1, 1], [], []>, transpose_lhs_hint = false} : vector<256x2xf32>, vector<256x509xf32>, vector<2x509xf32> -> vector<2x509xf32>
    %get3A_87 = arith.constant 0 : index
    %get3A_88 = arith.constant 0 : index
    %get3A_89 = vector.load %arg13[%get3A_87, %get3A_88] : memref<2x1xf32, #tpu.memory_space<vmem>>, vector<2x1xf32>
    %add3A_90 = vector.broadcast %get3A_89 : vector<2x1xf32> to vector<2x509xf32>
    %add3A_91 = arith.addf %dot_general3A_86, %add3A_90 : vector<2x509xf32>
    %slice3A_92 = vector.extract_strided_slice %add3A_91 {offsets = [0, 0], sizes = [1, 509], strides = [1, 1]} : vector<2x509xf32> to vector<1x509xf32>
    %slice3A_93 = vector.extract_strided_slice %add3A_91 {offsets = [1, 0], sizes = [1, 509], strides = [1, 1]} : vector<2x509xf32> to vector<1x509xf32>
    %max3A_94 = arith.constant -3.000000e+00 : f32
    %max3A_95 = vector.broadcast %max3A_94 : f32 to vector<1x509xf32>
    %max3A_96 = arith.maximumf %slice3A_93, %max3A_95 : vector<1x509xf32>
    %get3A_97 = arith.constant 0 : index
    %get3A_98 = arith.constant 0 : index
    %get3A_99 = vector.load %arg18[%get3A_97, %get3A_98] : memref<1x509xf32, #tpu.memory_space<vmem>>, vector<1x509xf32>
    %sub3A_100 = arith.subf %get3A_99, %slice3A_92 : vector<1x509xf32>
    %add3A_101 = arith.constant 2.000000e+00 : f32
    %add3A_102 = vector.broadcast %add3A_101 : f32 to vector<1x509xf32>
    %add3A_103 = arith.addf %sub3A_100, %add3A_102 : vector<1x509xf32>
    %neg3A_104 = arith.constant 0.000000e+00 : f32
    %neg3A_105 = vector.broadcast %neg3A_104 : f32 to vector<1x509xf32>
    %neg3A_106 = arith.subf %neg3A_105, %max3A_96 : vector<1x509xf32>
    %exp3A_107 = math.exp %neg3A_106 : vector<1x509xf32>
    %mul3A_108 = arith.mulf %add3A_103, %exp3A_107 : vector<1x509xf32>
    %mul3A_109 = arith.mulf %mul3A_108, %mul3A_108 : vector<1x509xf32>
    %add3A_110 = arith.constant 1.83787704 : f32
    %add3A_111 = vector.broadcast %add3A_110 : f32 to vector<1x509xf32>
    %add3A_112 = arith.addf %add3A_111, %mul3A_109 : vector<1x509xf32>
    %reduce_sum3A_113 = vector.shape_cast %add3A_112 : vector<1x509xf32> to vector<1x1x509xf32>
    %reduce_sum3A_114 = arith.constant dense<0.000000e+00> : vector<1xf32>
    %reduce_sum3A_115 = vector.multi_reduction <add>, %reduce_sum3A_113, %reduce_sum3A_114 [1, 2] : vector<1x1x509xf32> to vector<1xf32>
    %reduce_sum3A_116 = vector.shape_cast %reduce_sum3A_115 : vector<1xf32> to vector<1x1x1xf32>
    %reduce_sum3A_117 = vector.extract %reduce_sum3A_116[0, 0, 0] : f32 from vector<1x1x1xf32>
    %mul3A_118 = arith.constant -5.000000e-01 : f32
    %mul3A_119 = arith.mulf %mul3A_118, %reduce_sum3A_117 : f32
    %reduce_sum3A_120 = vector.shape_cast %max3A_96 : vector<1x509xf32> to vector<1x1x509xf32>
    %reduce_sum3A_121 = arith.constant dense<0.000000e+00> : vector<1xf32>
    %reduce_sum3A_122 = vector.multi_reduction <add>, %reduce_sum3A_120, %reduce_sum3A_121 [1, 2] : vector<1x1x509xf32> to vector<1xf32>
    %reduce_sum3A_123 = vector.shape_cast %reduce_sum3A_122 : vector<1xf32> to vector<1x1x1xf32>
    %reduce_sum3A_124 = vector.extract %reduce_sum3A_123[0, 0, 0] : f32 from vector<1x1x1xf32>
    %sub3A_125 = arith.subf %mul3A_119, %reduce_sum3A_124 : f32
    %broadcast_in_dim3A_126 = vector.broadcast %sub3A_125 : f32 to vector<1x1x1x128xf32>
    %get3A_127 = arith.constant 0 : index
    %get3A_128 = arith.constant 2 : index
    %get3A_129 = arith.constant 0 : index
    %get3A_130 = arith.constant 0 : index
    %get3A_131 = vector.load %arg10[%get3A_127, %get3A_128, %get3A_129, %get3A_130] : memref<1x32x509x50xf32, #tpu.memory_space<vmem>>, vector<1x1x509x50xf32>
    %get3A_132 = vector.shape_cast %get3A_131 : vector<1x1x509x50xf32> to vector<509x50xf32>
    %get3A_133 = arith.constant 0 : index
    %get3A_134 = arith.constant 0 : index
    %get3A_135 = vector.load %arg11[%get3A_133, %get3A_134] : memref<50x256xf32, #tpu.memory_space<vmem>>, vector<50x256xf32>
    %dot_general3A_136 = arith.constant dense<0.000000e+00> : vector<256x509xf32>
    %dot_general3A_137 = tpu.matmul %get3A_135, %get3A_132, %dot_general3A_136 {dimension_numbers = #tpu.dot_dimension_numbers<[0], [1], [1], [0], [0, 1, 1, 0], [], []>, transpose_lhs_hint = false} : vector<50x256xf32>, vector<509x50xf32>, vector<256x509xf32> -> vector<256x509xf32>
    %add3A_138 = arith.addf %get3A_3, %dot_general3A_137 : vector<256x509xf32>
    %gt3A_139 = arith.constant 0.000000e+00 : f32
    %gt3A_140 = vector.broadcast %gt3A_139 : f32 to vector<256x509xf32>
    %gt3A_141 = arith.cmpf ogt, %add3A_138, %gt3A_140 : vector<256x509xf32>
    %exp3A_142 = math.exp %add3A_138 : vector<256x509xf32>
    %sub3A_143 = arith.constant 1.000000e+00 : f32
    %sub3A_144 = vector.broadcast %sub3A_143 : f32 to vector<256x509xf32>
    %sub3A_145 = arith.subf %exp3A_142, %sub3A_144 : vector<256x509xf32>
    %select_n3A_146 = arith.select %gt3A_141, %add3A_138, %sub3A_145 : vector<256x509xi1>, vector<256x509xf32>
    %get3A_147 = arith.constant 0 : index
    %get3A_148 = arith.constant 0 : index
    %get3A_149 = vector.load %arg12[%get3A_147, %get3A_148] : memref<256x2xf32, #tpu.memory_space<vmem>>, vector<256x2xf32>
    %dot_general3A_150 = arith.constant dense<0.000000e+00> : vector<2x509xf32>
    %dot_general3A_151 = tpu.matmul %get3A_149, %select_n3A_146, %dot_general3A_150 {dimension_numbers = #tpu.dot_dimension_numbers<[0], [0], [1], [1], [0, 1, 1, 1], [], []>, transpose_lhs_hint = false} : vector<256x2xf32>, vector<256x509xf32>, vector<2x509xf32> -> vector<2x509xf32>
    %get3A_152 = arith.constant 0 : index
    %get3A_153 = arith.constant 0 : index
    %get3A_154 = vector.load %arg13[%get3A_152, %get3A_153] : memref<2x1xf32, #tpu.memory_space<vmem>>, vector<2x1xf32>
    %add3A_155 = vector.broadcast %get3A_154 : vector<2x1xf32> to vector<2x509xf32>
    %add3A_156 = arith.addf %dot_general3A_151, %add3A_155 : vector<2x509xf32>
    %slice3A_157 = vector.extract_strided_slice %add3A_156 {offsets = [0, 0], sizes = [1, 509], strides = [1, 1]} : vector<2x509xf32> to vector<1x509xf32>
    %slice3A_158 = vector.extract_strided_slice %add3A_156 {offsets = [1, 0], sizes = [1, 509], strides = [1, 1]} : vector<2x509xf32> to vector<1x509xf32>
    %max3A_159 = arith.constant -3.000000e+00 : f32
    %max3A_160 = vector.broadcast %max3A_159 : f32 to vector<1x509xf32>
    %max3A_161 = arith.maximumf %slice3A_158, %max3A_160 : vector<1x509xf32>
    %get3A_162 = arith.constant 0 : index
    %get3A_163 = arith.constant 0 : index
    %get3A_164 = vector.load %arg18[%get3A_162, %get3A_163] : memref<1x509xf32, #tpu.memory_space<vmem>>, vector<1x509xf32>
    %sub3A_165 = arith.subf %get3A_164, %slice3A_157 : vector<1x509xf32>
    %add3A_166 = arith.constant 2.000000e+00 : f32
    %add3A_167 = vector.broadcast %add3A_166 : f32 to vector<1x509xf32>
    %add3A_168 = arith.addf %sub3A_165, %add3A_167 : vector<1x509xf32>
    %neg3A_169 = arith.constant 0.000000e+00 : f32
    %neg3A_170 = vector.broadcast %neg3A_169 : f32 to vector<1x509xf32>
    %neg3A_171 = arith.subf %neg3A_170, %max3A_161 : vector<1x509xf32>
    %exp3A_172 = math.exp %neg3A_171 : vector<1x509xf32>
    %mul3A_173 = arith.mulf %add3A_168, %exp3A_172 : vector<1x509xf32>
    %mul3A_174 = arith.mulf %mul3A_173, %mul3A_173 : vector<1x509xf32>
    %add3A_175 = arith.constant 1.83787704 : f32
    %add3A_176 = vector.broadcast %add3A_175 : f32 to vector<1x509xf32>
    %add3A_177 = arith.addf %add3A_176, %mul3A_174 : vector<1x509xf32>
    %reduce_sum3A_178 = vector.shape_cast %add3A_177 : vector<1x509xf32> to vector<1x1x509xf32>
    %reduce_sum3A_179 = arith.constant dense<0.000000e+00> : vector<1xf32>
    %reduce_sum3A_180 = vector.multi_reduction <add>, %reduce_sum3A_178, %reduce_sum3A_179 [1, 2] : vector<1x1x509xf32> to vector<1xf32>
    %reduce_sum3A_181 = vector.shape_cast %reduce_sum3A_180 : vector<1xf32> to vector<1x1x1xf32>
    %reduce_sum3A_182 = vector.extract %reduce_sum3A_181[0, 0, 0] : f32 from vector<1x1x1xf32>
    %mul3A_183 = arith.constant -5.000000e-01 : f32
    %mul3A_184 = arith.mulf %mul3A_183, %reduce_sum3A_182 : f32
    %reduce_sum3A_185 = vector.shape_cast %max3A_161 : vector<1x509xf32> to vector<1x1x509xf32>
    %reduce_sum3A_186 = arith.constant dense<0.000000e+00> : vector<1xf32>
    %reduce_sum3A_187 = vector.multi_reduction <add>, %reduce_sum3A_185, %reduce_sum3A_186 [1, 2] : vector<1x1x509xf32> to vector<1xf32>
    %reduce_sum3A_188 = vector.shape_cast %reduce_sum3A_187 : vector<1xf32> to vector<1x1x1xf32>
    %reduce_sum3A_189 = vector.extract %reduce_sum3A_188[0, 0, 0] : f32 from vector<1x1x1xf32>
    %sub3A_190 = arith.subf %mul3A_184, %reduce_sum3A_189 : f32
    %broadcast_in_dim3A_191 = vector.broadcast %sub3A_190 : f32 to vector<1x1x1x128xf32>
    %get3A_192 = arith.constant 0 : index
    %get3A_193 = arith.constant 3 : index
    %get3A_194 = arith.constant 0 : index
    %get3A_195 = arith.constant 0 : index
    %get3A_196 = vector.load %arg10[%get3A_192, %get3A_193, %get3A_194, %get3A_195] : memref<1x32x509x50xf32, #tpu.memory_space<vmem>>, vector<1x1x509x50xf32>
    %get3A_197 = vector.shape_cast %get3A_196 : vector<1x1x509x50xf32> to vector<509x50xf32>
    %get3A_198 = arith.constant 0 : index
    %get3A_199 = arith.constant 0 : index
    %get3A_200 = vector.load %arg11[%get3A_198, %get3A_199] : memref<50x256xf32, #tpu.memory_space<vmem>>, vector<50x256xf32>
    %dot_general3A_201 = arith.constant dense<0.000000e+00> : vector<256x509xf32>
    %dot_general3A_202 = tpu.matmul %get3A_200, %get3A_197, %dot_general3A_201 {dimension_numbers = #tpu.dot_dimension_numbers<[0], [1], [1], [0], [0, 1, 1, 0], [], []>, transpose_lhs_hint = false} : vector<50x256xf32>, vector<509x50xf32>, vector<256x509xf32> -> vector<256x509xf32>
    %add3A_203 = arith.addf %get3A_3, %dot_general3A_202 : vector<256x509xf32>
    %gt3A_204 = arith.constant 0.000000e+00 : f32
    %gt3A_205 = vector.broadcast %gt3A_204 : f32 to vector<256x509xf32>
    %gt3A_206 = arith.cmpf ogt, %add3A_203, %gt3A_205 : vector<256x509xf32>
    %exp3A_207 = math.exp %add3A_203 : vector<256x509xf32>
    %sub3A_208 = arith.constant 1.000000e+00 : f32
    %sub3A_209 = vector.broadcast %sub3A_208 : f32 to vector<256x509xf32>
    %sub3A_210 = arith.subf %exp3A_207, %sub3A_209 : vector<256x509xf32>
    %select_n3A_211 = arith.select %gt3A_206, %add3A_203, %sub3A_210 : vector<256x509xi1>, vector<256x509xf32>
    %get3A_212 = arith.constant 0 : index
    %get3A_213 = arith.constant 0 : index
    %get3A_214 = vector.load %arg12[%get3A_212, %get3A_213] : memref<256x2xf32, #tpu.memory_space<vmem>>, vector<256x2xf32>
    %dot_general3A_215 = arith.constant dense<0.000000e+00> : vector<2x509xf32>
    %dot_general3A_216 = tpu.matmul %get3A_214, %select_n3A_211, %dot_general3A_215 {dimension_numbers = #tpu.dot_dimension_numbers<[0], [0], [1], [1], [0, 1, 1, 1], [], []>, transpose_lhs_hint = false} : vector<256x2xf32>, vector<256x509xf32>, vector<2x509xf32> -> vector<2x509xf32>
    %get3A_217 = arith.constant 0 : index
    %get3A_218 = arith.constant 0 : index
    %get3A_219 = vector.load %arg13[%get3A_217, %get3A_218] : memref<2x1xf32, #tpu.memory_space<vmem>>, vector<2x1xf32>
    %add3A_220 = vector.broadcast %get3A_219 : vector<2x1xf32> to vector<2x509xf32>
    %add3A_221 = arith.addf %dot_general3A_216, %add3A_220 : vector<2x509xf32>
    %slice3A_222 = vector.extract_strided_slice %add3A_221 {offsets = [0, 0], sizes = [1, 509], strides = [1, 1]} : vector<2x509xf32> to vector<1x509xf32>
    %slice3A_223 = vector.extract_strided_slice %add3A_221 {offsets = [1, 0], sizes = [1, 509], strides = [1, 1]} : vector<2x509xf32> to vector<1x509xf32>
    %max3A_224 = arith.constant -3.000000e+00 : f32
    %max3A_225 = vector.broadcast %max3A_224 : f32 to vector<1x509xf32>
    %max3A_226 = arith.maximumf %slice3A_223, %max3A_225 : vector<1x509xf32>
    %get3A_227 = arith.constant 0 : index
    %get3A_228 = arith.constant 0 : index
    %get3A_229 = vector.load %arg18[%get3A_227, %get3A_228] : memref<1x509xf32, #tpu.memory_space<vmem>>, vector<1x509xf32>
    %sub3A_230 = arith.subf %get3A_229, %slice3A_222 : vector<1x509xf32>
    %add3A_231 = arith.constant 2.000000e+00 : f32
    %add3A_232 = vector.broadcast %add3A_231 : f32 to vector<1x509xf32>
    %add3A_233 = arith.addf %sub3A_230, %add3A_232 : vector<1x509xf32>
    %neg3A_234 = arith.constant 0.000000e+00 : f32
    %neg3A_235 = vector.broadcast %neg3A_234 : f32 to vector<1x509xf32>
    %neg3A_236 = arith.subf %neg3A_235, %max3A_226 : vector<1x509xf32>
    %exp3A_237 = math.exp %neg3A_236 : vector<1x509xf32>
    %mul3A_238 = arith.mulf %add3A_233, %exp3A_237 : vector<1x509xf32>
    %mul3A_239 = arith.mulf %mul3A_238, %mul3A_238 : vector<1x509xf32>
    %add3A_240 = arith.constant 1.83787704 : f32
    %add3A_241 = vector.broadcast %add3A_240 : f32 to vector<1x509xf32>
    %add3A_242 = arith.addf %add3A_241, %mul3A_239 : vector<1x509xf32>
    %reduce_sum3A_243 = vector.shape_cast %add3A_242 : vector<1x509xf32> to vector<1x1x509xf32>
    %reduce_sum3A_244 = arith.constant dense<0.000000e+00> : vector<1xf32>
    %reduce_sum3A_245 = vector.multi_reduction <add>, %reduce_sum3A_243, %reduce_sum3A_244 [1, 2] : vector<1x1x509xf32> to vector<1xf32>
    %reduce_sum3A_246 = vector.shape_cast %reduce_sum3A_245 : vector<1xf32> to vector<1x1x1xf32>
    %reduce_sum3A_247 = vector.extract %reduce_sum3A_246[0, 0, 0] : f32 from vector<1x1x1xf32>
    %mul3A_248 = arith.constant -5.000000e-01 : f32
    %mul3A_249 = arith.mulf %mul3A_248, %reduce_sum3A_247 : f32
    %reduce_sum3A_250 = vector.shape_cast %max3A_226 : vector<1x509xf32> to vector<1x1x509xf32>
    %reduce_sum3A_251 = arith.constant dense<0.000000e+00> : vector<1xf32>
    %reduce_sum3A_252 = vector.multi_reduction <add>, %reduce_sum3A_250, %reduce_sum3A_251 [1, 2] : vector<1x1x509xf32> to vector<1xf32>
    %reduce_sum3A_253 = vector.shape_cast %reduce_sum3A_252 : vector<1xf32> to vector<1x1x1xf32>
    %reduce_sum3A_254 = vector.extract %reduce_sum3A_253[0, 0, 0] : f32 from vector<1x1x1xf32>
    %sub3A_255 = arith.subf %mul3A_249, %reduce_sum3A_254 : f32
    %broadcast_in_dim3A_256 = vector.broadcast %sub3A_255 : f32 to vector<1x1x1x128xf32>
    %get3A_257 = arith.constant 0 : index
    %get3A_258 = arith.constant 4 : index
    %get3A_259 = arith.constant 0 : index
    %get3A_260 = arith.constant 0 : index
    %get3A_261 = vector.load %arg10[%get3A_257, %get3A_258, %get3A_259, %get3A_260] : memref<1x32x509x50xf32, #tpu.memory_space<vmem>>, vector<1x1x509x50xf32>
    %get3A_262 = vector.shape_cast %get3A_261 : vector<1x1x509x50xf32> to vector<509x50xf32>
    %get3A_263 = arith.constant 0 : index
    %get3A_264 = arith.constant 0 : index
    %get3A_265 = vector.load %arg11[%get3A_263, %get3A_264] : memref<50x256xf32, #tpu.memory_space<vmem>>, vector<50x256xf32>
    %dot_general3A_266 = arith.constant dense<0.000000e+00> : vector<256x509xf32>
    %dot_general3A_267 = tpu.matmul %get3A_265, %get3A_262, %dot_general3A_266 {dimension_numbers = #tpu.dot_dimension_numbers<[0], [1], [1], [0], [0, 1, 1, 0], [], []>, transpose_lhs_hint = false} : vector<50x256xf32>, vector<509x50xf32>, vector<256x509xf32> -> vector<256x509xf32>
    %add3A_268 = arith.addf %get3A_3, %dot_general3A_267 : vector<256x509xf32>
    %gt3A_269 = arith.constant 0.000000e+00 : f32
    %gt3A_270 = vector.broadcast %gt3A_269 : f32 to vector<256x509xf32>
    %gt3A_271 = arith.cmpf ogt, %add3A_268, %gt3A_270 : vector<256x509xf32>
    %exp3A_272 = math.exp %add3A_268 : vector<256x509xf32>
    %sub3A_273 = arith.constant 1.000000e+00 : f32
    %sub3A_274 = vector.broadcast %sub3A_273 : f32 to vector<256x509xf32>
    %sub3A_275 = arith.subf %exp3A_272, %sub3A_274 : vector<256x509xf32>
    %select_n3A_276 = arith.select %gt3A_271, %add3A_268, %sub3A_275 : vector<256x509xi1>, vector<256x509xf32>
    %get3A_277 = arith.constant 0 : index
    %get3A_278 = arith.constant 0 : index
    %get3A_279 = vector.load %arg12[%get3A_277, %get3A_278] : memref<256x2xf32, #tpu.memory_space<vmem>>, vector<256x2xf32>
    %dot_general3A_280 = arith.constant dense<0.000000e+00> : vector<2x509xf32>
    %dot_general3A_281 = tpu.matmul %get3A_279, %select_n3A_276, %dot_general3A_280 {dimension_numbers = #tpu.dot_dimension_numbers<[0], [0], [1], [1], [0, 1, 1, 1], [], []>, transpose_lhs_hint = false} : vector<256x2xf32>, vector<256x509xf32>, vector<2x509xf32> -> vector<2x509xf32>
    %get3A_282 = arith.constant 0 : index
    %get3A_283 = arith.constant 0 : index
    %get3A_284 = vector.load %arg13[%get3A_282, %get3A_283] : memref<2x1xf32, #tpu.memory_space<vmem>>, vector<2x1xf32>
    %add3A_285 = vector.broadcast %get3A_284 : vector<2x1xf32> to vector<2x509xf32>
    %add3A_286 = arith.addf %dot_general3A_281, %add3A_285 : vector<2x509xf32>
    %slice3A_287 = vector.extract_strided_slice %add3A_286 {offsets = [0, 0], sizes = [1, 509], strides = [1, 1]} : vector<2x509xf32> to vector<1x509xf32>
    %slice3A_288 = vector.extract_strided_slice %add3A_286 {offsets = [1, 0], sizes = [1, 509], strides = [1, 1]} : vector<2x509xf32> to vector<1x509xf32>
    %max3A_289 = arith.constant -3.000000e+00 : f32
    %max3A_290 = vector.broadcast %max3A_289 : f32 to vector<1x509xf32>
    %max3A_291 = arith.maximumf %slice3A_288, %max3A_290 : vector<1x509xf32>
    %get3A_292 = arith.constant 0 : index
    %get3A_293 = arith.constant 0 : index
    %get3A_294 = vector.load %arg18[%get3A_292, %get3A_293] : memref<1x509xf32, #tpu.memory_space<vmem>>, vector<1x509xf32>
    %sub3A_295 = arith.subf %get3A_294, %slice3A_287 : vector<1x509xf32>
    %add3A_296 = arith.constant 2.000000e+00 : f32
    %add3A_297 = vector.broadcast %add3A_296 : f32 to vector<1x509xf32>
    %add3A_298 = arith.addf %sub3A_295, %add3A_297 : vector<1x509xf32>
    %neg3A_299 = arith.constant 0.000000e+00 : f32
    %neg3A_300 = vector.broadcast %neg3A_299 : f32 to vector<1x509xf32>
    %neg3A_301 = arith.subf %neg3A_300, %max3A_291 : vector<1x509xf32>
    %exp3A_302 = math.exp %neg3A_301 : vector<1x509xf32>
    %mul3A_303 = arith.mulf %add3A_298, %exp3A_302 : vector<1x509xf32>
    %mul3A_304 = arith.mulf %mul3A_303, %mul3A_303 : vector<1x509xf32>
    %add3A_305 = arith.constant 1.83787704 : f32
    %add3A_306 = vector.broadcast %add3A_305 : f32 to vector<1x509xf32>
    %add3A_307 = arith.addf %add3A_306, %mul3A_304 : vector<1x509xf32>
    %reduce_sum3A_308 = vector.shape_cast %add3A_307 : vector<1x509xf32> to vector<1x1x509xf32>
    %reduce_sum3A_309 = arith.constant dense<0.000000e+00> : vector<1xf32>
    %reduce_sum3A_310 = vector.multi_reduction <add>, %reduce_sum3A_308, %reduce_sum3A_309 [1, 2] : vector<1x1x509xf32> to vector<1xf32>
    %reduce_sum3A_311 = vector.shape_cast %reduce_sum3A_310 : vector<1xf32> to vector<1x1x1xf32>
    %reduce_sum3A_312 = vector.extract %reduce_sum3A_311[0, 0, 0] : f32 from vector<1x1x1xf32>
    %mul3A_313 = arith.constant -5.000000e-01 : f32
    %mul3A_314 = arith.mulf %mul3A_313, %reduce_sum3A_312 : f32
    %reduce_sum3A_315 = vector.shape_cast %max3A_291 : vector<1x509xf32> to vector<1x1x509xf32>
    %reduce_sum3A_316 = arith.constant dense<0.000000e+00> : vector<1xf32>
    %reduce_sum3A_317 = vector.multi_reduction <add>, %reduce_sum3A_315, %reduce_sum3A_316 [1, 2] : vector<1x1x509xf32> to vector<1xf32>
    %reduce_sum3A_318 = vector.shape_cast %reduce_sum3A_317 : vector<1xf32> to vector<1x1x1xf32>
    %reduce_sum3A_319 = vector.extract %reduce_sum3A_318[0, 0, 0] : f32 from vector<1x1x1xf32>
    %sub3A_320 = arith.subf %mul3A_314, %reduce_sum3A_319 : f32
    %broadcast_in_dim3A_321 = vector.broadcast %sub3A_320 : f32 to vector<1x1x1x128xf32>
    %get3A_322 = arith.constant 0 : index
    %get3A_323 = arith.constant 5 : index
    %get3A_324 = arith.constant 0 : index
    %get3A_325 = arith.constant 0 : index
    %get3A_326 = vector.load %arg10[%get3A_322, %get3A_323, %get3A_324, %get3A_325] : memref<1x32x509x50xf32, #tpu.memory_space<vmem>>, vector<1x1x509x50xf32>
    %get3A_327 = vector.shape_cast %get3A_326 : vector<1x1x509x50xf32> to vector<509x50xf32>
    %get3A_328 = arith.constant 0 : index
    %get3A_329 = arith.constant 0 : index
    %get3A_330 = vector.load %arg11[%get3A_328, %get3A_329] : memref<50x256xf32, #tpu.memory_space<vmem>>, vector<50x256xf32>
    %dot_general3A_331 = arith.constant dense<0.000000e+00> : vector<256x509xf32>
    %dot_general3A_332 = tpu.matmul %get3A_330, %get3A_327, %dot_general3A_331 {dimension_numbers = #tpu.dot_dimension_numbers<[0], [1], [1], [0], [0, 1, 1, 0], [], []>, transpose_lhs_hint = false} : vector<50x256xf32>, vector<509x50xf32>, vector<256x509xf32> -> vector<256x509xf32>
    %add3A_333 = arith.addf %get3A_3, %dot_general3A_332 : vector<256x509xf32>
    %gt3A_334 = arith.constant 0.000000e+00 : f32
    %gt3A_335 = vector.broadcast %gt3A_334 : f32 to vector<256x509xf32>
    %gt3A_336 = arith.cmpf ogt, %add3A_333, %gt3A_335 : vector<256x509xf32>
    %exp3A_337 = math.exp %add3A_333 : vector<256x509xf32>
    %sub3A_338 = arith.constant 1.000000e+00 : f32
    %sub3A_339 = vector.broadcast %sub3A_338 : f32 to vector<256x509xf32>
    %sub3A_340 = arith.subf %exp3A_337, %sub3A_339 : vector<256x509xf32>
    %select_n3A_341 = arith.select %gt3A_336, %add3A_333, %sub3A_340 : vector<256x509xi1>, vector<256x509xf32>
    %get3A_342 = arith.constant 0 : index
    %get3A_343 = arith.constant 0 : index
    %get3A_344 = vector.load %arg12[%get3A_342, %get3A_343] : memref<256x2xf32, #tpu.memory_space<vmem>>, vector<256x2xf32>
    %dot_general3A_345 = arith.constant dense<0.000000e+00> : vector<2x509xf32>
    %dot_general3A_346 = tpu.matmul %get3A_344, %select_n3A_341, %dot_general3A_345 {dimension_numbers = #tpu.dot_dimension_numbers<[0], [0], [1], [1], [0, 1, 1, 1], [], []>, transpose_lhs_hint = false} : vector<256x2xf32>, vector<256x509xf32>, vector<2x509xf32> -> vector<2x509xf32>
    %get3A_347 = arith.constant 0 : index
    %get3A_348 = arith.constant 0 : index
    %get3A_349 = vector.load %arg13[%get3A_347, %get3A_348] : memref<2x1xf32, #tpu.memory_space<vmem>>, vector<2x1xf32>
    %add3A_350 = vector.broadcast %get3A_349 : vector<2x1xf32> to vector<2x509xf32>
    %add3A_351 = arith.addf %dot_general3A_346, %add3A_350 : vector<2x509xf32>
    %slice3A_352 = vector.extract_strided_slice %add3A_351 {offsets = [0, 0], sizes = [1, 509], strides = [1, 1]} : vector<2x509xf32> to vector<1x509xf32>
    %slice3A_353 = vector.extract_strided_slice %add3A_351 {offsets = [1, 0], sizes = [1, 509], strides = [1, 1]} : vector<2x509xf32> to vector<1x509xf32>
    %max3A_354 = arith.constant -3.000000e+00 : f32
    %max3A_355 = vector.broadcast %max3A_354 : f32 to vector<1x509xf32>
    %max3A_356 = arith.maximumf %slice3A_353, %max3A_355 : vector<1x509xf32>
    %get3A_357 = arith.constant 0 : index
    %get3A_358 = arith.constant 0 : index
    %get3A_359 = vector.load %arg18[%get3A_357, %get3A_358] : memref<1x509xf32, #tpu.memory_space<vmem>>, vector<1x509xf32>
    %sub3A_360 = arith.subf %get3A_359, %slice3A_352 : vector<1x509xf32>
    %add3A_361 = arith.constant 2.000000e+00 : f32
    %add3A_362 = vector.broadcast %add3A_361 : f32 to vector<1x509xf32>
    %add3A_363 = arith.addf %sub3A_360, %add3A_362 : vector<1x509xf32>
    %neg3A_364 = arith.constant 0.000000e+00 : f32
    %neg3A_365 = vector.broadcast %neg3A_364 : f32 to vector<1x509xf32>
    %neg3A_366 = arith.subf %neg3A_365, %max3A_356 : vector<1x509xf32>
    %exp3A_367 = math.exp %neg3A_366 : vector<1x509xf32>
    %mul3A_368 = arith.mulf %add3A_363, %exp3A_367 : vector<1x509xf32>
    %mul3A_369 = arith.mulf %mul3A_368, %mul3A_368 : vector<1x509xf32>
    %add3A_370 = arith.constant 1.83787704 : f32
    %add3A_371 = vector.broadcast %add3A_370 : f32 to vector<1x509xf32>
    %add3A_372 = arith.addf %add3A_371, %mul3A_369 : vector<1x509xf32>
    %reduce_sum3A_373 = vector.shape_cast %add3A_372 : vector<1x509xf32> to vector<1x1x509xf32>
    %reduce_sum3A_374 = arith.constant dense<0.000000e+00> : vector<1xf32>
    %reduce_sum3A_375 = vector.multi_reduction <add>, %reduce_sum3A_373, %reduce_sum3A_374 [1, 2] : vector<1x1x509xf32> to vector<1xf32>
    %reduce_sum3A_376 = vector.shape_cast %reduce_sum3A_375 : vector<1xf32> to vector<1x1x1xf32>
    %reduce_sum3A_377 = vector.extract %reduce_sum3A_376[0, 0, 0] : f32 from vector<1x1x1xf32>
    %mul3A_378 = arith.constant -5.000000e-01 : f32
    %mul3A_379 = arith.mulf %mul3A_378, %reduce_sum3A_377 : f32
    %reduce_sum3A_380 = vector.shape_cast %max3A_356 : vector<1x509xf32> to vector<1x1x509xf32>
    %reduce_sum3A_381 = arith.constant dense<0.000000e+00> : vector<1xf32>
    %reduce_sum3A_382 = vector.multi_reduction <add>, %reduce_sum3A_380, %reduce_sum3A_381 [1, 2] : vector<1x1x509xf32> to vector<1xf32>
    %reduce_sum3A_383 = vector.shape_cast %reduce_sum3A_382 : vector<1xf32> to vector<1x1x1xf32>
    %reduce_sum3A_384 = vector.extract %reduce_sum3A_383[0, 0, 0] : f32 from vector<1x1x1xf32>
    %sub3A_385 = arith.subf %mul3A_379, %reduce_sum3A_384 : f32
    %broadcast_in_dim3A_386 = vector.broadcast %sub3A_385 : f32 to vector<1x1x1x128xf32>
    %get3A_387 = arith.constant 0 : index
    %get3A_388 = arith.constant 6 : index
    %get3A_389 = arith.constant 0 : index
    %get3A_390 = arith.constant 0 : index
    %get3A_391 = vector.load %arg10[%get3A_387, %get3A_388, %get3A_389, %get3A_390] : memref<1x32x509x50xf32, #tpu.memory_space<vmem>>, vector<1x1x509x50xf32>
    %get3A_392 = vector.shape_cast %get3A_391 : vector<1x1x509x50xf32> to vector<509x50xf32>
    %get3A_393 = arith.constant 0 : index
    %get3A_394 = arith.constant 0 : index
    %get3A_395 = vector.load %arg11[%get3A_393, %get3A_394] : memref<50x256xf32, #tpu.memory_space<vmem>>, vector<50x256xf32>
    %dot_general3A_396 = arith.constant dense<0.000000e+00> : vector<256x509xf32>
    %dot_general3A_397 = tpu.matmul %get3A_395, %get3A_392, %dot_general3A_396 {dimension_numbers = #tpu.dot_dimension_numbers<[0], [1], [1], [0], [0, 1, 1, 0], [], []>, transpose_lhs_hint = false} : vector<50x256xf32>, vector<509x50xf32>, vector<256x509xf32> -> vector<256x509xf32>
    %add3A_398 = arith.addf %get3A_3, %dot_general3A_397 : vector<256x509xf32>
    %gt3A_399 = arith.constant 0.000000e+00 : f32
    %gt3A_400 = vector.broadcast %gt3A_399 : f32 to vector<256x509xf32>
    %gt3A_401 = arith.cmpf ogt, %add3A_398, %gt3A_400 : vector<256x509xf32>
    %exp3A_402 = math.exp %add3A_398 : vector<256x509xf32>
    %sub3A_403 = arith.constant 1.000000e+00 : f32
    %sub3A_404 = vector.broadcast %sub3A_403 : f32 to vector<256x509xf32>
    %sub3A_405 = arith.subf %exp3A_402, %sub3A_404 : vector<256x509xf32>
    %select_n3A_406 = arith.select %gt3A_401, %add3A_398, %sub3A_405 : vector<256x509xi1>, vector<256x509xf32>
    %get3A_407 = arith.constant 0 : index
    %get3A_408 = arith.constant 0 : index
    %get3A_409 = vector.load %arg12[%get3A_407, %get3A_408] : memref<256x2xf32, #tpu.memory_space<vmem>>, vector<256x2xf32>
    %dot_general3A_410 = arith.constant dense<0.000000e+00> : vector<2x509xf32>
    %dot_general3A_411 = tpu.matmul %get3A_409, %select_n3A_406, %dot_general3A_410 {dimension_numbers = #tpu.dot_dimension_numbers<[0], [0], [1], [1], [0, 1, 1, 1], [], []>, transpose_lhs_hint = false} : vector<256x2xf32>, vector<256x509xf32>, vector<2x509xf32> -> vector<2x509xf32>
    %get3A_412 = arith.constant 0 : index
    %get3A_413 = arith.constant 0 : index
    %get3A_414 = vector.load %arg13[%get3A_412, %get3A_413] : memref<2x1xf32, #tpu.memory_space<vmem>>, vector<2x1xf32>
    %add3A_415 = vector.broadcast %get3A_414 : vector<2x1xf32> to vector<2x509xf32>
    %add3A_416 = arith.addf %dot_general3A_411, %add3A_415 : vector<2x509xf32>
    %slice3A_417 = vector.extract_strided_slice %add3A_416 {offsets = [0, 0], sizes = [1, 509], strides = [1, 1]} : vector<2x509xf32> to vector<1x509xf32>
    %slice3A_418 = vector.extract_strided_slice %add3A_416 {offsets = [1, 0], sizes = [1, 509], strides = [1, 1]} : vector<2x509xf32> to vector<1x509xf32>
    %max3A_419 = arith.constant -3.000000e+00 : f32
    %max3A_420 = vector.broadcast %max3A_419 : f32 to vector<1x509xf32>
    %max3A_421 = arith.maximumf %slice3A_418, %max3A_420 : vector<1x509xf32>
    %get3A_422 = arith.constant 0 : index
    %get3A_423 = arith.constant 0 : index
    %get3A_424 = vector.load %arg18[%get3A_422, %get3A_423] : memref<1x509xf32, #tpu.memory_space<vmem>>, vector<1x509xf32>
    %sub3A_425 = arith.subf %get3A_424, %slice3A_417 : vector<1x509xf32>
    %add3A_426 = arith.constant 2.000000e+00 : f32
    %add3A_427 = vector.broadcast %add3A_426 : f32 to vector<1x509xf32>
    %add3A_428 = arith.addf %sub3A_425, %add3A_427 : vector<1x509xf32>
    %neg3A_429 = arith.constant 0.000000e+00 : f32
    %neg3A_430 = vector.broadcast %neg3A_429 : f32 to vector<1x509xf32>
    %neg3A_431 = arith.subf %neg3A_430, %max3A_421 : vector<1x509xf32>
    %exp3A_432 = math.exp %neg3A_431 : vector<1x509xf32>
    %mul3A_433 = arith.mulf %add3A_428, %exp3A_432 : vector<1x509xf32>
    %mul3A_434 = arith.mulf %mul3A_433, %mul3A_433 : vector<1x509xf32>
    %add3A_435 = arith.constant 1.83787704 : f32
    %add3A_436 = vector.broadcast %add3A_435 : f32 to vector<1x509xf32>
    %add3A_437 = arith.addf %add3A_436, %mul3A_434 : vector<1x509xf32>
    %reduce_sum3A_438 = vector.shape_cast %add3A_437 : vector<1x509xf32> to vector<1x1x509xf32>
    %reduce_sum3A_439 = arith.constant dense<0.000000e+00> : vector<1xf32>
    %reduce_sum3A_440 = vector.multi_reduction <add>, %reduce_sum3A_438, %reduce_sum3A_439 [1, 2] : vector<1x1x509xf32> to vector<1xf32>
    %reduce_sum3A_441 = vector.shape_cast %reduce_sum3A_440 : vector<1xf32> to vector<1x1x1xf32>
    %reduce_sum3A_442 = vector.extract %reduce_sum3A_441[0, 0, 0] : f32 from vector<1x1x1xf32>
    %mul3A_443 = arith.constant -5.000000e-01 : f32
    %mul3A_444 = arith.mulf %mul3A_443, %reduce_sum3A_442 : f32
    %reduce_sum3A_445 = vector.shape_cast %max3A_421 : vector<1x509xf32> to vector<1x1x509xf32>
    %reduce_sum3A_446 = arith.constant dense<0.000000e+00> : vector<1xf32>
    %reduce_sum3A_447 = vector.multi_reduction <add>, %reduce_sum3A_445, %reduce_sum3A_446 [1, 2] : vector<1x1x509xf32> to vector<1xf32>
    %reduce_sum3A_448 = vector.shape_cast %reduce_sum3A_447 : vector<1xf32> to vector<1x1x1xf32>
    %reduce_sum3A_449 = vector.extract %reduce_sum3A_448[0, 0, 0] : f32 from vector<1x1x1xf32>
    %sub3A_450 = arith.subf %mul3A_444, %reduce_sum3A_449 : f32
    %broadcast_in_dim3A_451 = vector.broadcast %sub3A_450 : f32 to vector<1x1x1x128xf32>
    %get3A_452 = arith.constant 0 : index
    %get3A_453 = arith.constant 7 : index
    %get3A_454 = arith.constant 0 : index
    %get3A_455 = arith.constant 0 : index
    %get3A_456 = vector.load %arg10[%get3A_452, %get3A_453, %get3A_454, %get3A_455] : memref<1x32x509x50xf32, #tpu.memory_space<vmem>>, vector<1x1x509x50xf32>
    %get3A_457 = vector.shape_cast %get3A_456 : vector<1x1x509x50xf32> to vector<509x50xf32>
    %get3A_458 = arith.constant 0 : index
    %get3A_459 = arith.constant 0 : index
    %get3A_460 = vector.load %arg11[%get3A_458, %get3A_459] : memref<50x256xf32, #tpu.memory_space<vmem>>, vector<50x256xf32>
    %dot_general3A_461 = arith.constant dense<0.000000e+00> : vector<256x509xf32>
    %dot_general3A_462 = tpu.matmul %get3A_460, %get3A_457, %dot_general3A_461 {dimension_numbers = #tpu.dot_dimension_numbers<[0], [1], [1], [0], [0, 1, 1, 0], [], []>, transpose_lhs_hint = false} : vector<50x256xf32>, vector<509x50xf32>, vector<256x509xf32> -> vector<256x509xf32>
    %add3A_463 = arith.addf %get3A_3, %dot_general3A_462 : vector<256x509xf32>
    %gt3A_464 = arith.constant 0.000000e+00 : f32
    %gt3A_465 = vector.broadcast %gt3A_464 : f32 to vector<256x509xf32>
    %gt3A_466 = arith.cmpf ogt, %add3A_463, %gt3A_465 : vector<256x509xf32>
    %exp3A_467 = math.exp %add3A_463 : vector<256x509xf32>
    %sub3A_468 = arith.constant 1.000000e+00 : f32
    %sub3A_469 = vector.broadcast %sub3A_468 : f32 to vector<256x509xf32>
    %sub3A_470 = arith.subf %exp3A_467, %sub3A_469 : vector<256x509xf32>
    %select_n3A_471 = arith.select %gt3A_466, %add3A_463, %sub3A_470 : vector<256x509xi1>, vector<256x509xf32>
    %get3A_472 = arith.constant 0 : index
    %get3A_473 = arith.constant 0 : index
    %get3A_474 = vector.load %arg12[%get3A_472, %get3A_473] : memref<256x2xf32, #tpu.memory_space<vmem>>, vector<256x2xf32>
    %dot_general3A_475 = arith.constant dense<0.000000e+00> : vector<2x509xf32>
    %dot_general3A_476 = tpu.matmul %get3A_474, %select_n3A_471, %dot_general3A_475 {dimension_numbers = #tpu.dot_dimension_numbers<[0], [0], [1], [1], [0, 1, 1, 1], [], []>, transpose_lhs_hint = false} : vector<256x2xf32>, vector<256x509xf32>, vector<2x509xf32> -> vector<2x509xf32>
    %get3A_477 = arith.constant 0 : index
    %get3A_478 = arith.constant 0 : index
    %get3A_479 = vector.load %arg13[%get3A_477, %get3A_478] : memref<2x1xf32, #tpu.memory_space<vmem>>, vector<2x1xf32>
    %add3A_480 = vector.broadcast %get3A_479 : vector<2x1xf32> to vector<2x509xf32>
    %add3A_481 = arith.addf %dot_general3A_476, %add3A_480 : vector<2x509xf32>
    %slice3A_482 = vector.extract_strided_slice %add3A_481 {offsets = [0, 0], sizes = [1, 509], strides = [1, 1]} : vector<2x509xf32> to vector<1x509xf32>
    %slice3A_483 = vector.extract_strided_slice %add3A_481 {offsets = [1, 0], sizes = [1, 509], strides = [1, 1]} : vector<2x509xf32> to vector<1x509xf32>
    %max3A_484 = arith.constant -3.000000e+00 : f32
    %max3A_485 = vector.broadcast %max3A_484 : f32 to vector<1x509xf32>
    %max3A_486 = arith.maximumf %slice3A_483, %max3A_485 : vector<1x509xf32>
    %get3A_487 = arith.constant 0 : index
    %get3A_488 = arith.constant 0 : index
    %get3A_489 = vector.load %arg18[%get3A_487, %get3A_488] : memref<1x509xf32, #tpu.memory_space<vmem>>, vector<1x509xf32>
    %sub3A_490 = arith.subf %get3A_489, %slice3A_482 : vector<1x509xf32>
    %add3A_491 = arith.constant 2.000000e+00 : f32
    %add3A_492 = vector.broadcast %add3A_491 : f32 to vector<1x509xf32>
    %add3A_493 = arith.addf %sub3A_490, %add3A_492 : vector<1x509xf32>
    %neg3A_494 = arith.constant 0.000000e+00 : f32
    %neg3A_495 = vector.broadcast %neg3A_494 : f32 to vector<1x509xf32>
    %neg3A_496 = arith.subf %neg3A_495, %max3A_486 : vector<1x509xf32>
    %exp3A_497 = math.exp %neg3A_496 : vector<1x509xf32>
    %mul3A_498 = arith.mulf %add3A_493, %exp3A_497 : vector<1x509xf32>
    %mul3A_499 = arith.mulf %mul3A_498, %mul3A_498 : vector<1x509xf32>
    %add3A_500 = arith.constant 1.83787704 : f32
    %add3A_501 = vector.broadcast %add3A_500 : f32 to vector<1x509xf32>
    %add3A_502 = arith.addf %add3A_501, %mul3A_499 : vector<1x509xf32>
    %reduce_sum3A_503 = vector.shape_cast %add3A_502 : vector<1x509xf32> to vector<1x1x509xf32>
    %reduce_sum3A_504 = arith.constant dense<0.000000e+00> : vector<1xf32>
    %reduce_sum3A_505 = vector.multi_reduction <add>, %reduce_sum3A_503, %reduce_sum3A_504 [1, 2] : vector<1x1x509xf32> to vector<1xf32>
    %reduce_sum3A_506 = vector.shape_cast %reduce_sum3A_505 : vector<1xf32> to vector<1x1x1xf32>
    %reduce_sum3A_507 = vector.extract %reduce_sum3A_506[0, 0, 0] : f32 from vector<1x1x1xf32>
    %mul3A_508 = arith.constant -5.000000e-01 : f32
    %mul3A_509 = arith.mulf %mul3A_508, %reduce_sum3A_507 : f32
    %reduce_sum3A_510 = vector.shape_cast %max3A_486 : vector<1x509xf32> to vector<1x1x509xf32>
    %reduce_sum3A_511 = arith.constant dense<0.000000e+00> : vector<1xf32>
    %reduce_sum3A_512 = vector.multi_reduction <add>, %reduce_sum3A_510, %reduce_sum3A_511 [1, 2] : vector<1x1x509xf32> to vector<1xf32>
    %reduce_sum3A_513 = vector.shape_cast %reduce_sum3A_512 : vector<1xf32> to vector<1x1x1xf32>
    %reduce_sum3A_514 = vector.extract %reduce_sum3A_513[0, 0, 0] : f32 from vector<1x1x1xf32>
    %sub3A_515 = arith.subf %mul3A_509, %reduce_sum3A_514 : f32
    %broadcast_in_dim3A_516 = vector.broadcast %sub3A_515 : f32 to vector<1x1x1x128xf32>
    %get3A_517 = arith.constant 0 : index
    %get3A_518 = arith.constant 8 : index
    %get3A_519 = arith.constant 0 : index
    %get3A_520 = arith.constant 0 : index
    %get3A_521 = vector.load %arg10[%get3A_517, %get3A_518, %get3A_519, %get3A_520] : memref<1x32x509x50xf32, #tpu.memory_space<vmem>>, vector<1x1x509x50xf32>
    %get3A_522 = vector.shape_cast %get3A_521 : vector<1x1x509x50xf32> to vector<509x50xf32>
    %get3A_523 = arith.constant 0 : index
    %get3A_524 = arith.constant 0 : index
    %get3A_525 = vector.load %arg11[%get3A_523, %get3A_524] : memref<50x256xf32, #tpu.memory_space<vmem>>, vector<50x256xf32>
    %dot_general3A_526 = arith.constant dense<0.000000e+00> : vector<256x509xf32>
    %dot_general3A_527 = tpu.matmul %get3A_525, %get3A_522, %dot_general3A_526 {dimension_numbers = #tpu.dot_dimension_numbers<[0], [1], [1], [0], [0, 1, 1, 0], [], []>, transpose_lhs_hint = false} : vector<50x256xf32>, vector<509x50xf32>, vector<256x509xf32> -> vector<256x509xf32>
    %add3A_528 = arith.addf %get3A_3, %dot_general3A_527 : vector<256x509xf32>
    %gt3A_529 = arith.constant 0.000000e+00 : f32
    %gt3A_530 = vector.broadcast %gt3A_529 : f32 to vector<256x509xf32>
    %gt3A_531 = arith.cmpf ogt, %add3A_528, %gt3A_530 : vector<256x509xf32>
    %exp3A_532 = math.exp %add3A_528 : vector<256x509xf32>
    %sub3A_533 = arith.constant 1.000000e+00 : f32
    %sub3A_534 = vector.broadcast %sub3A_533 : f32 to vector<256x509xf32>
    %sub3A_535 = arith.subf %exp3A_532, %sub3A_534 : vector<256x509xf32>
    %select_n3A_536 = arith.select %gt3A_531, %add3A_528, %sub3A_535 : vector<256x509xi1>, vector<256x509xf32>
    %get3A_537 = arith.constant 0 : index
    %get3A_538 = arith.constant 0 : index
    %get3A_539 = vector.load %arg12[%get3A_537, %get3A_538] : memref<256x2xf32, #tpu.memory_space<vmem>>, vector<256x2xf32>
    %dot_general3A_540 = arith.constant dense<0.000000e+00> : vector<2x509xf32>
    %dot_general3A_541 = tpu.matmul %get3A_539, %select_n3A_536, %dot_general3A_540 {dimension_numbers = #tpu.dot_dimension_numbers<[0], [0], [1], [1], [0, 1, 1, 1], [], []>, transpose_lhs_hint = false} : vector<256x2xf32>, vector<256x509xf32>, vector<2x509xf32> -> vector<2x509xf32>
    %get3A_542 = arith.constant 0 : index
    %get3A_543 = arith.constant 0 : index
    %get3A_544 = vector.load %arg13[%get3A_542, %get3A_543] : memref<2x1xf32, #tpu.memory_space<vmem>>, vector<2x1xf32>
    %add3A_545 = vector.broadcast %get3A_544 : vector<2x1xf32> to vector<2x509xf32>
    %add3A_546 = arith.addf %dot_general3A_541, %add3A_545 : vector<2x509xf32>
    %slice3A_547 = vector.extract_strided_slice %add3A_546 {offsets = [0, 0], sizes = [1, 509], strides = [1, 1]} : vector<2x509xf32> to vector<1x509xf32>
    %slice3A_548 = vector.extract_strided_slice %add3A_546 {offsets = [1, 0], sizes = [1, 509], strides = [1, 1]} : vector<2x509xf32> to vector<1x509xf32>
    %max3A_549 = arith.constant -3.000000e+00 : f32
    %max3A_550 = vector.broadcast %max3A_549 : f32 to vector<1x509xf32>
    %max3A_551 = arith.maximumf %slice3A_548, %max3A_550 : vector<1x509xf32>
    %get3A_552 = arith.constant 0 : index
    %get3A_553 = arith.constant 0 : index
    %get3A_554 = vector.load %arg18[%get3A_552, %get3A_553] : memref<1x509xf32, #tpu.memory_space<vmem>>, vector<1x509xf32>
    %sub3A_555 = arith.subf %get3A_554, %slice3A_547 : vector<1x509xf32>
    %add3A_556 = arith.constant 2.000000e+00 : f32
    %add3A_557 = vector.broadcast %add3A_556 : f32 to vector<1x509xf32>
    %add3A_558 = arith.addf %sub3A_555, %add3A_557 : vector<1x509xf32>
    %neg3A_559 = arith.constant 0.000000e+00 : f32
    %neg3A_560 = vector.broadcast %neg3A_559 : f32 to vector<1x509xf32>
    %neg3A_561 = arith.subf %neg3A_560, %max3A_551 : vector<1x509xf32>
    %exp3A_562 = math.exp %neg3A_561 : vector<1x509xf32>
    %mul3A_563 = arith.mulf %add3A_558, %exp3A_562 : vector<1x509xf32>
    %mul3A_564 = arith.mulf %mul3A_563, %mul3A_563 : vector<1x509xf32>
    %add3A_565 = arith.constant 1.83787704 : f32
    %add3A_566 = vector.broadcast %add3A_565 : f32 to vector<1x509xf32>
    %add3A_567 = arith.addf %add3A_566, %mul3A_564 : vector<1x509xf32>
    %reduce_sum3A_568 = vector.shape_cast %add3A_567 : vector<1x509xf32> to vector<1x1x509xf32>
    %reduce_sum3A_569 = arith.constant dense<0.000000e+00> : vector<1xf32>
    %reduce_sum3A_570 = vector.multi_reduction <add>, %reduce_sum3A_568, %reduce_sum3A_569 [1, 2] : vector<1x1x509xf32> to vector<1xf32>
    %reduce_sum3A_571 = vector.shape_cast %reduce_sum3A_570 : vector<1xf32> to vector<1x1x1xf32>
    %reduce_sum3A_572 = vector.extract %reduce_sum3A_571[0, 0, 0] : f32 from vector<1x1x1xf32>
    %mul3A_573 = arith.constant -5.000000e-01 : f32
    %mul3A_574 = arith.mulf %mul3A_573, %reduce_sum3A_572 : f32
    %reduce_sum3A_575 = vector.shape_cast %max3A_551 : vector<1x509xf32> to vector<1x1x509xf32>
    %reduce_sum3A_576 = arith.constant dense<0.000000e+00> : vector<1xf32>
    %reduce_sum3A_577 = vector.multi_reduction <add>, %reduce_sum3A_575, %reduce_sum3A_576 [1, 2] : vector<1x1x509xf32> to vector<1xf32>
    %reduce_sum3A_578 = vector.shape_cast %reduce_sum3A_577 : vector<1xf32> to vector<1x1x1xf32>
    %reduce_sum3A_579 = vector.extract %reduce_sum3A_578[0, 0, 0] : f32 from vector<1x1x1xf32>
    %sub3A_580 = arith.subf %mul3A_574, %reduce_sum3A_579 : f32
    %broadcast_in_dim3A_581 = vector.broadcast %sub3A_580 : f32 to vector<1x1x1x128xf32>
    %get3A_582 = arith.constant 0 : index
    %get3A_583 = arith.constant 9 : index
    %get3A_584 = arith.constant 0 : index
    %get3A_585 = arith.constant 0 : index
    %get3A_586 = vector.load %arg10[%get3A_582, %get3A_583, %get3A_584, %get3A_585] : memref<1x32x509x50xf32, #tpu.memory_space<vmem>>, vector<1x1x509x50xf32>
    %get3A_587 = vector.shape_cast %get3A_586 : vector<1x1x509x50xf32> to vector<509x50xf32>
    %get3A_588 = arith.constant 0 : index
    %get3A_589 = arith.constant 0 : index
    %get3A_590 = vector.load %arg11[%get3A_588, %get3A_589] : memref<50x256xf32, #tpu.memory_space<vmem>>, vector<50x256xf32>
    %dot_general3A_591 = arith.constant dense<0.000000e+00> : vector<256x509xf32>
    %dot_general3A_592 = tpu.matmul %get3A_590, %get3A_587, %dot_general3A_591 {dimension_numbers = #tpu.dot_dimension_numbers<[0], [1], [1], [0], [0, 1, 1, 0], [], []>, transpose_lhs_hint = false} : vector<50x256xf32>, vector<509x50xf32>, vector<256x509xf32> -> vector<256x509xf32>
    %add3A_593 = arith.addf %get3A_3, %dot_general3A_592 : vector<256x509xf32>
    %gt3A_594 = arith.constant 0.000000e+00 : f32
    %gt3A_595 = vector.broadcast %gt3A_594 : f32 to vector<256x509xf32>
    %gt3A_596 = arith.cmpf ogt, %add3A_593, %gt3A_595 : vector<256x509xf32>
    %exp3A_597 = math.exp %add3A_593 : vector<256x509xf32>
    %sub3A_598 = arith.constant 1.000000e+00 : f32
    %sub3A_599 = vector.broadcast %sub3A_598 : f32 to vector<256x509xf32>
    %sub3A_600 = arith.subf %exp3A_597, %sub3A_599 : vector<256x509xf32>
    %select_n3A_601 = arith.select %gt3A_596, %add3A_593, %sub3A_600 : vector<256x509xi1>, vector<256x509xf32>
    %get3A_602 = arith.constant 0 : index
    %get3A_603 = arith.constant 0 : index
    %get3A_604 = vector.load %arg12[%get3A_602, %get3A_603] : memref<256x2xf32, #tpu.memory_space<vmem>>, vector<256x2xf32>
    %dot_general3A_605 = arith.constant dense<0.000000e+00> : vector<2x509xf32>
    %dot_general3A_606 = tpu.matmul %get3A_604, %select_n3A_601, %dot_general3A_605 {dimension_numbers = #tpu.dot_dimension_numbers<[0], [0], [1], [1], [0, 1, 1, 1], [], []>, transpose_lhs_hint = false} : vector<256x2xf32>, vector<256x509xf32>, vector<2x509xf32> -> vector<2x509xf32>
    %get3A_607 = arith.constant 0 : index
    %get3A_608 = arith.constant 0 : index
    %get3A_609 = vector.load %arg13[%get3A_607, %get3A_608] : memref<2x1xf32, #tpu.memory_space<vmem>>, vector<2x1xf32>
    %add3A_610 = vector.broadcast %get3A_609 : vector<2x1xf32> to vector<2x509xf32>
    %add3A_611 = arith.addf %dot_general3A_606, %add3A_610 : vector<2x509xf32>
    %slice3A_612 = vector.extract_strided_slice %add3A_611 {offsets = [0, 0], sizes = [1, 509], strides = [1, 1]} : vector<2x509xf32> to vector<1x509xf32>
    %slice3A_613 = vector.extract_strided_slice %add3A_611 {offsets = [1, 0], sizes = [1, 509], strides = [1, 1]} : vector<2x509xf32> to vector<1x509xf32>
    %max3A_614 = arith.constant -3.000000e+00 : f32
    %max3A_615 = vector.broadcast %max3A_614 : f32 to vector<1x509xf32>
    %max3A_616 = arith.maximumf %slice3A_613, %max3A_615 : vector<1x509xf32>
    %get3A_617 = arith.constant 0 : index
    %get3A_618 = arith.constant 0 : index
    %get3A_619 = vector.load %arg18[%get3A_617, %get3A_618] : memref<1x509xf32, #tpu.memory_space<vmem>>, vector<1x509xf32>
    %sub3A_620 = arith.subf %get3A_619, %slice3A_612 : vector<1x509xf32>
    %add3A_621 = arith.constant 2.000000e+00 : f32
    %add3A_622 = vector.broadcast %add3A_621 : f32 to vector<1x509xf32>
    %add3A_623 = arith.addf %sub3A_620, %add3A_622 : vector<1x509xf32>
    %neg3A_624 = arith.constant 0.000000e+00 : f32
    %neg3A_625 = vector.broadcast %neg3A_624 : f32 to vector<1x509xf32>
    %neg3A_626 = arith.subf %neg3A_625, %max3A_616 : vector<1x509xf32>
    %exp3A_627 = math.exp %neg3A_626 : vector<1x509xf32>
    %mul3A_628 = arith.mulf %add3A_623, %exp3A_627 : vector<1x509xf32>
    %mul3A_629 = arith.mulf %mul3A_628, %mul3A_628 : vector<1x509xf32>
    %add3A_630 = arith.constant 1.83787704 : f32
    %add3A_631 = vector.broadcast %add3A_630 : f32 to vector<1x509xf32>
    %add3A_632 = arith.addf %add3A_631, %mul3A_629 : vector<1x509xf32>
    %reduce_sum3A_633 = vector.shape_cast %add3A_632 : vector<1x509xf32> to vector<1x1x509xf32>
    %reduce_sum3A_634 = arith.constant dense<0.000000e+00> : vector<1xf32>
    %reduce_sum3A_635 = vector.multi_reduction <add>, %reduce_sum3A_633, %reduce_sum3A_634 [1, 2] : vector<1x1x509xf32> to vector<1xf32>
    %reduce_sum3A_636 = vector.shape_cast %reduce_sum3A_635 : vector<1xf32> to vector<1x1x1xf32>
    %reduce_sum3A_637 = vector.extract %reduce_sum3A_636[0, 0, 0] : f32 from vector<1x1x1xf32>
    %mul3A_638 = arith.constant -5.000000e-01 : f32
    %mul3A_639 = arith.mulf %mul3A_638, %reduce_sum3A_637 : f32
    %reduce_sum3A_640 = vector.shape_cast %max3A_616 : vector<1x509xf32> to vector<1x1x509xf32>
    %reduce_sum3A_641 = arith.constant dense<0.000000e+00> : vector<1xf32>
    %reduce_sum3A_642 = vector.multi_reduction <add>, %reduce_sum3A_640, %reduce_sum3A_641 [1, 2] : vector<1x1x509xf32> to vector<1xf32>
    %reduce_sum3A_643 = vector.shape_cast %reduce_sum3A_642 : vector<1xf32> to vector<1x1x1xf32>
    %reduce_sum3A_644 = vector.extract %reduce_sum3A_643[0, 0, 0] : f32 from vector<1x1x1xf32>
    %sub3A_645 = arith.subf %mul3A_639, %reduce_sum3A_644 : f32
    %broadcast_in_dim3A_646 = vector.broadcast %sub3A_645 : f32 to vector<1x1x1x128xf32>
    %get3A_647 = arith.constant 0 : index
    %get3A_648 = arith.constant 10 : index
    %get3A_649 = arith.constant 0 : index
    %get3A_650 = arith.constant 0 : index
    %get3A_651 = vector.load %arg10[%get3A_647, %get3A_648, %get3A_649, %get3A_650] : memref<1x32x509x50xf32, #tpu.memory_space<vmem>>, vector<1x1x509x50xf32>
    %get3A_652 = vector.shape_cast %get3A_651 : vector<1x1x509x50xf32> to vector<509x50xf32>
    %get3A_653 = arith.constant 0 : index
    %get3A_654 = arith.constant 0 : index
    %get3A_655 = vector.load %arg11[%get3A_653, %get3A_654] : memref<50x256xf32, #tpu.memory_space<vmem>>, vector<50x256xf32>
    %dot_general3A_656 = arith.constant dense<0.000000e+00> : vector<256x509xf32>
    %dot_general3A_657 = tpu.matmul %get3A_655, %get3A_652, %dot_general3A_656 {dimension_numbers = #tpu.dot_dimension_numbers<[0], [1], [1], [0], [0, 1, 1, 0], [], []>, transpose_lhs_hint = false} : vector<50x256xf32>, vector<509x50xf32>, vector<256x509xf32> -> vector<256x509xf32>
    %add3A_658 = arith.addf %get3A_3, %dot_general3A_657 : vector<256x509xf32>
    %gt3A_659 = arith.constant 0.000000e+00 : f32
    %gt3A_660 = vector.broadcast %gt3A_659 : f32 to vector<256x509xf32>
    %gt3A_661 = arith.cmpf ogt, %add3A_658, %gt3A_660 : vector<256x509xf32>
    %exp3A_662 = math.exp %add3A_658 : vector<256x509xf32>
    %sub3A_663 = arith.constant 1.000000e+00 : f32
    %sub3A_664 = vector.broadcast %sub3A_663 : f32 to vector<256x509xf32>
    %sub3A_665 = arith.subf %exp3A_662, %sub3A_664 : vector<256x509xf32>
    %select_n3A_666 = arith.select %gt3A_661, %add3A_658, %sub3A_665 : vector<256x509xi1>, vector<256x509xf32>
    %get3A_667 = arith.constant 0 : index
    %get3A_668 = arith.constant 0 : index
    %get3A_669 = vector.load %arg12[%get3A_667, %get3A_668] : memref<256x2xf32, #tpu.memory_space<vmem>>, vector<256x2xf32>
    %dot_general3A_670 = arith.constant dense<0.000000e+00> : vector<2x509xf32>
    %dot_general3A_671 = tpu.matmul %get3A_669, %select_n3A_666, %dot_general3A_670 {dimension_numbers = #tpu.dot_dimension_numbers<[0], [0], [1], [1], [0, 1, 1, 1], [], []>, transpose_lhs_hint = false} : vector<256x2xf32>, vector<256x509xf32>, vector<2x509xf32> -> vector<2x509xf32>
    %get3A_672 = arith.constant 0 : index
    %get3A_673 = arith.constant 0 : index
    %get3A_674 = vector.load %arg13[%get3A_672, %get3A_673] : memref<2x1xf32, #tpu.memory_space<vmem>>, vector<2x1xf32>
    %add3A_675 = vector.broadcast %get3A_674 : vector<2x1xf32> to vector<2x509xf32>
    %add3A_676 = arith.addf %dot_general3A_671, %add3A_675 : vector<2x509xf32>
    %slice3A_677 = vector.extract_strided_slice %add3A_676 {offsets = [0, 0], sizes = [1, 509], strides = [1, 1]} : vector<2x509xf32> to vector<1x509xf32>
    %slice3A_678 = vector.extract_strided_slice %add3A_676 {offsets = [1, 0], sizes = [1, 509], strides = [1, 1]} : vector<2x509xf32> to vector<1x509xf32>
    %max3A_679 = arith.constant -3.000000e+00 : f32
    %max3A_680 = vector.broadcast %max3A_679 : f32 to vector<1x509xf32>
    %max3A_681 = arith.maximumf %slice3A_678, %max3A_680 : vector<1x509xf32>
    %get3A_682 = arith.constant 0 : index
    %get3A_683 = arith.constant 0 : index
    %get3A_684 = vector.load %arg18[%get3A_682, %get3A_683] : memref<1x509xf32, #tpu.memory_space<vmem>>, vector<1x509xf32>
    %sub3A_685 = arith.subf %get3A_684, %slice3A_677 : vector<1x509xf32>
    %add3A_686 = arith.constant 2.000000e+00 : f32
    %add3A_687 = vector.broadcast %add3A_686 : f32 to vector<1x509xf32>
    %add3A_688 = arith.addf %sub3A_685, %add3A_687 : vector<1x509xf32>
    %neg3A_689 = arith.constant 0.000000e+00 : f32
    %neg3A_690 = vector.broadcast %neg3A_689 : f32 to vector<1x509xf32>
    %neg3A_691 = arith.subf %neg3A_690, %max3A_681 : vector<1x509xf32>
    %exp3A_692 = math.exp %neg3A_691 : vector<1x509xf32>
    %mul3A_693 = arith.mulf %add3A_688, %exp3A_692 : vector<1x509xf32>
    %mul3A_694 = arith.mulf %mul3A_693, %mul3A_693 : vector<1x509xf32>
    %add3A_695 = arith.constant 1.83787704 : f32
    %add3A_696 = vector.broadcast %add3A_695 : f32 to vector<1x509xf32>
    %add3A_697 = arith.addf %add3A_696, %mul3A_694 : vector<1x509xf32>
    %reduce_sum3A_698 = vector.shape_cast %add3A_697 : vector<1x509xf32> to vector<1x1x509xf32>
    %reduce_sum3A_699 = arith.constant dense<0.000000e+00> : vector<1xf32>
    %reduce_sum3A_700 = vector.multi_reduction <add>, %reduce_sum3A_698, %reduce_sum3A_699 [1, 2] : vector<1x1x509xf32> to vector<1xf32>
    %reduce_sum3A_701 = vector.shape_cast %reduce_sum3A_700 : vector<1xf32> to vector<1x1x1xf32>
    %reduce_sum3A_702 = vector.extract %reduce_sum3A_701[0, 0, 0] : f32 from vector<1x1x1xf32>
    %mul3A_703 = arith.constant -5.000000e-01 : f32
    %mul3A_704 = arith.mulf %mul3A_703, %reduce_sum3A_702 : f32
    %reduce_sum3A_705 = vector.shape_cast %max3A_681 : vector<1x509xf32> to vector<1x1x509xf32>
    %reduce_sum3A_706 = arith.constant dense<0.000000e+00> : vector<1xf32>
    %reduce_sum3A_707 = vector.multi_reduction <add>, %reduce_sum3A_705, %reduce_sum3A_706 [1, 2] : vector<1x1x509xf32> to vector<1xf32>
    %reduce_sum3A_708 = vector.shape_cast %reduce_sum3A_707 : vector<1xf32> to vector<1x1x1xf32>
    %reduce_sum3A_709 = vector.extract %reduce_sum3A_708[0, 0, 0] : f32 from vector<1x1x1xf32>
    %sub3A_710 = arith.subf %mul3A_704, %reduce_sum3A_709 : f32
    %broadcast_in_dim3A_711 = vector.broadcast %sub3A_710 : f32 to vector<1x1x1x128xf32>
    %get3A_712 = arith.constant 0 : index
    %get3A_713 = arith.constant 11 : index
    %get3A_714 = arith.constant 0 : index
    %get3A_715 = arith.constant 0 : index
    %get3A_716 = vector.load %arg10[%get3A_712, %get3A_713, %get3A_714, %get3A_715] : memref<1x32x509x50xf32, #tpu.memory_space<vmem>>, vector<1x1x509x50xf32>
    %get3A_717 = vector.shape_cast %get3A_716 : vector<1x1x509x50xf32> to vector<509x50xf32>
    %get3A_718 = arith.constant 0 : index
    %get3A_719 = arith.constant 0 : index
    %get3A_720 = vector.load %arg11[%get3A_718, %get3A_719] : memref<50x256xf32, #tpu.memory_space<vmem>>, vector<50x256xf32>
    %dot_general3A_721 = arith.constant dense<0.000000e+00> : vector<256x509xf32>
    %dot_general3A_722 = tpu.matmul %get3A_720, %get3A_717, %dot_general3A_721 {dimension_numbers = #tpu.dot_dimension_numbers<[0], [1], [1], [0], [0, 1, 1, 0], [], []>, transpose_lhs_hint = false} : vector<50x256xf32>, vector<509x50xf32>, vector<256x509xf32> -> vector<256x509xf32>
    %add3A_723 = arith.addf %get3A_3, %dot_general3A_722 : vector<256x509xf32>
    %gt3A_724 = arith.constant 0.000000e+00 : f32
    %gt3A_725 = vector.broadcast %gt3A_724 : f32 to vector<256x509xf32>
    %gt3A_726 = arith.cmpf ogt, %add3A_723, %gt3A_725 : vector<256x509xf32>
    %exp3A_727 = math.exp %add3A_723 : vector<256x509xf32>
    %sub3A_728 = arith.constant 1.000000e+00 : f32
    %sub3A_729 = vector.broadcast %sub3A_728 : f32 to vector<256x509xf32>
    %sub3A_730 = arith.subf %exp3A_727, %sub3A_729 : vector<256x509xf32>
    %select_n3A_731 = arith.select %gt3A_726, %add3A_723, %sub3A_730 : vector<256x509xi1>, vector<256x509xf32>
    %get3A_732 = arith.constant 0 : index
    %get3A_733 = arith.constant 0 : index
    %get3A_734 = vector.load %arg12[%get3A_732, %get3A_733] : memref<256x2xf32, #tpu.memory_space<vmem>>, vector<256x2xf32>
    %dot_general3A_735 = arith.constant dense<0.000000e+00> : vector<2x509xf32>
    %dot_general3A_736 = tpu.matmul %get3A_734, %select_n3A_731, %dot_general3A_735 {dimension_numbers = #tpu.dot_dimension_numbers<[0], [0], [1], [1], [0, 1, 1, 1], [], []>, transpose_lhs_hint = false} : vector<256x2xf32>, vector<256x509xf32>, vector<2x509xf32> -> vector<2x509xf32>
    %get3A_737 = arith.constant 0 : index
    %get3A_738 = arith.constant 0 : index
    %get3A_739 = vector.load %arg13[%get3A_737, %get3A_738] : memref<2x1xf32, #tpu.memory_space<vmem>>, vector<2x1xf32>
    %add3A_740 = vector.broadcast %get3A_739 : vector<2x1xf32> to vector<2x509xf32>
    %add3A_741 = arith.addf %dot_general3A_736, %add3A_740 : vector<2x509xf32>
    %slice3A_742 = vector.extract_strided_slice %add3A_741 {offsets = [0, 0], sizes = [1, 509], strides = [1, 1]} : vector<2x509xf32> to vector<1x509xf32>
    %slice3A_743 = vector.extract_strided_slice %add3A_741 {offsets = [1, 0], sizes = [1, 509], strides = [1, 1]} : vector<2x509xf32> to vector<1x509xf32>
    %max3A_744 = arith.constant -3.000000e+00 : f32
    %max3A_745 = vector.broadcast %max3A_744 : f32 to vector<1x509xf32>
    %max3A_746 = arith.maximumf %slice3A_743, %max3A_745 : vector<1x509xf32>
    %get3A_747 = arith.constant 0 : index
    %get3A_748 = arith.constant 0 : index
    %get3A_749 = vector.load %arg18[%get3A_747, %get3A_748] : memref<1x509xf32, #tpu.memory_space<vmem>>, vector<1x509xf32>
    %sub3A_750 = arith.subf %get3A_749, %slice3A_742 : vector<1x509xf32>
    %add3A_751 = arith.constant 2.000000e+00 : f32
    %add3A_752 = vector.broadcast %add3A_751 : f32 to vector<1x509xf32>
    %add3A_753 = arith.addf %sub3A_750, %add3A_752 : vector<1x509xf32>
    %neg3A_754 = arith.constant 0.000000e+00 : f32
    %neg3A_755 = vector.broadcast %neg3A_754 : f32 to vector<1x509xf32>
    %neg3A_756 = arith.subf %neg3A_755, %max3A_746 : vector<1x509xf32>
    %exp3A_757 = math.exp %neg3A_756 : vector<1x509xf32>
    %mul3A_758 = arith.mulf %add3A_753, %exp3A_757 : vector<1x509xf32>
    %mul3A_759 = arith.mulf %mul3A_758, %mul3A_758 : vector<1x509xf32>
    %add3A_760 = arith.constant 1.83787704 : f32
    %add3A_761 = vector.broadcast %add3A_760 : f32 to vector<1x509xf32>
    %add3A_762 = arith.addf %add3A_761, %mul3A_759 : vector<1x509xf32>
    %reduce_sum3A_763 = vector.shape_cast %add3A_762 : vector<1x509xf32> to vector<1x1x509xf32>
    %reduce_sum3A_764 = arith.constant dense<0.000000e+00> : vector<1xf32>
    %reduce_sum3A_765 = vector.multi_reduction <add>, %reduce_sum3A_763, %reduce_sum3A_764 [1, 2] : vector<1x1x509xf32> to vector<1xf32>
    %reduce_sum3A_766 = vector.shape_cast %reduce_sum3A_765 : vector<1xf32> to vector<1x1x1xf32>
    %reduce_sum3A_767 = vector.extract %reduce_sum3A_766[0, 0, 0] : f32 from vector<1x1x1xf32>
    %mul3A_768 = arith.constant -5.000000e-01 : f32
    %mul3A_769 = arith.mulf %mul3A_768, %reduce_sum3A_767 : f32
    %reduce_sum3A_770 = vector.shape_cast %max3A_746 : vector<1x509xf32> to vector<1x1x509xf32>
    %reduce_sum3A_771 = arith.constant dense<0.000000e+00> : vector<1xf32>
    %reduce_sum3A_772 = vector.multi_reduction <add>, %reduce_sum3A_770, %reduce_sum3A_771 [1, 2] : vector<1x1x509xf32> to vector<1xf32>
    %reduce_sum3A_773 = vector.shape_cast %reduce_sum3A_772 : vector<1xf32> to vector<1x1x1xf32>
    %reduce_sum3A_774 = vector.extract %reduce_sum3A_773[0, 0, 0] : f32 from vector<1x1x1xf32>
    %sub3A_775 = arith.subf %mul3A_769, %reduce_sum3A_774 : f32
    %broadcast_in_dim3A_776 = vector.broadcast %sub3A_775 : f32 to vector<1x1x1x128xf32>
    %get3A_777 = arith.constant 0 : index
    %get3A_778 = arith.constant 12 : index
    %get3A_779 = arith.constant 0 : index
    %get3A_780 = arith.constant 0 : index
    %get3A_781 = vector.load %arg10[%get3A_777, %get3A_778, %get3A_779, %get3A_780] : memref<1x32x509x50xf32, #tpu.memory_space<vmem>>, vector<1x1x509x50xf32>
    %get3A_782 = vector.shape_cast %get3A_781 : vector<1x1x509x50xf32> to vector<509x50xf32>
    %get3A_783 = arith.constant 0 : index
    %get3A_784 = arith.constant 0 : index
    %get3A_785 = vector.load %arg11[%get3A_783, %get3A_784] : memref<50x256xf32, #tpu.memory_space<vmem>>, vector<50x256xf32>
    %dot_general3A_786 = arith.constant dense<0.000000e+00> : vector<256x509xf32>
    %dot_general3A_787 = tpu.matmul %get3A_785, %get3A_782, %dot_general3A_786 {dimension_numbers = #tpu.dot_dimension_numbers<[0], [1], [1], [0], [0, 1, 1, 0], [], []>, transpose_lhs_hint = false} : vector<50x256xf32>, vector<509x50xf32>, vector<256x509xf32> -> vector<256x509xf32>
    %add3A_788 = arith.addf %get3A_3, %dot_general3A_787 : vector<256x509xf32>
    %gt3A_789 = arith.constant 0.000000e+00 : f32
    %gt3A_790 = vector.broadcast %gt3A_789 : f32 to vector<256x509xf32>
    %gt3A_791 = arith.cmpf ogt, %add3A_788, %gt3A_790 : vector<256x509xf32>
    %exp3A_792 = math.exp %add3A_788 : vector<256x509xf32>
    %sub3A_793 = arith.constant 1.000000e+00 : f32
    %sub3A_794 = vector.broadcast %sub3A_793 : f32 to vector<256x509xf32>
    %sub3A_795 = arith.subf %exp3A_792, %sub3A_794 : vector<256x509xf32>
    %select_n3A_796 = arith.select %gt3A_791, %add3A_788, %sub3A_795 : vector<256x509xi1>, vector<256x509xf32>
    %get3A_797 = arith.constant 0 : index
    %get3A_798 = arith.constant 0 : index
    %get3A_799 = vector.load %arg12[%get3A_797, %get3A_798] : memref<256x2xf32, #tpu.memory_space<vmem>>, vector<256x2xf32>
    %dot_general3A_800 = arith.constant dense<0.000000e+00> : vector<2x509xf32>
    %dot_general3A_801 = tpu.matmul %get3A_799, %select_n3A_796, %dot_general3A_800 {dimension_numbers = #tpu.dot_dimension_numbers<[0], [0], [1], [1], [0, 1, 1, 1], [], []>, transpose_lhs_hint = false} : vector<256x2xf32>, vector<256x509xf32>, vector<2x509xf32> -> vector<2x509xf32>
    %get3A_802 = arith.constant 0 : index
    %get3A_803 = arith.constant 0 : index
    %get3A_804 = vector.load %arg13[%get3A_802, %get3A_803] : memref<2x1xf32, #tpu.memory_space<vmem>>, vector<2x1xf32>
    %add3A_805 = vector.broadcast %get3A_804 : vector<2x1xf32> to vector<2x509xf32>
    %add3A_806 = arith.addf %dot_general3A_801, %add3A_805 : vector<2x509xf32>
    %slice3A_807 = vector.extract_strided_slice %add3A_806 {offsets = [0, 0], sizes = [1, 509], strides = [1, 1]} : vector<2x509xf32> to vector<1x509xf32>
    %slice3A_808 = vector.extract_strided_slice %add3A_806 {offsets = [1, 0], sizes = [1, 509], strides = [1, 1]} : vector<2x509xf32> to vector<1x509xf32>
    %max3A_809 = arith.constant -3.000000e+00 : f32
    %max3A_810 = vector.broadcast %max3A_809 : f32 to vector<1x509xf32>
    %max3A_811 = arith.maximumf %slice3A_808, %max3A_810 : vector<1x509xf32>
    %get3A_812 = arith.constant 0 : index
    %get3A_813 = arith.constant 0 : index
    %get3A_814 = vector.load %arg18[%get3A_812, %get3A_813] : memref<1x509xf32, #tpu.memory_space<vmem>>, vector<1x509xf32>
    %sub3A_815 = arith.subf %get3A_814, %slice3A_807 : vector<1x509xf32>
    %add3A_816 = arith.constant 2.000000e+00 : f32
    %add3A_817 = vector.broadcast %add3A_816 : f32 to vector<1x509xf32>
    %add3A_818 = arith.addf %sub3A_815, %add3A_817 : vector<1x509xf32>
    %neg3A_819 = arith.constant 0.000000e+00 : f32
    %neg3A_820 = vector.broadcast %neg3A_819 : f32 to vector<1x509xf32>
    %neg3A_821 = arith.subf %neg3A_820, %max3A_811 : vector<1x509xf32>
    %exp3A_822 = math.exp %neg3A_821 : vector<1x509xf32>
    %mul3A_823 = arith.mulf %add3A_818, %exp3A_822 : vector<1x509xf32>
    %mul3A_824 = arith.mulf %mul3A_823, %mul3A_823 : vector<1x509xf32>
    %add3A_825 = arith.constant 1.83787704 : f32
    %add3A_826 = vector.broadcast %add3A_825 : f32 to vector<1x509xf32>
    %add3A_827 = arith.addf %add3A_826, %mul3A_824 : vector<1x509xf32>
    %reduce_sum3A_828 = vector.shape_cast %add3A_827 : vector<1x509xf32> to vector<1x1x509xf32>
    %reduce_sum3A_829 = arith.constant dense<0.000000e+00> : vector<1xf32>
    %reduce_sum3A_830 = vector.multi_reduction <add>, %reduce_sum3A_828, %reduce_sum3A_829 [1, 2] : vector<1x1x509xf32> to vector<1xf32>
    %reduce_sum3A_831 = vector.shape_cast %reduce_sum3A_830 : vector<1xf32> to vector<1x1x1xf32>
    %reduce_sum3A_832 = vector.extract %reduce_sum3A_831[0, 0, 0] : f32 from vector<1x1x1xf32>
    %mul3A_833 = arith.constant -5.000000e-01 : f32
    %mul3A_834 = arith.mulf %mul3A_833, %reduce_sum3A_832 : f32
    %reduce_sum3A_835 = vector.shape_cast %max3A_811 : vector<1x509xf32> to vector<1x1x509xf32>
    %reduce_sum3A_836 = arith.constant dense<0.000000e+00> : vector<1xf32>
    %reduce_sum3A_837 = vector.multi_reduction <add>, %reduce_sum3A_835, %reduce_sum3A_836 [1, 2] : vector<1x1x509xf32> to vector<1xf32>
    %reduce_sum3A_838 = vector.shape_cast %reduce_sum3A_837 : vector<1xf32> to vector<1x1x1xf32>
    %reduce_sum3A_839 = vector.extract %reduce_sum3A_838[0, 0, 0] : f32 from vector<1x1x1xf32>
    %sub3A_840 = arith.subf %mul3A_834, %reduce_sum3A_839 : f32
    %broadcast_in_dim3A_841 = vector.broadcast %sub3A_840 : f32 to vector<1x1x1x128xf32>
    %get3A_842 = arith.constant 0 : index
    %get3A_843 = arith.constant 13 : index
    %get3A_844 = arith.constant 0 : index
    %get3A_845 = arith.constant 0 : index
    %get3A_846 = vector.load %arg10[%get3A_842, %get3A_843, %get3A_844, %get3A_845] : memref<1x32x509x50xf32, #tpu.memory_space<vmem>>, vector<1x1x509x50xf32>
    %get3A_847 = vector.shape_cast %get3A_846 : vector<1x1x509x50xf32> to vector<509x50xf32>
    %get3A_848 = arith.constant 0 : index
    %get3A_849 = arith.constant 0 : index
    %get3A_850 = vector.load %arg11[%get3A_848, %get3A_849] : memref<50x256xf32, #tpu.memory_space<vmem>>, vector<50x256xf32>
    %dot_general3A_851 = arith.constant dense<0.000000e+00> : vector<256x509xf32>
    %dot_general3A_852 = tpu.matmul %get3A_850, %get3A_847, %dot_general3A_851 {dimension_numbers = #tpu.dot_dimension_numbers<[0], [1], [1], [0], [0, 1, 1, 0], [], []>, transpose_lhs_hint = false} : vector<50x256xf32>, vector<509x50xf32>, vector<256x509xf32> -> vector<256x509xf32>
    %add3A_853 = arith.addf %get3A_3, %dot_general3A_852 : vector<256x509xf32>
    %gt3A_854 = arith.constant 0.000000e+00 : f32
    %gt3A_855 = vector.broadcast %gt3A_854 : f32 to vector<256x509xf32>
    %gt3A_856 = arith.cmpf ogt, %add3A_853, %gt3A_855 : vector<256x509xf32>
    %exp3A_857 = math.exp %add3A_853 : vector<256x509xf32>
    %sub3A_858 = arith.constant 1.000000e+00 : f32
    %sub3A_859 = vector.broadcast %sub3A_858 : f32 to vector<256x509xf32>
    %sub3A_860 = arith.subf %exp3A_857, %sub3A_859 : vector<256x509xf32>
    %select_n3A_861 = arith.select %gt3A_856, %add3A_853, %sub3A_860 : vector<256x509xi1>, vector<256x509xf32>
    %get3A_862 = arith.constant 0 : index
    %get3A_863 = arith.constant 0 : index
    %get3A_864 = vector.load %arg12[%get3A_862, %get3A_863] : memref<256x2xf32, #tpu.memory_space<vmem>>, vector<256x2xf32>
    %dot_general3A_865 = arith.constant dense<0.000000e+00> : vector<2x509xf32>
    %dot_general3A_866 = tpu.matmul %get3A_864, %select_n3A_861, %dot_general3A_865 {dimension_numbers = #tpu.dot_dimension_numbers<[0], [0], [1], [1], [0, 1, 1, 1], [], []>, transpose_lhs_hint = false} : vector<256x2xf32>, vector<256x509xf32>, vector<2x509xf32> -> vector<2x509xf32>
    %get3A_867 = arith.constant 0 : index
    %get3A_868 = arith.constant 0 : index
    %get3A_869 = vector.load %arg13[%get3A_867, %get3A_868] : memref<2x1xf32, #tpu.memory_space<vmem>>, vector<2x1xf32>
    %add3A_870 = vector.broadcast %get3A_869 : vector<2x1xf32> to vector<2x509xf32>
    %add3A_871 = arith.addf %dot_general3A_866, %add3A_870 : vector<2x509xf32>
    %slice3A_872 = vector.extract_strided_slice %add3A_871 {offsets = [0, 0], sizes = [1, 509], strides = [1, 1]} : vector<2x509xf32> to vector<1x509xf32>
    %slice3A_873 = vector.extract_strided_slice %add3A_871 {offsets = [1, 0], sizes = [1, 509], strides = [1, 1]} : vector<2x509xf32> to vector<1x509xf32>
    %max3A_874 = arith.constant -3.000000e+00 : f32
    %max3A_875 = vector.broadcast %max3A_874 : f32 to vector<1x509xf32>
    %max3A_876 = arith.maximumf %slice3A_873, %max3A_875 : vector<1x509xf32>
    %get3A_877 = arith.constant 0 : index
    %get3A_878 = arith.constant 0 : index
    %get3A_879 = vector.load %arg18[%get3A_877, %get3A_878] : memref<1x509xf32, #tpu.memory_space<vmem>>, vector<1x509xf32>
    %sub3A_880 = arith.subf %get3A_879, %slice3A_872 : vector<1x509xf32>
    %add3A_881 = arith.constant 2.000000e+00 : f32
    %add3A_882 = vector.broadcast %add3A_881 : f32 to vector<1x509xf32>
    %add3A_883 = arith.addf %sub3A_880, %add3A_882 : vector<1x509xf32>
    %neg3A_884 = arith.constant 0.000000e+00 : f32
    %neg3A_885 = vector.broadcast %neg3A_884 : f32 to vector<1x509xf32>
    %neg3A_886 = arith.subf %neg3A_885, %max3A_876 : vector<1x509xf32>
    %exp3A_887 = math.exp %neg3A_886 : vector<1x509xf32>
    %mul3A_888 = arith.mulf %add3A_883, %exp3A_887 : vector<1x509xf32>
    %mul3A_889 = arith.mulf %mul3A_888, %mul3A_888 : vector<1x509xf32>
    %add3A_890 = arith.constant 1.83787704 : f32
    %add3A_891 = vector.broadcast %add3A_890 : f32 to vector<1x509xf32>
    %add3A_892 = arith.addf %add3A_891, %mul3A_889 : vector<1x509xf32>
    %reduce_sum3A_893 = vector.shape_cast %add3A_892 : vector<1x509xf32> to vector<1x1x509xf32>
    %reduce_sum3A_894 = arith.constant dense<0.000000e+00> : vector<1xf32>
    %reduce_sum3A_895 = vector.multi_reduction <add>, %reduce_sum3A_893, %reduce_sum3A_894 [1, 2] : vector<1x1x509xf32> to vector<1xf32>
    %reduce_sum3A_896 = vector.shape_cast %reduce_sum3A_895 : vector<1xf32> to vector<1x1x1xf32>
    %reduce_sum3A_897 = vector.extract %reduce_sum3A_896[0, 0, 0] : f32 from vector<1x1x1xf32>
    %mul3A_898 = arith.constant -5.000000e-01 : f32
    %mul3A_899 = arith.mulf %mul3A_898, %reduce_sum3A_897 : f32
    %reduce_sum3A_900 = vector.shape_cast %max3A_876 : vector<1x509xf32> to vector<1x1x509xf32>
    %reduce_sum3A_901 = arith.constant dense<0.000000e+00> : vector<1xf32>
    %reduce_sum3A_902 = vector.multi_reduction <add>, %reduce_sum3A_900, %reduce_sum3A_901 [1, 2] : vector<1x1x509xf32> to vector<1xf32>
    %reduce_sum3A_903 = vector.shape_cast %reduce_sum3A_902 : vector<1xf32> to vector<1x1x1xf32>
    %reduce_sum3A_904 = vector.extract %reduce_sum3A_903[0, 0, 0] : f32 from vector<1x1x1xf32>
    %sub3A_905 = arith.subf %mul3A_899, %reduce_sum3A_904 : f32
    %broadcast_in_dim3A_906 = vector.broadcast %sub3A_905 : f32 to vector<1x1x1x128xf32>
    %get3A_907 = arith.constant 0 : index
    %get3A_908 = arith.constant 14 : index
    %get3A_909 = arith.constant 0 : index
    %get3A_910 = arith.constant 0 : index
    %get3A_911 = vector.load %arg10[%get3A_907, %get3A_908, %get3A_909, %get3A_910] : memref<1x32x509x50xf32, #tpu.memory_space<vmem>>, vector<1x1x509x50xf32>
    %get3A_912 = vector.shape_cast %get3A_911 : vector<1x1x509x50xf32> to vector<509x50xf32>
    %get3A_913 = arith.constant 0 : index
    %get3A_914 = arith.constant 0 : index
    %get3A_915 = vector.load %arg11[%get3A_913, %get3A_914] : memref<50x256xf32, #tpu.memory_space<vmem>>, vector<50x256xf32>
    %dot_general3A_916 = arith.constant dense<0.000000e+00> : vector<256x509xf32>
    %dot_general3A_917 = tpu.matmul %get3A_915, %get3A_912, %dot_general3A_916 {dimension_numbers = #tpu.dot_dimension_numbers<[0], [1], [1], [0], [0, 1, 1, 0], [], []>, transpose_lhs_hint = false} : vector<50x256xf32>, vector<509x50xf32>, vector<256x509xf32> -> vector<256x509xf32>
    %add3A_918 = arith.addf %get3A_3, %dot_general3A_917 : vector<256x509xf32>
    %gt3A_919 = arith.constant 0.000000e+00 : f32
    %gt3A_920 = vector.broadcast %gt3A_919 : f32 to vector<256x509xf32>
    %gt3A_921 = arith.cmpf ogt, %add3A_918, %gt3A_920 : vector<256x509xf32>
    %exp3A_922 = math.exp %add3A_918 : vector<256x509xf32>
    %sub3A_923 = arith.constant 1.000000e+00 : f32
    %sub3A_924 = vector.broadcast %sub3A_923 : f32 to vector<256x509xf32>
    %sub3A_925 = arith.subf %exp3A_922, %sub3A_924 : vector<256x509xf32>
    %select_n3A_926 = arith.select %gt3A_921, %add3A_918, %sub3A_925 : vector<256x509xi1>, vector<256x509xf32>
    %get3A_927 = arith.constant 0 : index
    %get3A_928 = arith.constant 0 : index
    %get3A_929 = vector.load %arg12[%get3A_927, %get3A_928] : memref<256x2xf32, #tpu.memory_space<vmem>>, vector<256x2xf32>
    %dot_general3A_930 = arith.constant dense<0.000000e+00> : vector<2x509xf32>
    %dot_general3A_931 = tpu.matmul %get3A_929, %select_n3A_926, %dot_general3A_930 {dimension_numbers = #tpu.dot_dimension_numbers<[0], [0], [1], [1], [0, 1, 1, 1], [], []>, transpose_lhs_hint = false} : vector<256x2xf32>, vector<256x509xf32>, vector<2x509xf32> -> vector<2x509xf32>
    %get3A_932 = arith.constant 0 : index
    %get3A_933 = arith.constant 0 : index
    %get3A_934 = vector.load %arg13[%get3A_932, %get3A_933] : memref<2x1xf32, #tpu.memory_space<vmem>>, vector<2x1xf32>
    %add3A_935 = vector.broadcast %get3A_934 : vector<2x1xf32> to vector<2x509xf32>
    %add3A_936 = arith.addf %dot_general3A_931, %add3A_935 : vector<2x509xf32>
    %slice3A_937 = vector.extract_strided_slice %add3A_936 {offsets = [0, 0], sizes = [1, 509], strides = [1, 1]} : vector<2x509xf32> to vector<1x509xf32>
    %slice3A_938 = vector.extract_strided_slice %add3A_936 {offsets = [1, 0], sizes = [1, 509], strides = [1, 1]} : vector<2x509xf32> to vector<1x509xf32>
    %max3A_939 = arith.constant -3.000000e+00 : f32
    %max3A_940 = vector.broadcast %max3A_939 : f32 to vector<1x509xf32>
    %max3A_941 = arith.maximumf %slice3A_938, %max3A_940 : vector<1x509xf32>
    %get3A_942 = arith.constant 0 : index
    %get3A_943 = arith.constant 0 : index
    %get3A_944 = vector.load %arg18[%get3A_942, %get3A_943] : memref<1x509xf32, #tpu.memory_space<vmem>>, vector<1x509xf32>
    %sub3A_945 = arith.subf %get3A_944, %slice3A_937 : vector<1x509xf32>
    %add3A_946 = arith.constant 2.000000e+00 : f32
    %add3A_947 = vector.broadcast %add3A_946 : f32 to vector<1x509xf32>
    %add3A_948 = arith.addf %sub3A_945, %add3A_947 : vector<1x509xf32>
    %neg3A_949 = arith.constant 0.000000e+00 : f32
    %neg3A_950 = vector.broadcast %neg3A_949 : f32 to vector<1x509xf32>
    %neg3A_951 = arith.subf %neg3A_950, %max3A_941 : vector<1x509xf32>
    %exp3A_952 = math.exp %neg3A_951 : vector<1x509xf32>
    %mul3A_953 = arith.mulf %add3A_948, %exp3A_952 : vector<1x509xf32>
    %mul3A_954 = arith.mulf %mul3A_953, %mul3A_953 : vector<1x509xf32>
    %add3A_955 = arith.constant 1.83787704 : f32
    %add3A_956 = vector.broadcast %add3A_955 : f32 to vector<1x509xf32>
    %add3A_957 = arith.addf %add3A_956, %mul3A_954 : vector<1x509xf32>
    %reduce_sum3A_958 = vector.shape_cast %add3A_957 : vector<1x509xf32> to vector<1x1x509xf32>
    %reduce_sum3A_959 = arith.constant dense<0.000000e+00> : vector<1xf32>
    %reduce_sum3A_960 = vector.multi_reduction <add>, %reduce_sum3A_958, %reduce_sum3A_959 [1, 2] : vector<1x1x509xf32> to vector<1xf32>
    %reduce_sum3A_961 = vector.shape_cast %reduce_sum3A_960 : vector<1xf32> to vector<1x1x1xf32>
    %reduce_sum3A_962 = vector.extract %reduce_sum3A_961[0, 0, 0] : f32 from vector<1x1x1xf32>
    %mul3A_963 = arith.constant -5.000000e-01 : f32
    %mul3A_964 = arith.mulf %mul3A_963, %reduce_sum3A_962 : f32
    %reduce_sum3A_965 = vector.shape_cast %max3A_941 : vector<1x509xf32> to vector<1x1x509xf32>
    %reduce_sum3A_966 = arith.constant dense<0.000000e+00> : vector<1xf32>
    %reduce_sum3A_967 = vector.multi_reduction <add>, %reduce_sum3A_965, %reduce_sum3A_966 [1, 2] : vector<1x1x509xf32> to vector<1xf32>
    %reduce_sum3A_968 = vector.shape_cast %reduce_sum3A_967 : vector<1xf32> to vector<1x1x1xf32>
    %reduce_sum3A_969 = vector.extract %reduce_sum3A_968[0, 0, 0] : f32 from vector<1x1x1xf32>
    %sub3A_970 = arith.subf %mul3A_964, %reduce_sum3A_969 : f32
    %broadcast_in_dim3A_971 = vector.broadcast %sub3A_970 : f32 to vector<1x1x1x128xf32>
    %get3A_972 = arith.constant 0 : index
    %get3A_973 = arith.constant 15 : index
    %get3A_974 = arith.constant 0 : index
    %get3A_975 = arith.constant 0 : index
    %get3A_976 = vector.load %arg10[%get3A_972, %get3A_973, %get3A_974, %get3A_975] : memref<1x32x509x50xf32, #tpu.memory_space<vmem>>, vector<1x1x509x50xf32>
    %get3A_977 = vector.shape_cast %get3A_976 : vector<1x1x509x50xf32> to vector<509x50xf32>
    %get3A_978 = arith.constant 0 : index
    %get3A_979 = arith.constant 0 : index
    %get3A_980 = vector.load %arg11[%get3A_978, %get3A_979] : memref<50x256xf32, #tpu.memory_space<vmem>>, vector<50x256xf32>
    %dot_general3A_981 = arith.constant dense<0.000000e+00> : vector<256x509xf32>
    %dot_general3A_982 = tpu.matmul %get3A_980, %get3A_977, %dot_general3A_981 {dimension_numbers = #tpu.dot_dimension_numbers<[0], [1], [1], [0], [0, 1, 1, 0], [], []>, transpose_lhs_hint = false} : vector<50x256xf32>, vector<509x50xf32>, vector<256x509xf32> -> vector<256x509xf32>
    %add3A_983 = arith.addf %get3A_3, %dot_general3A_982 : vector<256x509xf32>
    %gt3A_984 = arith.constant 0.000000e+00 : f32
    %gt3A_985 = vector.broadcast %gt3A_984 : f32 to vector<256x509xf32>
    %gt3A_986 = arith.cmpf ogt, %add3A_983, %gt3A_985 : vector<256x509xf32>
    %exp3A_987 = math.exp %add3A_983 : vector<256x509xf32>
    %sub3A_988 = arith.constant 1.000000e+00 : f32
    %sub3A_989 = vector.broadcast %sub3A_988 : f32 to vector<256x509xf32>
    %sub3A_990 = arith.subf %exp3A_987, %sub3A_989 : vector<256x509xf32>
    %select_n3A_991 = arith.select %gt3A_986, %add3A_983, %sub3A_990 : vector<256x509xi1>, vector<256x509xf32>
    %get3A_992 = arith.constant 0 : index
    %get3A_993 = arith.constant 0 : index
    %get3A_994 = vector.load %arg12[%get3A_992, %get3A_993] : memref<256x2xf32, #tpu.memory_space<vmem>>, vector<256x2xf32>
    %dot_general3A_995 = arith.constant dense<0.000000e+00> : vector<2x509xf32>
    %dot_general3A_996 = tpu.matmul %get3A_994, %select_n3A_991, %dot_general3A_995 {dimension_numbers = #tpu.dot_dimension_numbers<[0], [0], [1], [1], [0, 1, 1, 1], [], []>, transpose_lhs_hint = false} : vector<256x2xf32>, vector<256x509xf32>, vector<2x509xf32> -> vector<2x509xf32>
    %get3A_997 = arith.constant 0 : index
    %get3A_998 = arith.constant 0 : index
    %get3A_999 = vector.load %arg13[%get3A_997, %get3A_998] : memref<2x1xf32, #tpu.memory_space<vmem>>, vector<2x1xf32>
    %add3A_1000 = vector.broadcast %get3A_999 : vector<2x1xf32> to vector<2x509xf32>
    %add3A_1001 = arith.addf %dot_general3A_996, %add3A_1000 : vector<2x509xf32>
    %slice3A_1002 = vector.extract_strided_slice %add3A_1001 {offsets = [0, 0], sizes = [1, 509], strides = [1, 1]} : vector<2x509xf32> to vector<1x509xf32>
    %slice3A_1003 = vector.extract_strided_slice %add3A_1001 {offsets = [1, 0], sizes = [1, 509], strides = [1, 1]} : vector<2x509xf32> to vector<1x509xf32>
    %max3A_1004 = arith.constant -3.000000e+00 : f32
    %max3A_1005 = vector.broadcast %max3A_1004 : f32 to vector<1x509xf32>
    %max3A_1006 = arith.maximumf %slice3A_1003, %max3A_1005 : vector<1x509xf32>
    %get3A_1007 = arith.constant 0 : index
    %get3A_1008 = arith.constant 0 : index
    %get3A_1009 = vector.load %arg18[%get3A_1007, %get3A_1008] : memref<1x509xf32, #tpu.memory_space<vmem>>, vector<1x509xf32>
    %sub3A_1010 = arith.subf %get3A_1009, %slice3A_1002 : vector<1x509xf32>
    %add3A_1011 = arith.constant 2.000000e+00 : f32
    %add3A_1012 = vector.broadcast %add3A_1011 : f32 to vector<1x509xf32>
    %add3A_1013 = arith.addf %sub3A_1010, %add3A_1012 : vector<1x509xf32>
    %neg3A_1014 = arith.constant 0.000000e+00 : f32
    %neg3A_1015 = vector.broadcast %neg3A_1014 : f32 to vector<1x509xf32>
    %neg3A_1016 = arith.subf %neg3A_1015, %max3A_1006 : vector<1x509xf32>
    %exp3A_1017 = math.exp %neg3A_1016 : vector<1x509xf32>
    %mul3A_1018 = arith.mulf %add3A_1013, %exp3A_1017 : vector<1x509xf32>
    %mul3A_1019 = arith.mulf %mul3A_1018, %mul3A_1018 : vector<1x509xf32>
    %add3A_1020 = arith.constant 1.83787704 : f32
    %add3A_1021 = vector.broadcast %add3A_1020 : f32 to vector<1x509xf32>
    %add3A_1022 = arith.addf %add3A_1021, %mul3A_1019 : vector<1x509xf32>
    %reduce_sum3A_1023 = vector.shape_cast %add3A_1022 : vector<1x509xf32> to vector<1x1x509xf32>
    %reduce_sum3A_1024 = arith.constant dense<0.000000e+00> : vector<1xf32>
    %reduce_sum3A_1025 = vector.multi_reduction <add>, %reduce_sum3A_1023, %reduce_sum3A_1024 [1, 2] : vector<1x1x509xf32> to vector<1xf32>
    %reduce_sum3A_1026 = vector.shape_cast %reduce_sum3A_1025 : vector<1xf32> to vector<1x1x1xf32>
    %reduce_sum3A_1027 = vector.extract %reduce_sum3A_1026[0, 0, 0] : f32 from vector<1x1x1xf32>
    %mul3A_1028 = arith.constant -5.000000e-01 : f32
    %mul3A_1029 = arith.mulf %mul3A_1028, %reduce_sum3A_1027 : f32
    %reduce_sum3A_1030 = vector.shape_cast %max3A_1006 : vector<1x509xf32> to vector<1x1x509xf32>
    %reduce_sum3A_1031 = arith.constant dense<0.000000e+00> : vector<1xf32>
    %reduce_sum3A_1032 = vector.multi_reduction <add>, %reduce_sum3A_1030, %reduce_sum3A_1031 [1, 2] : vector<1x1x509xf32> to vector<1xf32>
    %reduce_sum3A_1033 = vector.shape_cast %reduce_sum3A_1032 : vector<1xf32> to vector<1x1x1xf32>
    %reduce_sum3A_1034 = vector.extract %reduce_sum3A_1033[0, 0, 0] : f32 from vector<1x1x1xf32>
    %sub3A_1035 = arith.subf %mul3A_1029, %reduce_sum3A_1034 : f32
    %broadcast_in_dim3A_1036 = vector.broadcast %sub3A_1035 : f32 to vector<1x1x1x128xf32>
    %get3A_1037 = arith.constant 0 : index
    %get3A_1038 = arith.constant 16 : index
    %get3A_1039 = arith.constant 0 : index
    %get3A_1040 = arith.constant 0 : index
    %get3A_1041 = vector.load %arg10[%get3A_1037, %get3A_1038, %get3A_1039, %get3A_1040] : memref<1x32x509x50xf32, #tpu.memory_space<vmem>>, vector<1x1x509x50xf32>
    %get3A_1042 = vector.shape_cast %get3A_1041 : vector<1x1x509x50xf32> to vector<509x50xf32>
    %get3A_1043 = arith.constant 0 : index
    %get3A_1044 = arith.constant 0 : index
    %get3A_1045 = vector.load %arg11[%get3A_1043, %get3A_1044] : memref<50x256xf32, #tpu.memory_space<vmem>>, vector<50x256xf32>
    %dot_general3A_1046 = arith.constant dense<0.000000e+00> : vector<256x509xf32>
    %dot_general3A_1047 = tpu.matmul %get3A_1045, %get3A_1042, %dot_general3A_1046 {dimension_numbers = #tpu.dot_dimension_numbers<[0], [1], [1], [0], [0, 1, 1, 0], [], []>, transpose_lhs_hint = false} : vector<50x256xf32>, vector<509x50xf32>, vector<256x509xf32> -> vector<256x509xf32>
    %add3A_1048 = arith.addf %get3A_3, %dot_general3A_1047 : vector<256x509xf32>
    %gt3A_1049 = arith.constant 0.000000e+00 : f32
    %gt3A_1050 = vector.broadcast %gt3A_1049 : f32 to vector<256x509xf32>
    %gt3A_1051 = arith.cmpf ogt, %add3A_1048, %gt3A_1050 : vector<256x509xf32>
    %exp3A_1052 = math.exp %add3A_1048 : vector<256x509xf32>
    %sub3A_1053 = arith.constant 1.000000e+00 : f32
    %sub3A_1054 = vector.broadcast %sub3A_1053 : f32 to vector<256x509xf32>
    %sub3A_1055 = arith.subf %exp3A_1052, %sub3A_1054 : vector<256x509xf32>
    %select_n3A_1056 = arith.select %gt3A_1051, %add3A_1048, %sub3A_1055 : vector<256x509xi1>, vector<256x509xf32>
    %get3A_1057 = arith.constant 0 : index
    %get3A_1058 = arith.constant 0 : index
    %get3A_1059 = vector.load %arg12[%get3A_1057, %get3A_1058] : memref<256x2xf32, #tpu.memory_space<vmem>>, vector<256x2xf32>
    %dot_general3A_1060 = arith.constant dense<0.000000e+00> : vector<2x509xf32>
    %dot_general3A_1061 = tpu.matmul %get3A_1059, %select_n3A_1056, %dot_general3A_1060 {dimension_numbers = #tpu.dot_dimension_numbers<[0], [0], [1], [1], [0, 1, 1, 1], [], []>, transpose_lhs_hint = false} : vector<256x2xf32>, vector<256x509xf32>, vector<2x509xf32> -> vector<2x509xf32>
    %get3A_1062 = arith.constant 0 : index
    %get3A_1063 = arith.constant 0 : index
    %get3A_1064 = vector.load %arg13[%get3A_1062, %get3A_1063] : memref<2x1xf32, #tpu.memory_space<vmem>>, vector<2x1xf32>
    %add3A_1065 = vector.broadcast %get3A_1064 : vector<2x1xf32> to vector<2x509xf32>
    %add3A_1066 = arith.addf %dot_general3A_1061, %add3A_1065 : vector<2x509xf32>
    %slice3A_1067 = vector.extract_strided_slice %add3A_1066 {offsets = [0, 0], sizes = [1, 509], strides = [1, 1]} : vector<2x509xf32> to vector<1x509xf32>
    %slice3A_1068 = vector.extract_strided_slice %add3A_1066 {offsets = [1, 0], sizes = [1, 509], strides = [1, 1]} : vector<2x509xf32> to vector<1x509xf32>
    %max3A_1069 = arith.constant -3.000000e+00 : f32
    %max3A_1070 = vector.broadcast %max3A_1069 : f32 to vector<1x509xf32>
    %max3A_1071 = arith.maximumf %slice3A_1068, %max3A_1070 : vector<1x509xf32>
    %get3A_1072 = arith.constant 0 : index
    %get3A_1073 = arith.constant 0 : index
    %get3A_1074 = vector.load %arg18[%get3A_1072, %get3A_1073] : memref<1x509xf32, #tpu.memory_space<vmem>>, vector<1x509xf32>
    %sub3A_1075 = arith.subf %get3A_1074, %slice3A_1067 : vector<1x509xf32>
    %add3A_1076 = arith.constant 2.000000e+00 : f32
    %add3A_1077 = vector.broadcast %add3A_1076 : f32 to vector<1x509xf32>
    %add3A_1078 = arith.addf %sub3A_1075, %add3A_1077 : vector<1x509xf32>
    %neg3A_1079 = arith.constant 0.000000e+00 : f32
    %neg3A_1080 = vector.broadcast %neg3A_1079 : f32 to vector<1x509xf32>
    %neg3A_1081 = arith.subf %neg3A_1080, %max3A_1071 : vector<1x509xf32>
    %exp3A_1082 = math.exp %neg3A_1081 : vector<1x509xf32>
    %mul3A_1083 = arith.mulf %add3A_1078, %exp3A_1082 : vector<1x509xf32>
    %mul3A_1084 = arith.mulf %mul3A_1083, %mul3A_1083 : vector<1x509xf32>
    %add3A_1085 = arith.constant 1.83787704 : f32
    %add3A_1086 = vector.broadcast %add3A_1085 : f32 to vector<1x509xf32>
    %add3A_1087 = arith.addf %add3A_1086, %mul3A_1084 : vector<1x509xf32>
    %reduce_sum3A_1088 = vector.shape_cast %add3A_1087 : vector<1x509xf32> to vector<1x1x509xf32>
    %reduce_sum3A_1089 = arith.constant dense<0.000000e+00> : vector<1xf32>
    %reduce_sum3A_1090 = vector.multi_reduction <add>, %reduce_sum3A_1088, %reduce_sum3A_1089 [1, 2] : vector<1x1x509xf32> to vector<1xf32>
    %reduce_sum3A_1091 = vector.shape_cast %reduce_sum3A_1090 : vector<1xf32> to vector<1x1x1xf32>
    %reduce_sum3A_1092 = vector.extract %reduce_sum3A_1091[0, 0, 0] : f32 from vector<1x1x1xf32>
    %mul3A_1093 = arith.constant -5.000000e-01 : f32
    %mul3A_1094 = arith.mulf %mul3A_1093, %reduce_sum3A_1092 : f32
    %reduce_sum3A_1095 = vector.shape_cast %max3A_1071 : vector<1x509xf32> to vector<1x1x509xf32>
    %reduce_sum3A_1096 = arith.constant dense<0.000000e+00> : vector<1xf32>
    %reduce_sum3A_1097 = vector.multi_reduction <add>, %reduce_sum3A_1095, %reduce_sum3A_1096 [1, 2] : vector<1x1x509xf32> to vector<1xf32>
    %reduce_sum3A_1098 = vector.shape_cast %reduce_sum3A_1097 : vector<1xf32> to vector<1x1x1xf32>
    %reduce_sum3A_1099 = vector.extract %reduce_sum3A_1098[0, 0, 0] : f32 from vector<1x1x1xf32>
    %sub3A_1100 = arith.subf %mul3A_1094, %reduce_sum3A_1099 : f32
    %broadcast_in_dim3A_1101 = vector.broadcast %sub3A_1100 : f32 to vector<1x1x1x128xf32>
    %get3A_1102 = arith.constant 0 : index
    %get3A_1103 = arith.constant 17 : index
    %get3A_1104 = arith.constant 0 : index
    %get3A_1105 = arith.constant 0 : index
    %get3A_1106 = vector.load %arg10[%get3A_1102, %get3A_1103, %get3A_1104, %get3A_1105] : memref<1x32x509x50xf32, #tpu.memory_space<vmem>>, vector<1x1x509x50xf32>
    %get3A_1107 = vector.shape_cast %get3A_1106 : vector<1x1x509x50xf32> to vector<509x50xf32>
    %get3A_1108 = arith.constant 0 : index
    %get3A_1109 = arith.constant 0 : index
    %get3A_1110 = vector.load %arg11[%get3A_1108, %get3A_1109] : memref<50x256xf32, #tpu.memory_space<vmem>>, vector<50x256xf32>
    %dot_general3A_1111 = arith.constant dense<0.000000e+00> : vector<256x509xf32>
    %dot_general3A_1112 = tpu.matmul %get3A_1110, %get3A_1107, %dot_general3A_1111 {dimension_numbers = #tpu.dot_dimension_numbers<[0], [1], [1], [0], [0, 1, 1, 0], [], []>, transpose_lhs_hint = false} : vector<50x256xf32>, vector<509x50xf32>, vector<256x509xf32> -> vector<256x509xf32>
    %add3A_1113 = arith.addf %get3A_3, %dot_general3A_1112 : vector<256x509xf32>
    %gt3A_1114 = arith.constant 0.000000e+00 : f32
    %gt3A_1115 = vector.broadcast %gt3A_1114 : f32 to vector<256x509xf32>
    %gt3A_1116 = arith.cmpf ogt, %add3A_1113, %gt3A_1115 : vector<256x509xf32>
    %exp3A_1117 = math.exp %add3A_1113 : vector<256x509xf32>
    %sub3A_1118 = arith.constant 1.000000e+00 : f32
    %sub3A_1119 = vector.broadcast %sub3A_1118 : f32 to vector<256x509xf32>
    %sub3A_1120 = arith.subf %exp3A_1117, %sub3A_1119 : vector<256x509xf32>
    %select_n3A_1121 = arith.select %gt3A_1116, %add3A_1113, %sub3A_1120 : vector<256x509xi1>, vector<256x509xf32>
    %get3A_1122 = arith.constant 0 : index
    %get3A_1123 = arith.constant 0 : index
    %get3A_1124 = vector.load %arg12[%get3A_1122, %get3A_1123] : memref<256x2xf32, #tpu.memory_space<vmem>>, vector<256x2xf32>
    %dot_general3A_1125 = arith.constant dense<0.000000e+00> : vector<2x509xf32>
    %dot_general3A_1126 = tpu.matmul %get3A_1124, %select_n3A_1121, %dot_general3A_1125 {dimension_numbers = #tpu.dot_dimension_numbers<[0], [0], [1], [1], [0, 1, 1, 1], [], []>, transpose_lhs_hint = false} : vector<256x2xf32>, vector<256x509xf32>, vector<2x509xf32> -> vector<2x509xf32>
    %get3A_1127 = arith.constant 0 : index
    %get3A_1128 = arith.constant 0 : index
    %get3A_1129 = vector.load %arg13[%get3A_1127, %get3A_1128] : memref<2x1xf32, #tpu.memory_space<vmem>>, vector<2x1xf32>
    %add3A_1130 = vector.broadcast %get3A_1129 : vector<2x1xf32> to vector<2x509xf32>
    %add3A_1131 = arith.addf %dot_general3A_1126, %add3A_1130 : vector<2x509xf32>
    %slice3A_1132 = vector.extract_strided_slice %add3A_1131 {offsets = [0, 0], sizes = [1, 509], strides = [1, 1]} : vector<2x509xf32> to vector<1x509xf32>
    %slice3A_1133 = vector.extract_strided_slice %add3A_1131 {offsets = [1, 0], sizes = [1, 509], strides = [1, 1]} : vector<2x509xf32> to vector<1x509xf32>
    %max3A_1134 = arith.constant -3.000000e+00 : f32
    %max3A_1135 = vector.broadcast %max3A_1134 : f32 to vector<1x509xf32>
    %max3A_1136 = arith.maximumf %slice3A_1133, %max3A_1135 : vector<1x509xf32>
    %get3A_1137 = arith.constant 0 : index
    %get3A_1138 = arith.constant 0 : index
    %get3A_1139 = vector.load %arg18[%get3A_1137, %get3A_1138] : memref<1x509xf32, #tpu.memory_space<vmem>>, vector<1x509xf32>
    %sub3A_1140 = arith.subf %get3A_1139, %slice3A_1132 : vector<1x509xf32>
    %add3A_1141 = arith.constant 2.000000e+00 : f32
    %add3A_1142 = vector.broadcast %add3A_1141 : f32 to vector<1x509xf32>
    %add3A_1143 = arith.addf %sub3A_1140, %add3A_1142 : vector<1x509xf32>
    %neg3A_1144 = arith.constant 0.000000e+00 : f32
    %neg3A_1145 = vector.broadcast %neg3A_1144 : f32 to vector<1x509xf32>
    %neg3A_1146 = arith.subf %neg3A_1145, %max3A_1136 : vector<1x509xf32>
    %exp3A_1147 = math.exp %neg3A_1146 : vector<1x509xf32>
    %mul3A_1148 = arith.mulf %add3A_1143, %exp3A_1147 : vector<1x509xf32>
    %mul3A_1149 = arith.mulf %mul3A_1148, %mul3A_1148 : vector<1x509xf32>
    %add3A_1150 = arith.constant 1.83787704 : f32
    %add3A_1151 = vector.broadcast %add3A_1150 : f32 to vector<1x509xf32>
    %add3A_1152 = arith.addf %add3A_1151, %mul3A_1149 : vector<1x509xf32>
    %reduce_sum3A_1153 = vector.shape_cast %add3A_1152 : vector<1x509xf32> to vector<1x1x509xf32>
    %reduce_sum3A_1154 = arith.constant dense<0.000000e+00> : vector<1xf32>
    %reduce_sum3A_1155 = vector.multi_reduction <add>, %reduce_sum3A_1153, %reduce_sum3A_1154 [1, 2] : vector<1x1x509xf32> to vector<1xf32>
    %reduce_sum3A_1156 = vector.shape_cast %reduce_sum3A_1155 : vector<1xf32> to vector<1x1x1xf32>
    %reduce_sum3A_1157 = vector.extract %reduce_sum3A_1156[0, 0, 0] : f32 from vector<1x1x1xf32>
    %mul3A_1158 = arith.constant -5.000000e-01 : f32
    %mul3A_1159 = arith.mulf %mul3A_1158, %reduce_sum3A_1157 : f32
    %reduce_sum3A_1160 = vector.shape_cast %max3A_1136 : vector<1x509xf32> to vector<1x1x509xf32>
    %reduce_sum3A_1161 = arith.constant dense<0.000000e+00> : vector<1xf32>
    %reduce_sum3A_1162 = vector.multi_reduction <add>, %reduce_sum3A_1160, %reduce_sum3A_1161 [1, 2] : vector<1x1x509xf32> to vector<1xf32>
    %reduce_sum3A_1163 = vector.shape_cast %reduce_sum3A_1162 : vector<1xf32> to vector<1x1x1xf32>
    %reduce_sum3A_1164 = vector.extract %reduce_sum3A_1163[0, 0, 0] : f32 from vector<1x1x1xf32>
    %sub3A_1165 = arith.subf %mul3A_1159, %reduce_sum3A_1164 : f32
    %broadcast_in_dim3A_1166 = vector.broadcast %sub3A_1165 : f32 to vector<1x1x1x128xf32>
    %get3A_1167 = arith.constant 0 : index
    %get3A_1168 = arith.constant 18 : index
    %get3A_1169 = arith.constant 0 : index
    %get3A_1170 = arith.constant 0 : index
    %get3A_1171 = vector.load %arg10[%get3A_1167, %get3A_1168, %get3A_1169, %get3A_1170] : memref<1x32x509x50xf32, #tpu.memory_space<vmem>>, vector<1x1x509x50xf32>
    %get3A_1172 = vector.shape_cast %get3A_1171 : vector<1x1x509x50xf32> to vector<509x50xf32>
    %get3A_1173 = arith.constant 0 : index
    %get3A_1174 = arith.constant 0 : index
    %get3A_1175 = vector.load %arg11[%get3A_1173, %get3A_1174] : memref<50x256xf32, #tpu.memory_space<vmem>>, vector<50x256xf32>
    %dot_general3A_1176 = arith.constant dense<0.000000e+00> : vector<256x509xf32>
    %dot_general3A_1177 = tpu.matmul %get3A_1175, %get3A_1172, %dot_general3A_1176 {dimension_numbers = #tpu.dot_dimension_numbers<[0], [1], [1], [0], [0, 1, 1, 0], [], []>, transpose_lhs_hint = false} : vector<50x256xf32>, vector<509x50xf32>, vector<256x509xf32> -> vector<256x509xf32>
    %add3A_1178 = arith.addf %get3A_3, %dot_general3A_1177 : vector<256x509xf32>
    %gt3A_1179 = arith.constant 0.000000e+00 : f32
    %gt3A_1180 = vector.broadcast %gt3A_1179 : f32 to vector<256x509xf32>
    %gt3A_1181 = arith.cmpf ogt, %add3A_1178, %gt3A_1180 : vector<256x509xf32>
    %exp3A_1182 = math.exp %add3A_1178 : vector<256x509xf32>
    %sub3A_1183 = arith.constant 1.000000e+00 : f32
    %sub3A_1184 = vector.broadcast %sub3A_1183 : f32 to vector<256x509xf32>
    %sub3A_1185 = arith.subf %exp3A_1182, %sub3A_1184 : vector<256x509xf32>
    %select_n3A_1186 = arith.select %gt3A_1181, %add3A_1178, %sub3A_1185 : vector<256x509xi1>, vector<256x509xf32>
    %get3A_1187 = arith.constant 0 : index
    %get3A_1188 = arith.constant 0 : index
    %get3A_1189 = vector.load %arg12[%get3A_1187, %get3A_1188] : memref<256x2xf32, #tpu.memory_space<vmem>>, vector<256x2xf32>
    %dot_general3A_1190 = arith.constant dense<0.000000e+00> : vector<2x509xf32>
    %dot_general3A_1191 = tpu.matmul %get3A_1189, %select_n3A_1186, %dot_general3A_1190 {dimension_numbers = #tpu.dot_dimension_numbers<[0], [0], [1], [1], [0, 1, 1, 1], [], []>, transpose_lhs_hint = false} : vector<256x2xf32>, vector<256x509xf32>, vector<2x509xf32> -> vector<2x509xf32>
    %get3A_1192 = arith.constant 0 : index
    %get3A_1193 = arith.constant 0 : index
    %get3A_1194 = vector.load %arg13[%get3A_1192, %get3A_1193] : memref<2x1xf32, #tpu.memory_space<vmem>>, vector<2x1xf32>
    %add3A_1195 = vector.broadcast %get3A_1194 : vector<2x1xf32> to vector<2x509xf32>
    %add3A_1196 = arith.addf %dot_general3A_1191, %add3A_1195 : vector<2x509xf32>
    %slice3A_1197 = vector.extract_strided_slice %add3A_1196 {offsets = [0, 0], sizes = [1, 509], strides = [1, 1]} : vector<2x509xf32> to vector<1x509xf32>
    %slice3A_1198 = vector.extract_strided_slice %add3A_1196 {offsets = [1, 0], sizes = [1, 509], strides = [1, 1]} : vector<2x509xf32> to vector<1x509xf32>
    %max3A_1199 = arith.constant -3.000000e+00 : f32
    %max3A_1200 = vector.broadcast %max3A_1199 : f32 to vector<1x509xf32>
    %max3A_1201 = arith.maximumf %slice3A_1198, %max3A_1200 : vector<1x509xf32>
    %get3A_1202 = arith.constant 0 : index
    %get3A_1203 = arith.constant 0 : index
    %get3A_1204 = vector.load %arg18[%get3A_1202, %get3A_1203] : memref<1x509xf32, #tpu.memory_space<vmem>>, vector<1x509xf32>
    %sub3A_1205 = arith.subf %get3A_1204, %slice3A_1197 : vector<1x509xf32>
    %add3A_1206 = arith.constant 2.000000e+00 : f32
    %add3A_1207 = vector.broadcast %add3A_1206 : f32 to vector<1x509xf32>
    %add3A_1208 = arith.addf %sub3A_1205, %add3A_1207 : vector<1x509xf32>
    %neg3A_1209 = arith.constant 0.000000e+00 : f32
    %neg3A_1210 = vector.broadcast %neg3A_1209 : f32 to vector<1x509xf32>
    %neg3A_1211 = arith.subf %neg3A_1210, %max3A_1201 : vector<1x509xf32>
    %exp3A_1212 = math.exp %neg3A_1211 : vector<1x509xf32>
    %mul3A_1213 = arith.mulf %add3A_1208, %exp3A_1212 : vector<1x509xf32>
    %mul3A_1214 = arith.mulf %mul3A_1213, %mul3A_1213 : vector<1x509xf32>
    %add3A_1215 = arith.constant 1.83787704 : f32
    %add3A_1216 = vector.broadcast %add3A_1215 : f32 to vector<1x509xf32>
    %add3A_1217 = arith.addf %add3A_1216, %mul3A_1214 : vector<1x509xf32>
    %reduce_sum3A_1218 = vector.shape_cast %add3A_1217 : vector<1x509xf32> to vector<1x1x509xf32>
    %reduce_sum3A_1219 = arith.constant dense<0.000000e+00> : vector<1xf32>
    %reduce_sum3A_1220 = vector.multi_reduction <add>, %reduce_sum3A_1218, %reduce_sum3A_1219 [1, 2] : vector<1x1x509xf32> to vector<1xf32>
    %reduce_sum3A_1221 = vector.shape_cast %reduce_sum3A_1220 : vector<1xf32> to vector<1x1x1xf32>
    %reduce_sum3A_1222 = vector.extract %reduce_sum3A_1221[0, 0, 0] : f32 from vector<1x1x1xf32>
    %mul3A_1223 = arith.constant -5.000000e-01 : f32
    %mul3A_1224 = arith.mulf %mul3A_1223, %reduce_sum3A_1222 : f32
    %reduce_sum3A_1225 = vector.shape_cast %max3A_1201 : vector<1x509xf32> to vector<1x1x509xf32>
    %reduce_sum3A_1226 = arith.constant dense<0.000000e+00> : vector<1xf32>
    %reduce_sum3A_1227 = vector.multi_reduction <add>, %reduce_sum3A_1225, %reduce_sum3A_1226 [1, 2] : vector<1x1x509xf32> to vector<1xf32>
    %reduce_sum3A_1228 = vector.shape_cast %reduce_sum3A_1227 : vector<1xf32> to vector<1x1x1xf32>
    %reduce_sum3A_1229 = vector.extract %reduce_sum3A_1228[0, 0, 0] : f32 from vector<1x1x1xf32>
    %sub3A_1230 = arith.subf %mul3A_1224, %reduce_sum3A_1229 : f32
    %broadcast_in_dim3A_1231 = vector.broadcast %sub3A_1230 : f32 to vector<1x1x1x128xf32>
    %get3A_1232 = arith.constant 0 : index
    %get3A_1233 = arith.constant 19 : index
    %get3A_1234 = arith.constant 0 : index
    %get3A_1235 = arith.constant 0 : index
    %get3A_1236 = vector.load %arg10[%get3A_1232, %get3A_1233, %get3A_1234, %get3A_1235] : memref<1x32x509x50xf32, #tpu.memory_space<vmem>>, vector<1x1x509x50xf32>
    %get3A_1237 = vector.shape_cast %get3A_1236 : vector<1x1x509x50xf32> to vector<509x50xf32>
    %get3A_1238 = arith.constant 0 : index
    %get3A_1239 = arith.constant 0 : index
    %get3A_1240 = vector.load %arg11[%get3A_1238, %get3A_1239] : memref<50x256xf32, #tpu.memory_space<vmem>>, vector<50x256xf32>
    %dot_general3A_1241 = arith.constant dense<0.000000e+00> : vector<256x509xf32>
    %dot_general3A_1242 = tpu.matmul %get3A_1240, %get3A_1237, %dot_general3A_1241 {dimension_numbers = #tpu.dot_dimension_numbers<[0], [1], [1], [0], [0, 1, 1, 0], [], []>, transpose_lhs_hint = false} : vector<50x256xf32>, vector<509x50xf32>, vector<256x509xf32> -> vector<256x509xf32>
    %add3A_1243 = arith.addf %get3A_3, %dot_general3A_1242 : vector<256x509xf32>
    %gt3A_1244 = arith.constant 0.000000e+00 : f32
    %gt3A_1245 = vector.broadcast %gt3A_1244 : f32 to vector<256x509xf32>
    %gt3A_1246 = arith.cmpf ogt, %add3A_1243, %gt3A_1245 : vector<256x509xf32>
    %exp3A_1247 = math.exp %add3A_1243 : vector<256x509xf32>
    %sub3A_1248 = arith.constant 1.000000e+00 : f32
    %sub3A_1249 = vector.broadcast %sub3A_1248 : f32 to vector<256x509xf32>
    %sub3A_1250 = arith.subf %exp3A_1247, %sub3A_1249 : vector<256x509xf32>
    %select_n3A_1251 = arith.select %gt3A_1246, %add3A_1243, %sub3A_1250 : vector<256x509xi1>, vector<256x509xf32>
    %get3A_1252 = arith.constant 0 : index
    %get3A_1253 = arith.constant 0 : index
    %get3A_1254 = vector.load %arg12[%get3A_1252, %get3A_1253] : memref<256x2xf32, #tpu.memory_space<vmem>>, vector<256x2xf32>
    %dot_general3A_1255 = arith.constant dense<0.000000e+00> : vector<2x509xf32>
    %dot_general3A_1256 = tpu.matmul %get3A_1254, %select_n3A_1251, %dot_general3A_1255 {dimension_numbers = #tpu.dot_dimension_numbers<[0], [0], [1], [1], [0, 1, 1, 1], [], []>, transpose_lhs_hint = false} : vector<256x2xf32>, vector<256x509xf32>, vector<2x509xf32> -> vector<2x509xf32>
    %get3A_1257 = arith.constant 0 : index
    %get3A_1258 = arith.constant 0 : index
    %get3A_1259 = vector.load %arg13[%get3A_1257, %get3A_1258] : memref<2x1xf32, #tpu.memory_space<vmem>>, vector<2x1xf32>
    %add3A_1260 = vector.broadcast %get3A_1259 : vector<2x1xf32> to vector<2x509xf32>
    %add3A_1261 = arith.addf %dot_general3A_1256, %add3A_1260 : vector<2x509xf32>
    %slice3A_1262 = vector.extract_strided_slice %add3A_1261 {offsets = [0, 0], sizes = [1, 509], strides = [1, 1]} : vector<2x509xf32> to vector<1x509xf32>
    %slice3A_1263 = vector.extract_strided_slice %add3A_1261 {offsets = [1, 0], sizes = [1, 509], strides = [1, 1]} : vector<2x509xf32> to vector<1x509xf32>
    %max3A_1264 = arith.constant -3.000000e+00 : f32
    %max3A_1265 = vector.broadcast %max3A_1264 : f32 to vector<1x509xf32>
    %max3A_1266 = arith.maximumf %slice3A_1263, %max3A_1265 : vector<1x509xf32>
    %get3A_1267 = arith.constant 0 : index
    %get3A_1268 = arith.constant 0 : index
    %get3A_1269 = vector.load %arg18[%get3A_1267, %get3A_1268] : memref<1x509xf32, #tpu.memory_space<vmem>>, vector<1x509xf32>
    %sub3A_1270 = arith.subf %get3A_1269, %slice3A_1262 : vector<1x509xf32>
    %add3A_1271 = arith.constant 2.000000e+00 : f32
    %add3A_1272 = vector.broadcast %add3A_1271 : f32 to vector<1x509xf32>
    %add3A_1273 = arith.addf %sub3A_1270, %add3A_1272 : vector<1x509xf32>
    %neg3A_1274 = arith.constant 0.000000e+00 : f32
    %neg3A_1275 = vector.broadcast %neg3A_1274 : f32 to vector<1x509xf32>
    %neg3A_1276 = arith.subf %neg3A_1275, %max3A_1266 : vector<1x509xf32>
    %exp3A_1277 = math.exp %neg3A_1276 : vector<1x509xf32>
    %mul3A_1278 = arith.mulf %add3A_1273, %exp3A_1277 : vector<1x509xf32>
    %mul3A_1279 = arith.mulf %mul3A_1278, %mul3A_1278 : vector<1x509xf32>
    %add3A_1280 = arith.constant 1.83787704 : f32
    %add3A_1281 = vector.broadcast %add3A_1280 : f32 to vector<1x509xf32>
    %add3A_1282 = arith.addf %add3A_1281, %mul3A_1279 : vector<1x509xf32>
    %reduce_sum3A_1283 = vector.shape_cast %add3A_1282 : vector<1x509xf32> to vector<1x1x509xf32>
    %reduce_sum3A_1284 = arith.constant dense<0.000000e+00> : vector<1xf32>
    %reduce_sum3A_1285 = vector.multi_reduction <add>, %reduce_sum3A_1283, %reduce_sum3A_1284 [1, 2] : vector<1x1x509xf32> to vector<1xf32>
    %reduce_sum3A_1286 = vector.shape_cast %reduce_sum3A_1285 : vector<1xf32> to vector<1x1x1xf32>
    %reduce_sum3A_1287 = vector.extract %reduce_sum3A_1286[0, 0, 0] : f32 from vector<1x1x1xf32>
    %mul3A_1288 = arith.constant -5.000000e-01 : f32
    %mul3A_1289 = arith.mulf %mul3A_1288, %reduce_sum3A_1287 : f32
    %reduce_sum3A_1290 = vector.shape_cast %max3A_1266 : vector<1x509xf32> to vector<1x1x509xf32>
    %reduce_sum3A_1291 = arith.constant dense<0.000000e+00> : vector<1xf32>
    %reduce_sum3A_1292 = vector.multi_reduction <add>, %reduce_sum3A_1290, %reduce_sum3A_1291 [1, 2] : vector<1x1x509xf32> to vector<1xf32>
    %reduce_sum3A_1293 = vector.shape_cast %reduce_sum3A_1292 : vector<1xf32> to vector<1x1x1xf32>
    %reduce_sum3A_1294 = vector.extract %reduce_sum3A_1293[0, 0, 0] : f32 from vector<1x1x1xf32>
    %sub3A_1295 = arith.subf %mul3A_1289, %reduce_sum3A_1294 : f32
    %broadcast_in_dim3A_1296 = vector.broadcast %sub3A_1295 : f32 to vector<1x1x1x128xf32>
    %get3A_1297 = arith.constant 0 : index
    %get3A_1298 = arith.constant 20 : index
    %get3A_1299 = arith.constant 0 : index
    %get3A_1300 = arith.constant 0 : index
    %get3A_1301 = vector.load %arg10[%get3A_1297, %get3A_1298, %get3A_1299, %get3A_1300] : memref<1x32x509x50xf32, #tpu.memory_space<vmem>>, vector<1x1x509x50xf32>
    %get3A_1302 = vector.shape_cast %get3A_1301 : vector<1x1x509x50xf32> to vector<509x50xf32>
    %get3A_1303 = arith.constant 0 : index
    %get3A_1304 = arith.constant 0 : index
    %get3A_1305 = vector.load %arg11[%get3A_1303, %get3A_1304] : memref<50x256xf32, #tpu.memory_space<vmem>>, vector<50x256xf32>
    %dot_general3A_1306 = arith.constant dense<0.000000e+00> : vector<256x509xf32>
    %dot_general3A_1307 = tpu.matmul %get3A_1305, %get3A_1302, %dot_general3A_1306 {dimension_numbers = #tpu.dot_dimension_numbers<[0], [1], [1], [0], [0, 1, 1, 0], [], []>, transpose_lhs_hint = false} : vector<50x256xf32>, vector<509x50xf32>, vector<256x509xf32> -> vector<256x509xf32>
    %add3A_1308 = arith.addf %get3A_3, %dot_general3A_1307 : vector<256x509xf32>
    %gt3A_1309 = arith.constant 0.000000e+00 : f32
    %gt3A_1310 = vector.broadcast %gt3A_1309 : f32 to vector<256x509xf32>
    %gt3A_1311 = arith.cmpf ogt, %add3A_1308, %gt3A_1310 : vector<256x509xf32>
    %exp3A_1312 = math.exp %add3A_1308 : vector<256x509xf32>
    %sub3A_1313 = arith.constant 1.000000e+00 : f32
    %sub3A_1314 = vector.broadcast %sub3A_1313 : f32 to vector<256x509xf32>
    %sub3A_1315 = arith.subf %exp3A_1312, %sub3A_1314 : vector<256x509xf32>
    %select_n3A_1316 = arith.select %gt3A_1311, %add3A_1308, %sub3A_1315 : vector<256x509xi1>, vector<256x509xf32>
    %get3A_1317 = arith.constant 0 : index
    %get3A_1318 = arith.constant 0 : index
    %get3A_1319 = vector.load %arg12[%get3A_1317, %get3A_1318] : memref<256x2xf32, #tpu.memory_space<vmem>>, vector<256x2xf32>
    %dot_general3A_1320 = arith.constant dense<0.000000e+00> : vector<2x509xf32>
    %dot_general3A_1321 = tpu.matmul %get3A_1319, %select_n3A_1316, %dot_general3A_1320 {dimension_numbers = #tpu.dot_dimension_numbers<[0], [0], [1], [1], [0, 1, 1, 1], [], []>, transpose_lhs_hint = false} : vector<256x2xf32>, vector<256x509xf32>, vector<2x509xf32> -> vector<2x509xf32>
    %get3A_1322 = arith.constant 0 : index
    %get3A_1323 = arith.constant 0 : index
    %get3A_1324 = vector.load %arg13[%get3A_1322, %get3A_1323] : memref<2x1xf32, #tpu.memory_space<vmem>>, vector<2x1xf32>
    %add3A_1325 = vector.broadcast %get3A_1324 : vector<2x1xf32> to vector<2x509xf32>
    %add3A_1326 = arith.addf %dot_general3A_1321, %add3A_1325 : vector<2x509xf32>
    %slice3A_1327 = vector.extract_strided_slice %add3A_1326 {offsets = [0, 0], sizes = [1, 509], strides = [1, 1]} : vector<2x509xf32> to vector<1x509xf32>
    %slice3A_1328 = vector.extract_strided_slice %add3A_1326 {offsets = [1, 0], sizes = [1, 509], strides = [1, 1]} : vector<2x509xf32> to vector<1x509xf32>
    %max3A_1329 = arith.constant -3.000000e+00 : f32
    %max3A_1330 = vector.broadcast %max3A_1329 : f32 to vector<1x509xf32>
    %max3A_1331 = arith.maximumf %slice3A_1328, %max3A_1330 : vector<1x509xf32>
    %get3A_1332 = arith.constant 0 : index
    %get3A_1333 = arith.constant 0 : index
    %get3A_1334 = vector.load %arg18[%get3A_1332, %get3A_1333] : memref<1x509xf32, #tpu.memory_space<vmem>>, vector<1x509xf32>
    %sub3A_1335 = arith.subf %get3A_1334, %slice3A_1327 : vector<1x509xf32>
    %add3A_1336 = arith.constant 2.000000e+00 : f32
    %add3A_1337 = vector.broadcast %add3A_1336 : f32 to vector<1x509xf32>
    %add3A_1338 = arith.addf %sub3A_1335, %add3A_1337 : vector<1x509xf32>
    %neg3A_1339 = arith.constant 0.000000e+00 : f32
    %neg3A_1340 = vector.broadcast %neg3A_1339 : f32 to vector<1x509xf32>
    %neg3A_1341 = arith.subf %neg3A_1340, %max3A_1331 : vector<1x509xf32>
    %exp3A_1342 = math.exp %neg3A_1341 : vector<1x509xf32>
    %mul3A_1343 = arith.mulf %add3A_1338, %exp3A_1342 : vector<1x509xf32>
    %mul3A_1344 = arith.mulf %mul3A_1343, %mul3A_1343 : vector<1x509xf32>
    %add3A_1345 = arith.constant 1.83787704 : f32
    %add3A_1346 = vector.broadcast %add3A_1345 : f32 to vector<1x509xf32>
    %add3A_1347 = arith.addf %add3A_1346, %mul3A_1344 : vector<1x509xf32>
    %reduce_sum3A_1348 = vector.shape_cast %add3A_1347 : vector<1x509xf32> to vector<1x1x509xf32>
    %reduce_sum3A_1349 = arith.constant dense<0.000000e+00> : vector<1xf32>
    %reduce_sum3A_1350 = vector.multi_reduction <add>, %reduce_sum3A_1348, %reduce_sum3A_1349 [1, 2] : vector<1x1x509xf32> to vector<1xf32>
    %reduce_sum3A_1351 = vector.shape_cast %reduce_sum3A_1350 : vector<1xf32> to vector<1x1x1xf32>
    %reduce_sum3A_1352 = vector.extract %reduce_sum3A_1351[0, 0, 0] : f32 from vector<1x1x1xf32>
    %mul3A_1353 = arith.constant -5.000000e-01 : f32
    %mul3A_1354 = arith.mulf %mul3A_1353, %reduce_sum3A_1352 : f32
    %reduce_sum3A_1355 = vector.shape_cast %max3A_1331 : vector<1x509xf32> to vector<1x1x509xf32>
    %reduce_sum3A_1356 = arith.constant dense<0.000000e+00> : vector<1xf32>
    %reduce_sum3A_1357 = vector.multi_reduction <add>, %reduce_sum3A_1355, %reduce_sum3A_1356 [1, 2] : vector<1x1x509xf32> to vector<1xf32>
    %reduce_sum3A_1358 = vector.shape_cast %reduce_sum3A_1357 : vector<1xf32> to vector<1x1x1xf32>
    %reduce_sum3A_1359 = vector.extract %reduce_sum3A_1358[0, 0, 0] : f32 from vector<1x1x1xf32>
    %sub3A_1360 = arith.subf %mul3A_1354, %reduce_sum3A_1359 : f32
    %broadcast_in_dim3A_1361 = vector.broadcast %sub3A_1360 : f32 to vector<1x1x1x128xf32>
    %get3A_1362 = arith.constant 0 : index
    %get3A_1363 = arith.constant 21 : index
    %get3A_1364 = arith.constant 0 : index
    %get3A_1365 = arith.constant 0 : index
    %get3A_1366 = vector.load %arg10[%get3A_1362, %get3A_1363, %get3A_1364, %get3A_1365] : memref<1x32x509x50xf32, #tpu.memory_space<vmem>>, vector<1x1x509x50xf32>
    %get3A_1367 = vector.shape_cast %get3A_1366 : vector<1x1x509x50xf32> to vector<509x50xf32>
    %get3A_1368 = arith.constant 0 : index
    %get3A_1369 = arith.constant 0 : index
    %get3A_1370 = vector.load %arg11[%get3A_1368, %get3A_1369] : memref<50x256xf32, #tpu.memory_space<vmem>>, vector<50x256xf32>
    %dot_general3A_1371 = arith.constant dense<0.000000e+00> : vector<256x509xf32>
    %dot_general3A_1372 = tpu.matmul %get3A_1370, %get3A_1367, %dot_general3A_1371 {dimension_numbers = #tpu.dot_dimension_numbers<[0], [1], [1], [0], [0, 1, 1, 0], [], []>, transpose_lhs_hint = false} : vector<50x256xf32>, vector<509x50xf32>, vector<256x509xf32> -> vector<256x509xf32>
    %add3A_1373 = arith.addf %get3A_3, %dot_general3A_1372 : vector<256x509xf32>
    %gt3A_1374 = arith.constant 0.000000e+00 : f32
    %gt3A_1375 = vector.broadcast %gt3A_1374 : f32 to vector<256x509xf32>
    %gt3A_1376 = arith.cmpf ogt, %add3A_1373, %gt3A_1375 : vector<256x509xf32>
    %exp3A_1377 = math.exp %add3A_1373 : vector<256x509xf32>
    %sub3A_1378 = arith.constant 1.000000e+00 : f32
    %sub3A_1379 = vector.broadcast %sub3A_1378 : f32 to vector<256x509xf32>
    %sub3A_1380 = arith.subf %exp3A_1377, %sub3A_1379 : vector<256x509xf32>
    %select_n3A_1381 = arith.select %gt3A_1376, %add3A_1373, %sub3A_1380 : vector<256x509xi1>, vector<256x509xf32>
    %get3A_1382 = arith.constant 0 : index
    %get3A_1383 = arith.constant 0 : index
    %get3A_1384 = vector.load %arg12[%get3A_1382, %get3A_1383] : memref<256x2xf32, #tpu.memory_space<vmem>>, vector<256x2xf32>
    %dot_general3A_1385 = arith.constant dense<0.000000e+00> : vector<2x509xf32>
    %dot_general3A_1386 = tpu.matmul %get3A_1384, %select_n3A_1381, %dot_general3A_1385 {dimension_numbers = #tpu.dot_dimension_numbers<[0], [0], [1], [1], [0, 1, 1, 1], [], []>, transpose_lhs_hint = false} : vector<256x2xf32>, vector<256x509xf32>, vector<2x509xf32> -> vector<2x509xf32>
    %get3A_1387 = arith.constant 0 : index
    %get3A_1388 = arith.constant 0 : index
    %get3A_1389 = vector.load %arg13[%get3A_1387, %get3A_1388] : memref<2x1xf32, #tpu.memory_space<vmem>>, vector<2x1xf32>
    %add3A_1390 = vector.broadcast %get3A_1389 : vector<2x1xf32> to vector<2x509xf32>
    %add3A_1391 = arith.addf %dot_general3A_1386, %add3A_1390 : vector<2x509xf32>
    %slice3A_1392 = vector.extract_strided_slice %add3A_1391 {offsets = [0, 0], sizes = [1, 509], strides = [1, 1]} : vector<2x509xf32> to vector<1x509xf32>
    %slice3A_1393 = vector.extract_strided_slice %add3A_1391 {offsets = [1, 0], sizes = [1, 509], strides = [1, 1]} : vector<2x509xf32> to vector<1x509xf32>
    %max3A_1394 = arith.constant -3.000000e+00 : f32
    %max3A_1395 = vector.broadcast %max3A_1394 : f32 to vector<1x509xf32>
    %max3A_1396 = arith.maximumf %slice3A_1393, %max3A_1395 : vector<1x509xf32>
    %get3A_1397 = arith.constant 0 : index
    %get3A_1398 = arith.constant 0 : index
    %get3A_1399 = vector.load %arg18[%get3A_1397, %get3A_1398] : memref<1x509xf32, #tpu.memory_space<vmem>>, vector<1x509xf32>
    %sub3A_1400 = arith.subf %get3A_1399, %slice3A_1392 : vector<1x509xf32>
    %add3A_1401 = arith.constant 2.000000e+00 : f32
    %add3A_1402 = vector.broadcast %add3A_1401 : f32 to vector<1x509xf32>
    %add3A_1403 = arith.addf %sub3A_1400, %add3A_1402 : vector<1x509xf32>
    %neg3A_1404 = arith.constant 0.000000e+00 : f32
    %neg3A_1405 = vector.broadcast %neg3A_1404 : f32 to vector<1x509xf32>
    %neg3A_1406 = arith.subf %neg3A_1405, %max3A_1396 : vector<1x509xf32>
    %exp3A_1407 = math.exp %neg3A_1406 : vector<1x509xf32>
    %mul3A_1408 = arith.mulf %add3A_1403, %exp3A_1407 : vector<1x509xf32>
    %mul3A_1409 = arith.mulf %mul3A_1408, %mul3A_1408 : vector<1x509xf32>
    %add3A_1410 = arith.constant 1.83787704 : f32
    %add3A_1411 = vector.broadcast %add3A_1410 : f32 to vector<1x509xf32>
    %add3A_1412 = arith.addf %add3A_1411, %mul3A_1409 : vector<1x509xf32>
    %reduce_sum3A_1413 = vector.shape_cast %add3A_1412 : vector<1x509xf32> to vector<1x1x509xf32>
    %reduce_sum3A_1414 = arith.constant dense<0.000000e+00> : vector<1xf32>
    %reduce_sum3A_1415 = vector.multi_reduction <add>, %reduce_sum3A_1413, %reduce_sum3A_1414 [1, 2] : vector<1x1x509xf32> to vector<1xf32>
    %reduce_sum3A_1416 = vector.shape_cast %reduce_sum3A_1415 : vector<1xf32> to vector<1x1x1xf32>
    %reduce_sum3A_1417 = vector.extract %reduce_sum3A_1416[0, 0, 0] : f32 from vector<1x1x1xf32>
    %mul3A_1418 = arith.constant -5.000000e-01 : f32
    %mul3A_1419 = arith.mulf %mul3A_1418, %reduce_sum3A_1417 : f32
    %reduce_sum3A_1420 = vector.shape_cast %max3A_1396 : vector<1x509xf32> to vector<1x1x509xf32>
    %reduce_sum3A_1421 = arith.constant dense<0.000000e+00> : vector<1xf32>
    %reduce_sum3A_1422 = vector.multi_reduction <add>, %reduce_sum3A_1420, %reduce_sum3A_1421 [1, 2] : vector<1x1x509xf32> to vector<1xf32>
    %reduce_sum3A_1423 = vector.shape_cast %reduce_sum3A_1422 : vector<1xf32> to vector<1x1x1xf32>
    %reduce_sum3A_1424 = vector.extract %reduce_sum3A_1423[0, 0, 0] : f32 from vector<1x1x1xf32>
    %sub3A_1425 = arith.subf %mul3A_1419, %reduce_sum3A_1424 : f32
    %broadcast_in_dim3A_1426 = vector.broadcast %sub3A_1425 : f32 to vector<1x1x1x128xf32>
    %get3A_1427 = arith.constant 0 : index
    %get3A_1428 = arith.constant 22 : index
    %get3A_1429 = arith.constant 0 : index
    %get3A_1430 = arith.constant 0 : index
    %get3A_1431 = vector.load %arg10[%get3A_1427, %get3A_1428, %get3A_1429, %get3A_1430] : memref<1x32x509x50xf32, #tpu.memory_space<vmem>>, vector<1x1x509x50xf32>
    %get3A_1432 = vector.shape_cast %get3A_1431 : vector<1x1x509x50xf32> to vector<509x50xf32>
    %get3A_1433 = arith.constant 0 : index
    %get3A_1434 = arith.constant 0 : index
    %get3A_1435 = vector.load %arg11[%get3A_1433, %get3A_1434] : memref<50x256xf32, #tpu.memory_space<vmem>>, vector<50x256xf32>
    %dot_general3A_1436 = arith.constant dense<0.000000e+00> : vector<256x509xf32>
    %dot_general3A_1437 = tpu.matmul %get3A_1435, %get3A_1432, %dot_general3A_1436 {dimension_numbers = #tpu.dot_dimension_numbers<[0], [1], [1], [0], [0, 1, 1, 0], [], []>, transpose_lhs_hint = false} : vector<50x256xf32>, vector<509x50xf32>, vector<256x509xf32> -> vector<256x509xf32>
    %add3A_1438 = arith.addf %get3A_3, %dot_general3A_1437 : vector<256x509xf32>
    %gt3A_1439 = arith.constant 0.000000e+00 : f32
    %gt3A_1440 = vector.broadcast %gt3A_1439 : f32 to vector<256x509xf32>
    %gt3A_1441 = arith.cmpf ogt, %add3A_1438, %gt3A_1440 : vector<256x509xf32>
    %exp3A_1442 = math.exp %add3A_1438 : vector<256x509xf32>
    %sub3A_1443 = arith.constant 1.000000e+00 : f32
    %sub3A_1444 = vector.broadcast %sub3A_1443 : f32 to vector<256x509xf32>
    %sub3A_1445 = arith.subf %exp3A_1442, %sub3A_1444 : vector<256x509xf32>
    %select_n3A_1446 = arith.select %gt3A_1441, %add3A_1438, %sub3A_1445 : vector<256x509xi1>, vector<256x509xf32>
    %get3A_1447 = arith.constant 0 : index
    %get3A_1448 = arith.constant 0 : index
    %get3A_1449 = vector.load %arg12[%get3A_1447, %get3A_1448] : memref<256x2xf32, #tpu.memory_space<vmem>>, vector<256x2xf32>
    %dot_general3A_1450 = arith.constant dense<0.000000e+00> : vector<2x509xf32>
    %dot_general3A_1451 = tpu.matmul %get3A_1449, %select_n3A_1446, %dot_general3A_1450 {dimension_numbers = #tpu.dot_dimension_numbers<[0], [0], [1], [1], [0, 1, 1, 1], [], []>, transpose_lhs_hint = false} : vector<256x2xf32>, vector<256x509xf32>, vector<2x509xf32> -> vector<2x509xf32>
    %get3A_1452 = arith.constant 0 : index
    %get3A_1453 = arith.constant 0 : index
    %get3A_1454 = vector.load %arg13[%get3A_1452, %get3A_1453] : memref<2x1xf32, #tpu.memory_space<vmem>>, vector<2x1xf32>
    %add3A_1455 = vector.broadcast %get3A_1454 : vector<2x1xf32> to vector<2x509xf32>
    %add3A_1456 = arith.addf %dot_general3A_1451, %add3A_1455 : vector<2x509xf32>
    %slice3A_1457 = vector.extract_strided_slice %add3A_1456 {offsets = [0, 0], sizes = [1, 509], strides = [1, 1]} : vector<2x509xf32> to vector<1x509xf32>
    %slice3A_1458 = vector.extract_strided_slice %add3A_1456 {offsets = [1, 0], sizes = [1, 509], strides = [1, 1]} : vector<2x509xf32> to vector<1x509xf32>
    %max3A_1459 = arith.constant -3.000000e+00 : f32
    %max3A_1460 = vector.broadcast %max3A_1459 : f32 to vector<1x509xf32>
    %max3A_1461 = arith.maximumf %slice3A_1458, %max3A_1460 : vector<1x509xf32>
    %get3A_1462 = arith.constant 0 : index
    %get3A_1463 = arith.constant 0 : index
    %get3A_1464 = vector.load %arg18[%get3A_1462, %get3A_1463] : memref<1x509xf32, #tpu.memory_space<vmem>>, vector<1x509xf32>
    %sub3A_1465 = arith.subf %get3A_1464, %slice3A_1457 : vector<1x509xf32>
    %add3A_1466 = arith.constant 2.000000e+00 : f32
    %add3A_1467 = vector.broadcast %add3A_1466 : f32 to vector<1x509xf32>
    %add3A_1468 = arith.addf %sub3A_1465, %add3A_1467 : vector<1x509xf32>
    %neg3A_1469 = arith.constant 0.000000e+00 : f32
    %neg3A_1470 = vector.broadcast %neg3A_1469 : f32 to vector<1x509xf32>
    %neg3A_1471 = arith.subf %neg3A_1470, %max3A_1461 : vector<1x509xf32>
    %exp3A_1472 = math.exp %neg3A_1471 : vector<1x509xf32>
    %mul3A_1473 = arith.mulf %add3A_1468, %exp3A_1472 : vector<1x509xf32>
    %mul3A_1474 = arith.mulf %mul3A_1473, %mul3A_1473 : vector<1x509xf32>
    %add3A_1475 = arith.constant 1.83787704 : f32
    %add3A_1476 = vector.broadcast %add3A_1475 : f32 to vector<1x509xf32>
    %add3A_1477 = arith.addf %add3A_1476, %mul3A_1474 : vector<1x509xf32>
    %reduce_sum3A_1478 = vector.shape_cast %add3A_1477 : vector<1x509xf32> to vector<1x1x509xf32>
    %reduce_sum3A_1479 = arith.constant dense<0.000000e+00> : vector<1xf32>
    %reduce_sum3A_1480 = vector.multi_reduction <add>, %reduce_sum3A_1478, %reduce_sum3A_1479 [1, 2] : vector<1x1x509xf32> to vector<1xf32>
    %reduce_sum3A_1481 = vector.shape_cast %reduce_sum3A_1480 : vector<1xf32> to vector<1x1x1xf32>
    %reduce_sum3A_1482 = vector.extract %reduce_sum3A_1481[0, 0, 0] : f32 from vector<1x1x1xf32>
    %mul3A_1483 = arith.constant -5.000000e-01 : f32
    %mul3A_1484 = arith.mulf %mul3A_1483, %reduce_sum3A_1482 : f32
    %reduce_sum3A_1485 = vector.shape_cast %max3A_1461 : vector<1x509xf32> to vector<1x1x509xf32>
    %reduce_sum3A_1486 = arith.constant dense<0.000000e+00> : vector<1xf32>
    %reduce_sum3A_1487 = vector.multi_reduction <add>, %reduce_sum3A_1485, %reduce_sum3A_1486 [1, 2] : vector<1x1x509xf32> to vector<1xf32>
    %reduce_sum3A_1488 = vector.shape_cast %reduce_sum3A_1487 : vector<1xf32> to vector<1x1x1xf32>
    %reduce_sum3A_1489 = vector.extract %reduce_sum3A_1488[0, 0, 0] : f32 from vector<1x1x1xf32>
    %sub3A_1490 = arith.subf %mul3A_1484, %reduce_sum3A_1489 : f32
    %broadcast_in_dim3A_1491 = vector.broadcast %sub3A_1490 : f32 to vector<1x1x1x128xf32>
    %get3A_1492 = arith.constant 0 : index
    %get3A_1493 = arith.constant 23 : index
    %get3A_1494 = arith.constant 0 : index
    %get3A_1495 = arith.constant 0 : index
    %get3A_1496 = vector.load %arg10[%get3A_1492, %get3A_1493, %get3A_1494, %get3A_1495] : memref<1x32x509x50xf32, #tpu.memory_space<vmem>>, vector<1x1x509x50xf32>
    %get3A_1497 = vector.shape_cast %get3A_1496 : vector<1x1x509x50xf32> to vector<509x50xf32>
    %get3A_1498 = arith.constant 0 : index
    %get3A_1499 = arith.constant 0 : index
    %get3A_1500 = vector.load %arg11[%get3A_1498, %get3A_1499] : memref<50x256xf32, #tpu.memory_space<vmem>>, vector<50x256xf32>
    %dot_general3A_1501 = arith.constant dense<0.000000e+00> : vector<256x509xf32>
    %dot_general3A_1502 = tpu.matmul %get3A_1500, %get3A_1497, %dot_general3A_1501 {dimension_numbers = #tpu.dot_dimension_numbers<[0], [1], [1], [0], [0, 1, 1, 0], [], []>, transpose_lhs_hint = false} : vector<50x256xf32>, vector<509x50xf32>, vector<256x509xf32> -> vector<256x509xf32>
    %add3A_1503 = arith.addf %get3A_3, %dot_general3A_1502 : vector<256x509xf32>
    %gt3A_1504 = arith.constant 0.000000e+00 : f32
    %gt3A_1505 = vector.broadcast %gt3A_1504 : f32 to vector<256x509xf32>
    %gt3A_1506 = arith.cmpf ogt, %add3A_1503, %gt3A_1505 : vector<256x509xf32>
    %exp3A_1507 = math.exp %add3A_1503 : vector<256x509xf32>
    %sub3A_1508 = arith.constant 1.000000e+00 : f32
    %sub3A_1509 = vector.broadcast %sub3A_1508 : f32 to vector<256x509xf32>
    %sub3A_1510 = arith.subf %exp3A_1507, %sub3A_1509 : vector<256x509xf32>
    %select_n3A_1511 = arith.select %gt3A_1506, %add3A_1503, %sub3A_1510 : vector<256x509xi1>, vector<256x509xf32>
    %get3A_1512 = arith.constant 0 : index
    %get3A_1513 = arith.constant 0 : index
    %get3A_1514 = vector.load %arg12[%get3A_1512, %get3A_1513] : memref<256x2xf32, #tpu.memory_space<vmem>>, vector<256x2xf32>
    %dot_general3A_1515 = arith.constant dense<0.000000e+00> : vector<2x509xf32>
    %dot_general3A_1516 = tpu.matmul %get3A_1514, %select_n3A_1511, %dot_general3A_1515 {dimension_numbers = #tpu.dot_dimension_numbers<[0], [0], [1], [1], [0, 1, 1, 1], [], []>, transpose_lhs_hint = false} : vector<256x2xf32>, vector<256x509xf32>, vector<2x509xf32> -> vector<2x509xf32>
    %get3A_1517 = arith.constant 0 : index
    %get3A_1518 = arith.constant 0 : index
    %get3A_1519 = vector.load %arg13[%get3A_1517, %get3A_1518] : memref<2x1xf32, #tpu.memory_space<vmem>>, vector<2x1xf32>
    %add3A_1520 = vector.broadcast %get3A_1519 : vector<2x1xf32> to vector<2x509xf32>
    %add3A_1521 = arith.addf %dot_general3A_1516, %add3A_1520 : vector<2x509xf32>
    %slice3A_1522 = vector.extract_strided_slice %add3A_1521 {offsets = [0, 0], sizes = [1, 509], strides = [1, 1]} : vector<2x509xf32> to vector<1x509xf32>
    %slice3A_1523 = vector.extract_strided_slice %add3A_1521 {offsets = [1, 0], sizes = [1, 509], strides = [1, 1]} : vector<2x509xf32> to vector<1x509xf32>
    %max3A_1524 = arith.constant -3.000000e+00 : f32
    %max3A_1525 = vector.broadcast %max3A_1524 : f32 to vector<1x509xf32>
    %max3A_1526 = arith.maximumf %slice3A_1523, %max3A_1525 : vector<1x509xf32>
    %get3A_1527 = arith.constant 0 : index
    %get3A_1528 = arith.constant 0 : index
    %get3A_1529 = vector.load %arg18[%get3A_1527, %get3A_1528] : memref<1x509xf32, #tpu.memory_space<vmem>>, vector<1x509xf32>
    %sub3A_1530 = arith.subf %get3A_1529, %slice3A_1522 : vector<1x509xf32>
    %add3A_1531 = arith.constant 2.000000e+00 : f32
    %add3A_1532 = vector.broadcast %add3A_1531 : f32 to vector<1x509xf32>
    %add3A_1533 = arith.addf %sub3A_1530, %add3A_1532 : vector<1x509xf32>
    %neg3A_1534 = arith.constant 0.000000e+00 : f32
    %neg3A_1535 = vector.broadcast %neg3A_1534 : f32 to vector<1x509xf32>
    %neg3A_1536 = arith.subf %neg3A_1535, %max3A_1526 : vector<1x509xf32>
    %exp3A_1537 = math.exp %neg3A_1536 : vector<1x509xf32>
    %mul3A_1538 = arith.mulf %add3A_1533, %exp3A_1537 : vector<1x509xf32>
    %mul3A_1539 = arith.mulf %mul3A_1538, %mul3A_1538 : vector<1x509xf32>
    %add3A_1540 = arith.constant 1.83787704 : f32
    %add3A_1541 = vector.broadcast %add3A_1540 : f32 to vector<1x509xf32>
    %add3A_1542 = arith.addf %add3A_1541, %mul3A_1539 : vector<1x509xf32>
    %reduce_sum3A_1543 = vector.shape_cast %add3A_1542 : vector<1x509xf32> to vector<1x1x509xf32>
    %reduce_sum3A_1544 = arith.constant dense<0.000000e+00> : vector<1xf32>
    %reduce_sum3A_1545 = vector.multi_reduction <add>, %reduce_sum3A_1543, %reduce_sum3A_1544 [1, 2] : vector<1x1x509xf32> to vector<1xf32>
    %reduce_sum3A_1546 = vector.shape_cast %reduce_sum3A_1545 : vector<1xf32> to vector<1x1x1xf32>
    %reduce_sum3A_1547 = vector.extract %reduce_sum3A_1546[0, 0, 0] : f32 from vector<1x1x1xf32>
    %mul3A_1548 = arith.constant -5.000000e-01 : f32
    %mul3A_1549 = arith.mulf %mul3A_1548, %reduce_sum3A_1547 : f32
    %reduce_sum3A_1550 = vector.shape_cast %max3A_1526 : vector<1x509xf32> to vector<1x1x509xf32>
    %reduce_sum3A_1551 = arith.constant dense<0.000000e+00> : vector<1xf32>
    %reduce_sum3A_1552 = vector.multi_reduction <add>, %reduce_sum3A_1550, %reduce_sum3A_1551 [1, 2] : vector<1x1x509xf32> to vector<1xf32>
    %reduce_sum3A_1553 = vector.shape_cast %reduce_sum3A_1552 : vector<1xf32> to vector<1x1x1xf32>
    %reduce_sum3A_1554 = vector.extract %reduce_sum3A_1553[0, 0, 0] : f32 from vector<1x1x1xf32>
    %sub3A_1555 = arith.subf %mul3A_1549, %reduce_sum3A_1554 : f32
    %broadcast_in_dim3A_1556 = vector.broadcast %sub3A_1555 : f32 to vector<1x1x1x128xf32>
    %get3A_1557 = arith.constant 0 : index
    %get3A_1558 = arith.constant 24 : index
    %get3A_1559 = arith.constant 0 : index
    %get3A_1560 = arith.constant 0 : index
    %get3A_1561 = vector.load %arg10[%get3A_1557, %get3A_1558, %get3A_1559, %get3A_1560] : memref<1x32x509x50xf32, #tpu.memory_space<vmem>>, vector<1x1x509x50xf32>
    %get3A_1562 = vector.shape_cast %get3A_1561 : vector<1x1x509x50xf32> to vector<509x50xf32>
    %get3A_1563 = arith.constant 0 : index
    %get3A_1564 = arith.constant 0 : index
    %get3A_1565 = vector.load %arg11[%get3A_1563, %get3A_1564] : memref<50x256xf32, #tpu.memory_space<vmem>>, vector<50x256xf32>
    %dot_general3A_1566 = arith.constant dense<0.000000e+00> : vector<256x509xf32>
    %dot_general3A_1567 = tpu.matmul %get3A_1565, %get3A_1562, %dot_general3A_1566 {dimension_numbers = #tpu.dot_dimension_numbers<[0], [1], [1], [0], [0, 1, 1, 0], [], []>, transpose_lhs_hint = false} : vector<50x256xf32>, vector<509x50xf32>, vector<256x509xf32> -> vector<256x509xf32>
    %add3A_1568 = arith.addf %get3A_3, %dot_general3A_1567 : vector<256x509xf32>
    %gt3A_1569 = arith.constant 0.000000e+00 : f32
    %gt3A_1570 = vector.broadcast %gt3A_1569 : f32 to vector<256x509xf32>
    %gt3A_1571 = arith.cmpf ogt, %add3A_1568, %gt3A_1570 : vector<256x509xf32>
    %exp3A_1572 = math.exp %add3A_1568 : vector<256x509xf32>
    %sub3A_1573 = arith.constant 1.000000e+00 : f32
    %sub3A_1574 = vector.broadcast %sub3A_1573 : f32 to vector<256x509xf32>
    %sub3A_1575 = arith.subf %exp3A_1572, %sub3A_1574 : vector<256x509xf32>
    %select_n3A_1576 = arith.select %gt3A_1571, %add3A_1568, %sub3A_1575 : vector<256x509xi1>, vector<256x509xf32>
    %get3A_1577 = arith.constant 0 : index
    %get3A_1578 = arith.constant 0 : index
    %get3A_1579 = vector.load %arg12[%get3A_1577, %get3A_1578] : memref<256x2xf32, #tpu.memory_space<vmem>>, vector<256x2xf32>
    %dot_general3A_1580 = arith.constant dense<0.000000e+00> : vector<2x509xf32>
    %dot_general3A_1581 = tpu.matmul %get3A_1579, %select_n3A_1576, %dot_general3A_1580 {dimension_numbers = #tpu.dot_dimension_numbers<[0], [0], [1], [1], [0, 1, 1, 1], [], []>, transpose_lhs_hint = false} : vector<256x2xf32>, vector<256x509xf32>, vector<2x509xf32> -> vector<2x509xf32>
    %get3A_1582 = arith.constant 0 : index
    %get3A_1583 = arith.constant 0 : index
    %get3A_1584 = vector.load %arg13[%get3A_1582, %get3A_1583] : memref<2x1xf32, #tpu.memory_space<vmem>>, vector<2x1xf32>
    %add3A_1585 = vector.broadcast %get3A_1584 : vector<2x1xf32> to vector<2x509xf32>
    %add3A_1586 = arith.addf %dot_general3A_1581, %add3A_1585 : vector<2x509xf32>
    %slice3A_1587 = vector.extract_strided_slice %add3A_1586 {offsets = [0, 0], sizes = [1, 509], strides = [1, 1]} : vector<2x509xf32> to vector<1x509xf32>
    %slice3A_1588 = vector.extract_strided_slice %add3A_1586 {offsets = [1, 0], sizes = [1, 509], strides = [1, 1]} : vector<2x509xf32> to vector<1x509xf32>
    %max3A_1589 = arith.constant -3.000000e+00 : f32
    %max3A_1590 = vector.broadcast %max3A_1589 : f32 to vector<1x509xf32>
    %max3A_1591 = arith.maximumf %slice3A_1588, %max3A_1590 : vector<1x509xf32>
    %get3A_1592 = arith.constant 0 : index
    %get3A_1593 = arith.constant 0 : index
    %get3A_1594 = vector.load %arg18[%get3A_1592, %get3A_1593] : memref<1x509xf32, #tpu.memory_space<vmem>>, vector<1x509xf32>
    %sub3A_1595 = arith.subf %get3A_1594, %slice3A_1587 : vector<1x509xf32>
    %add3A_1596 = arith.constant 2.000000e+00 : f32
    %add3A_1597 = vector.broadcast %add3A_1596 : f32 to vector<1x509xf32>
    %add3A_1598 = arith.addf %sub3A_1595, %add3A_1597 : vector<1x509xf32>
    %neg3A_1599 = arith.constant 0.000000e+00 : f32
    %neg3A_1600 = vector.broadcast %neg3A_1599 : f32 to vector<1x509xf32>
    %neg3A_1601 = arith.subf %neg3A_1600, %max3A_1591 : vector<1x509xf32>
    %exp3A_1602 = math.exp %neg3A_1601 : vector<1x509xf32>
    %mul3A_1603 = arith.mulf %add3A_1598, %exp3A_1602 : vector<1x509xf32>
    %mul3A_1604 = arith.mulf %mul3A_1603, %mul3A_1603 : vector<1x509xf32>
    %add3A_1605 = arith.constant 1.83787704 : f32
    %add3A_1606 = vector.broadcast %add3A_1605 : f32 to vector<1x509xf32>
    %add3A_1607 = arith.addf %add3A_1606, %mul3A_1604 : vector<1x509xf32>
    %reduce_sum3A_1608 = vector.shape_cast %add3A_1607 : vector<1x509xf32> to vector<1x1x509xf32>
    %reduce_sum3A_1609 = arith.constant dense<0.000000e+00> : vector<1xf32>
    %reduce_sum3A_1610 = vector.multi_reduction <add>, %reduce_sum3A_1608, %reduce_sum3A_1609 [1, 2] : vector<1x1x509xf32> to vector<1xf32>
    %reduce_sum3A_1611 = vector.shape_cast %reduce_sum3A_1610 : vector<1xf32> to vector<1x1x1xf32>
    %reduce_sum3A_1612 = vector.extract %reduce_sum3A_1611[0, 0, 0] : f32 from vector<1x1x1xf32>
    %mul3A_1613 = arith.constant -5.000000e-01 : f32
    %mul3A_1614 = arith.mulf %mul3A_1613, %reduce_sum3A_1612 : f32
    %reduce_sum3A_1615 = vector.shape_cast %max3A_1591 : vector<1x509xf32> to vector<1x1x509xf32>
    %reduce_sum3A_1616 = arith.constant dense<0.000000e+00> : vector<1xf32>
    %reduce_sum3A_1617 = vector.multi_reduction <add>, %reduce_sum3A_1615, %reduce_sum3A_1616 [1, 2] : vector<1x1x509xf32> to vector<1xf32>
    %reduce_sum3A_1618 = vector.shape_cast %reduce_sum3A_1617 : vector<1xf32> to vector<1x1x1xf32>
    %reduce_sum3A_1619 = vector.extract %reduce_sum3A_1618[0, 0, 0] : f32 from vector<1x1x1xf32>
    %sub3A_1620 = arith.subf %mul3A_1614, %reduce_sum3A_1619 : f32
    %broadcast_in_dim3A_1621 = vector.broadcast %sub3A_1620 : f32 to vector<1x1x1x128xf32>
    %get3A_1622 = arith.constant 0 : index
    %get3A_1623 = arith.constant 25 : index
    %get3A_1624 = arith.constant 0 : index
    %get3A_1625 = arith.constant 0 : index
    %get3A_1626 = vector.load %arg10[%get3A_1622, %get3A_1623, %get3A_1624, %get3A_1625] : memref<1x32x509x50xf32, #tpu.memory_space<vmem>>, vector<1x1x509x50xf32>
    %get3A_1627 = vector.shape_cast %get3A_1626 : vector<1x1x509x50xf32> to vector<509x50xf32>
    %get3A_1628 = arith.constant 0 : index
    %get3A_1629 = arith.constant 0 : index
    %get3A_1630 = vector.load %arg11[%get3A_1628, %get3A_1629] : memref<50x256xf32, #tpu.memory_space<vmem>>, vector<50x256xf32>
    %dot_general3A_1631 = arith.constant dense<0.000000e+00> : vector<256x509xf32>
    %dot_general3A_1632 = tpu.matmul %get3A_1630, %get3A_1627, %dot_general3A_1631 {dimension_numbers = #tpu.dot_dimension_numbers<[0], [1], [1], [0], [0, 1, 1, 0], [], []>, transpose_lhs_hint = false} : vector<50x256xf32>, vector<509x50xf32>, vector<256x509xf32> -> vector<256x509xf32>
    %add3A_1633 = arith.addf %get3A_3, %dot_general3A_1632 : vector<256x509xf32>
    %gt3A_1634 = arith.constant 0.000000e+00 : f32
    %gt3A_1635 = vector.broadcast %gt3A_1634 : f32 to vector<256x509xf32>
    %gt3A_1636 = arith.cmpf ogt, %add3A_1633, %gt3A_1635 : vector<256x509xf32>
    %exp3A_1637 = math.exp %add3A_1633 : vector<256x509xf32>
    %sub3A_1638 = arith.constant 1.000000e+00 : f32
    %sub3A_1639 = vector.broadcast %sub3A_1638 : f32 to vector<256x509xf32>
    %sub3A_1640 = arith.subf %exp3A_1637, %sub3A_1639 : vector<256x509xf32>
    %select_n3A_1641 = arith.select %gt3A_1636, %add3A_1633, %sub3A_1640 : vector<256x509xi1>, vector<256x509xf32>
    %get3A_1642 = arith.constant 0 : index
    %get3A_1643 = arith.constant 0 : index
    %get3A_1644 = vector.load %arg12[%get3A_1642, %get3A_1643] : memref<256x2xf32, #tpu.memory_space<vmem>>, vector<256x2xf32>
    %dot_general3A_1645 = arith.constant dense<0.000000e+00> : vector<2x509xf32>
    %dot_general3A_1646 = tpu.matmul %get3A_1644, %select_n3A_1641, %dot_general3A_1645 {dimension_numbers = #tpu.dot_dimension_numbers<[0], [0], [1], [1], [0, 1, 1, 1], [], []>, transpose_lhs_hint = false} : vector<256x2xf32>, vector<256x509xf32>, vector<2x509xf32> -> vector<2x509xf32>
    %get3A_1647 = arith.constant 0 : index
    %get3A_1648 = arith.constant 0 : index
    %get3A_1649 = vector.load %arg13[%get3A_1647, %get3A_1648] : memref<2x1xf32, #tpu.memory_space<vmem>>, vector<2x1xf32>
    %add3A_1650 = vector.broadcast %get3A_1649 : vector<2x1xf32> to vector<2x509xf32>
    %add3A_1651 = arith.addf %dot_general3A_1646, %add3A_1650 : vector<2x509xf32>
    %slice3A_1652 = vector.extract_strided_slice %add3A_1651 {offsets = [0, 0], sizes = [1, 509], strides = [1, 1]} : vector<2x509xf32> to vector<1x509xf32>
    %slice3A_1653 = vector.extract_strided_slice %add3A_1651 {offsets = [1, 0], sizes = [1, 509], strides = [1, 1]} : vector<2x509xf32> to vector<1x509xf32>
    %max3A_1654 = arith.constant -3.000000e+00 : f32
    %max3A_1655 = vector.broadcast %max3A_1654 : f32 to vector<1x509xf32>
    %max3A_1656 = arith.maximumf %slice3A_1653, %max3A_1655 : vector<1x509xf32>
    %get3A_1657 = arith.constant 0 : index
    %get3A_1658 = arith.constant 0 : index
    %get3A_1659 = vector.load %arg18[%get3A_1657, %get3A_1658] : memref<1x509xf32, #tpu.memory_space<vmem>>, vector<1x509xf32>
    %sub3A_1660 = arith.subf %get3A_1659, %slice3A_1652 : vector<1x509xf32>
    %add3A_1661 = arith.constant 2.000000e+00 : f32
    %add3A_1662 = vector.broadcast %add3A_1661 : f32 to vector<1x509xf32>
    %add3A_1663 = arith.addf %sub3A_1660, %add3A_1662 : vector<1x509xf32>
    %neg3A_1664 = arith.constant 0.000000e+00 : f32
    %neg3A_1665 = vector.broadcast %neg3A_1664 : f32 to vector<1x509xf32>
    %neg3A_1666 = arith.subf %neg3A_1665, %max3A_1656 : vector<1x509xf32>
    %exp3A_1667 = math.exp %neg3A_1666 : vector<1x509xf32>
    %mul3A_1668 = arith.mulf %add3A_1663, %exp3A_1667 : vector<1x509xf32>
    %mul3A_1669 = arith.mulf %mul3A_1668, %mul3A_1668 : vector<1x509xf32>
    %add3A_1670 = arith.constant 1.83787704 : f32
    %add3A_1671 = vector.broadcast %add3A_1670 : f32 to vector<1x509xf32>
    %add3A_1672 = arith.addf %add3A_1671, %mul3A_1669 : vector<1x509xf32>
    %reduce_sum3A_1673 = vector.shape_cast %add3A_1672 : vector<1x509xf32> to vector<1x1x509xf32>
    %reduce_sum3A_1674 = arith.constant dense<0.000000e+00> : vector<1xf32>
    %reduce_sum3A_1675 = vector.multi_reduction <add>, %reduce_sum3A_1673, %reduce_sum3A_1674 [1, 2] : vector<1x1x509xf32> to vector<1xf32>
    %reduce_sum3A_1676 = vector.shape_cast %reduce_sum3A_1675 : vector<1xf32> to vector<1x1x1xf32>
    %reduce_sum3A_1677 = vector.extract %reduce_sum3A_1676[0, 0, 0] : f32 from vector<1x1x1xf32>
    %mul3A_1678 = arith.constant -5.000000e-01 : f32
    %mul3A_1679 = arith.mulf %mul3A_1678, %reduce_sum3A_1677 : f32
    %reduce_sum3A_1680 = vector.shape_cast %max3A_1656 : vector<1x509xf32> to vector<1x1x509xf32>
    %reduce_sum3A_1681 = arith.constant dense<0.000000e+00> : vector<1xf32>
    %reduce_sum3A_1682 = vector.multi_reduction <add>, %reduce_sum3A_1680, %reduce_sum3A_1681 [1, 2] : vector<1x1x509xf32> to vector<1xf32>
    %reduce_sum3A_1683 = vector.shape_cast %reduce_sum3A_1682 : vector<1xf32> to vector<1x1x1xf32>
    %reduce_sum3A_1684 = vector.extract %reduce_sum3A_1683[0, 0, 0] : f32 from vector<1x1x1xf32>
    %sub3A_1685 = arith.subf %mul3A_1679, %reduce_sum3A_1684 : f32
    %broadcast_in_dim3A_1686 = vector.broadcast %sub3A_1685 : f32 to vector<1x1x1x128xf32>
    %get3A_1687 = arith.constant 0 : index
    %get3A_1688 = arith.constant 26 : index
    %get3A_1689 = arith.constant 0 : index
    %get3A_1690 = arith.constant 0 : index
    %get3A_1691 = vector.load %arg10[%get3A_1687, %get3A_1688, %get3A_1689, %get3A_1690] : memref<1x32x509x50xf32, #tpu.memory_space<vmem>>, vector<1x1x509x50xf32>
    %get3A_1692 = vector.shape_cast %get3A_1691 : vector<1x1x509x50xf32> to vector<509x50xf32>
    %get3A_1693 = arith.constant 0 : index
    %get3A_1694 = arith.constant 0 : index
    %get3A_1695 = vector.load %arg11[%get3A_1693, %get3A_1694] : memref<50x256xf32, #tpu.memory_space<vmem>>, vector<50x256xf32>
    %dot_general3A_1696 = arith.constant dense<0.000000e+00> : vector<256x509xf32>
    %dot_general3A_1697 = tpu.matmul %get3A_1695, %get3A_1692, %dot_general3A_1696 {dimension_numbers = #tpu.dot_dimension_numbers<[0], [1], [1], [0], [0, 1, 1, 0], [], []>, transpose_lhs_hint = false} : vector<50x256xf32>, vector<509x50xf32>, vector<256x509xf32> -> vector<256x509xf32>
    %add3A_1698 = arith.addf %get3A_3, %dot_general3A_1697 : vector<256x509xf32>
    %gt3A_1699 = arith.constant 0.000000e+00 : f32
    %gt3A_1700 = vector.broadcast %gt3A_1699 : f32 to vector<256x509xf32>
    %gt3A_1701 = arith.cmpf ogt, %add3A_1698, %gt3A_1700 : vector<256x509xf32>
    %exp3A_1702 = math.exp %add3A_1698 : vector<256x509xf32>
    %sub3A_1703 = arith.constant 1.000000e+00 : f32
    %sub3A_1704 = vector.broadcast %sub3A_1703 : f32 to vector<256x509xf32>
    %sub3A_1705 = arith.subf %exp3A_1702, %sub3A_1704 : vector<256x509xf32>
    %select_n3A_1706 = arith.select %gt3A_1701, %add3A_1698, %sub3A_1705 : vector<256x509xi1>, vector<256x509xf32>
    %get3A_1707 = arith.constant 0 : index
    %get3A_1708 = arith.constant 0 : index
    %get3A_1709 = vector.load %arg12[%get3A_1707, %get3A_1708] : memref<256x2xf32, #tpu.memory_space<vmem>>, vector<256x2xf32>
    %dot_general3A_1710 = arith.constant dense<0.000000e+00> : vector<2x509xf32>
    %dot_general3A_1711 = tpu.matmul %get3A_1709, %select_n3A_1706, %dot_general3A_1710 {dimension_numbers = #tpu.dot_dimension_numbers<[0], [0], [1], [1], [0, 1, 1, 1], [], []>, transpose_lhs_hint = false} : vector<256x2xf32>, vector<256x509xf32>, vector<2x509xf32> -> vector<2x509xf32>
    %get3A_1712 = arith.constant 0 : index
    %get3A_1713 = arith.constant 0 : index
    %get3A_1714 = vector.load %arg13[%get3A_1712, %get3A_1713] : memref<2x1xf32, #tpu.memory_space<vmem>>, vector<2x1xf32>
    %add3A_1715 = vector.broadcast %get3A_1714 : vector<2x1xf32> to vector<2x509xf32>
    %add3A_1716 = arith.addf %dot_general3A_1711, %add3A_1715 : vector<2x509xf32>
    %slice3A_1717 = vector.extract_strided_slice %add3A_1716 {offsets = [0, 0], sizes = [1, 509], strides = [1, 1]} : vector<2x509xf32> to vector<1x509xf32>
    %slice3A_1718 = vector.extract_strided_slice %add3A_1716 {offsets = [1, 0], sizes = [1, 509], strides = [1, 1]} : vector<2x509xf32> to vector<1x509xf32>
    %max3A_1719 = arith.constant -3.000000e+00 : f32
    %max3A_1720 = vector.broadcast %max3A_1719 : f32 to vector<1x509xf32>
    %max3A_1721 = arith.maximumf %slice3A_1718, %max3A_1720 : vector<1x509xf32>
    %get3A_1722 = arith.constant 0 : index
    %get3A_1723 = arith.constant 0 : index
    %get3A_1724 = vector.load %arg18[%get3A_1722, %get3A_1723] : memref<1x509xf32, #tpu.memory_space<vmem>>, vector<1x509xf32>
    %sub3A_1725 = arith.subf %get3A_1724, %slice3A_1717 : vector<1x509xf32>
    %add3A_1726 = arith.constant 2.000000e+00 : f32
    %add3A_1727 = vector.broadcast %add3A_1726 : f32 to vector<1x509xf32>
    %add3A_1728 = arith.addf %sub3A_1725, %add3A_1727 : vector<1x509xf32>
    %neg3A_1729 = arith.constant 0.000000e+00 : f32
    %neg3A_1730 = vector.broadcast %neg3A_1729 : f32 to vector<1x509xf32>
    %neg3A_1731 = arith.subf %neg3A_1730, %max3A_1721 : vector<1x509xf32>
    %exp3A_1732 = math.exp %neg3A_1731 : vector<1x509xf32>
    %mul3A_1733 = arith.mulf %add3A_1728, %exp3A_1732 : vector<1x509xf32>
    %mul3A_1734 = arith.mulf %mul3A_1733, %mul3A_1733 : vector<1x509xf32>
    %add3A_1735 = arith.constant 1.83787704 : f32
    %add3A_1736 = vector.broadcast %add3A_1735 : f32 to vector<1x509xf32>
    %add3A_1737 = arith.addf %add3A_1736, %mul3A_1734 : vector<1x509xf32>
    %reduce_sum3A_1738 = vector.shape_cast %add3A_1737 : vector<1x509xf32> to vector<1x1x509xf32>
    %reduce_sum3A_1739 = arith.constant dense<0.000000e+00> : vector<1xf32>
    %reduce_sum3A_1740 = vector.multi_reduction <add>, %reduce_sum3A_1738, %reduce_sum3A_1739 [1, 2] : vector<1x1x509xf32> to vector<1xf32>
    %reduce_sum3A_1741 = vector.shape_cast %reduce_sum3A_1740 : vector<1xf32> to vector<1x1x1xf32>
    %reduce_sum3A_1742 = vector.extract %reduce_sum3A_1741[0, 0, 0] : f32 from vector<1x1x1xf32>
    %mul3A_1743 = arith.constant -5.000000e-01 : f32
    %mul3A_1744 = arith.mulf %mul3A_1743, %reduce_sum3A_1742 : f32
    %reduce_sum3A_1745 = vector.shape_cast %max3A_1721 : vector<1x509xf32> to vector<1x1x509xf32>
    %reduce_sum3A_1746 = arith.constant dense<0.000000e+00> : vector<1xf32>
    %reduce_sum3A_1747 = vector.multi_reduction <add>, %reduce_sum3A_1745, %reduce_sum3A_1746 [1, 2] : vector<1x1x509xf32> to vector<1xf32>
    %reduce_sum3A_1748 = vector.shape_cast %reduce_sum3A_1747 : vector<1xf32> to vector<1x1x1xf32>
    %reduce_sum3A_1749 = vector.extract %reduce_sum3A_1748[0, 0, 0] : f32 from vector<1x1x1xf32>
    %sub3A_1750 = arith.subf %mul3A_1744, %reduce_sum3A_1749 : f32
    %broadcast_in_dim3A_1751 = vector.broadcast %sub3A_1750 : f32 to vector<1x1x1x128xf32>
    %get3A_1752 = arith.constant 0 : index
    %get3A_1753 = arith.constant 27 : index
    %get3A_1754 = arith.constant 0 : index
    %get3A_1755 = arith.constant 0 : index
    %get3A_1756 = vector.load %arg10[%get3A_1752, %get3A_1753, %get3A_1754, %get3A_1755] : memref<1x32x509x50xf32, #tpu.memory_space<vmem>>, vector<1x1x509x50xf32>
    %get3A_1757 = vector.shape_cast %get3A_1756 : vector<1x1x509x50xf32> to vector<509x50xf32>
    %get3A_1758 = arith.constant 0 : index
    %get3A_1759 = arith.constant 0 : index
    %get3A_1760 = vector.load %arg11[%get3A_1758, %get3A_1759] : memref<50x256xf32, #tpu.memory_space<vmem>>, vector<50x256xf32>
    %dot_general3A_1761 = arith.constant dense<0.000000e+00> : vector<256x509xf32>
    %dot_general3A_1762 = tpu.matmul %get3A_1760, %get3A_1757, %dot_general3A_1761 {dimension_numbers = #tpu.dot_dimension_numbers<[0], [1], [1], [0], [0, 1, 1, 0], [], []>, transpose_lhs_hint = false} : vector<50x256xf32>, vector<509x50xf32>, vector<256x509xf32> -> vector<256x509xf32>
    %add3A_1763 = arith.addf %get3A_3, %dot_general3A_1762 : vector<256x509xf32>
    %gt3A_1764 = arith.constant 0.000000e+00 : f32
    %gt3A_1765 = vector.broadcast %gt3A_1764 : f32 to vector<256x509xf32>
    %gt3A_1766 = arith.cmpf ogt, %add3A_1763, %gt3A_1765 : vector<256x509xf32>
    %exp3A_1767 = math.exp %add3A_1763 : vector<256x509xf32>
    %sub3A_1768 = arith.constant 1.000000e+00 : f32
    %sub3A_1769 = vector.broadcast %sub3A_1768 : f32 to vector<256x509xf32>
    %sub3A_1770 = arith.subf %exp3A_1767, %sub3A_1769 : vector<256x509xf32>
    %select_n3A_1771 = arith.select %gt3A_1766, %add3A_1763, %sub3A_1770 : vector<256x509xi1>, vector<256x509xf32>
    %get3A_1772 = arith.constant 0 : index
    %get3A_1773 = arith.constant 0 : index
    %get3A_1774 = vector.load %arg12[%get3A_1772, %get3A_1773] : memref<256x2xf32, #tpu.memory_space<vmem>>, vector<256x2xf32>
    %dot_general3A_1775 = arith.constant dense<0.000000e+00> : vector<2x509xf32>
    %dot_general3A_1776 = tpu.matmul %get3A_1774, %select_n3A_1771, %dot_general3A_1775 {dimension_numbers = #tpu.dot_dimension_numbers<[0], [0], [1], [1], [0, 1, 1, 1], [], []>, transpose_lhs_hint = false} : vector<256x2xf32>, vector<256x509xf32>, vector<2x509xf32> -> vector<2x509xf32>
    %get3A_1777 = arith.constant 0 : index
    %get3A_1778 = arith.constant 0 : index
    %get3A_1779 = vector.load %arg13[%get3A_1777, %get3A_1778] : memref<2x1xf32, #tpu.memory_space<vmem>>, vector<2x1xf32>
    %add3A_1780 = vector.broadcast %get3A_1779 : vector<2x1xf32> to vector<2x509xf32>
    %add3A_1781 = arith.addf %dot_general3A_1776, %add3A_1780 : vector<2x509xf32>
    %slice3A_1782 = vector.extract_strided_slice %add3A_1781 {offsets = [0, 0], sizes = [1, 509], strides = [1, 1]} : vector<2x509xf32> to vector<1x509xf32>
    %slice3A_1783 = vector.extract_strided_slice %add3A_1781 {offsets = [1, 0], sizes = [1, 509], strides = [1, 1]} : vector<2x509xf32> to vector<1x509xf32>
    %max3A_1784 = arith.constant -3.000000e+00 : f32
    %max3A_1785 = vector.broadcast %max3A_1784 : f32 to vector<1x509xf32>
    %max3A_1786 = arith.maximumf %slice3A_1783, %max3A_1785 : vector<1x509xf32>
    %get3A_1787 = arith.constant 0 : index
    %get3A_1788 = arith.constant 0 : index
    %get3A_1789 = vector.load %arg18[%get3A_1787, %get3A_1788] : memref<1x509xf32, #tpu.memory_space<vmem>>, vector<1x509xf32>
    %sub3A_1790 = arith.subf %get3A_1789, %slice3A_1782 : vector<1x509xf32>
    %add3A_1791 = arith.constant 2.000000e+00 : f32
    %add3A_1792 = vector.broadcast %add3A_1791 : f32 to vector<1x509xf32>
    %add3A_1793 = arith.addf %sub3A_1790, %add3A_1792 : vector<1x509xf32>
    %neg3A_1794 = arith.constant 0.000000e+00 : f32
    %neg3A_1795 = vector.broadcast %neg3A_1794 : f32 to vector<1x509xf32>
    %neg3A_1796 = arith.subf %neg3A_1795, %max3A_1786 : vector<1x509xf32>
    %exp3A_1797 = math.exp %neg3A_1796 : vector<1x509xf32>
    %mul3A_1798 = arith.mulf %add3A_1793, %exp3A_1797 : vector<1x509xf32>
    %mul3A_1799 = arith.mulf %mul3A_1798, %mul3A_1798 : vector<1x509xf32>
    %add3A_1800 = arith.constant 1.83787704 : f32
    %add3A_1801 = vector.broadcast %add3A_1800 : f32 to vector<1x509xf32>
    %add3A_1802 = arith.addf %add3A_1801, %mul3A_1799 : vector<1x509xf32>
    %reduce_sum3A_1803 = vector.shape_cast %add3A_1802 : vector<1x509xf32> to vector<1x1x509xf32>
    %reduce_sum3A_1804 = arith.constant dense<0.000000e+00> : vector<1xf32>
    %reduce_sum3A_1805 = vector.multi_reduction <add>, %reduce_sum3A_1803, %reduce_sum3A_1804 [1, 2] : vector<1x1x509xf32> to vector<1xf32>
    %reduce_sum3A_1806 = vector.shape_cast %reduce_sum3A_1805 : vector<1xf32> to vector<1x1x1xf32>
    %reduce_sum3A_1807 = vector.extract %reduce_sum3A_1806[0, 0, 0] : f32 from vector<1x1x1xf32>
    %mul3A_1808 = arith.constant -5.000000e-01 : f32
    %mul3A_1809 = arith.mulf %mul3A_1808, %reduce_sum3A_1807 : f32
    %reduce_sum3A_1810 = vector.shape_cast %max3A_1786 : vector<1x509xf32> to vector<1x1x509xf32>
    %reduce_sum3A_1811 = arith.constant dense<0.000000e+00> : vector<1xf32>
    %reduce_sum3A_1812 = vector.multi_reduction <add>, %reduce_sum3A_1810, %reduce_sum3A_1811 [1, 2] : vector<1x1x509xf32> to vector<1xf32>
    %reduce_sum3A_1813 = vector.shape_cast %reduce_sum3A_1812 : vector<1xf32> to vector<1x1x1xf32>
    %reduce_sum3A_1814 = vector.extract %reduce_sum3A_1813[0, 0, 0] : f32 from vector<1x1x1xf32>
    %sub3A_1815 = arith.subf %mul3A_1809, %reduce_sum3A_1814 : f32
    %broadcast_in_dim3A_1816 = vector.broadcast %sub3A_1815 : f32 to vector<1x1x1x128xf32>
    %get3A_1817 = arith.constant 0 : index
    %get3A_1818 = arith.constant 28 : index
    %get3A_1819 = arith.constant 0 : index
    %get3A_1820 = arith.constant 0 : index
    %get3A_1821 = vector.load %arg10[%get3A_1817, %get3A_1818, %get3A_1819, %get3A_1820] : memref<1x32x509x50xf32, #tpu.memory_space<vmem>>, vector<1x1x509x50xf32>
    %get3A_1822 = vector.shape_cast %get3A_1821 : vector<1x1x509x50xf32> to vector<509x50xf32>
    %get3A_1823 = arith.constant 0 : index
    %get3A_1824 = arith.constant 0 : index
    %get3A_1825 = vector.load %arg11[%get3A_1823, %get3A_1824] : memref<50x256xf32, #tpu.memory_space<vmem>>, vector<50x256xf32>
    %dot_general3A_1826 = arith.constant dense<0.000000e+00> : vector<256x509xf32>
    %dot_general3A_1827 = tpu.matmul %get3A_1825, %get3A_1822, %dot_general3A_1826 {dimension_numbers = #tpu.dot_dimension_numbers<[0], [1], [1], [0], [0, 1, 1, 0], [], []>, transpose_lhs_hint = false} : vector<50x256xf32>, vector<509x50xf32>, vector<256x509xf32> -> vector<256x509xf32>
    %add3A_1828 = arith.addf %get3A_3, %dot_general3A_1827 : vector<256x509xf32>
    %gt3A_1829 = arith.constant 0.000000e+00 : f32
    %gt3A_1830 = vector.broadcast %gt3A_1829 : f32 to vector<256x509xf32>
    %gt3A_1831 = arith.cmpf ogt, %add3A_1828, %gt3A_1830 : vector<256x509xf32>
    %exp3A_1832 = math.exp %add3A_1828 : vector<256x509xf32>
    %sub3A_1833 = arith.constant 1.000000e+00 : f32
    %sub3A_1834 = vector.broadcast %sub3A_1833 : f32 to vector<256x509xf32>
    %sub3A_1835 = arith.subf %exp3A_1832, %sub3A_1834 : vector<256x509xf32>
    %select_n3A_1836 = arith.select %gt3A_1831, %add3A_1828, %sub3A_1835 : vector<256x509xi1>, vector<256x509xf32>
    %get3A_1837 = arith.constant 0 : index
    %get3A_1838 = arith.constant 0 : index
    %get3A_1839 = vector.load %arg12[%get3A_1837, %get3A_1838] : memref<256x2xf32, #tpu.memory_space<vmem>>, vector<256x2xf32>
    %dot_general3A_1840 = arith.constant dense<0.000000e+00> : vector<2x509xf32>
    %dot_general3A_1841 = tpu.matmul %get3A_1839, %select_n3A_1836, %dot_general3A_1840 {dimension_numbers = #tpu.dot_dimension_numbers<[0], [0], [1], [1], [0, 1, 1, 1], [], []>, transpose_lhs_hint = false} : vector<256x2xf32>, vector<256x509xf32>, vector<2x509xf32> -> vector<2x509xf32>
    %get3A_1842 = arith.constant 0 : index
    %get3A_1843 = arith.constant 0 : index
    %get3A_1844 = vector.load %arg13[%get3A_1842, %get3A_1843] : memref<2x1xf32, #tpu.memory_space<vmem>>, vector<2x1xf32>
    %add3A_1845 = vector.broadcast %get3A_1844 : vector<2x1xf32> to vector<2x509xf32>
    %add3A_1846 = arith.addf %dot_general3A_1841, %add3A_1845 : vector<2x509xf32>
    %slice3A_1847 = vector.extract_strided_slice %add3A_1846 {offsets = [0, 0], sizes = [1, 509], strides = [1, 1]} : vector<2x509xf32> to vector<1x509xf32>
    %slice3A_1848 = vector.extract_strided_slice %add3A_1846 {offsets = [1, 0], sizes = [1, 509], strides = [1, 1]} : vector<2x509xf32> to vector<1x509xf32>
    %max3A_1849 = arith.constant -3.000000e+00 : f32
    %max3A_1850 = vector.broadcast %max3A_1849 : f32 to vector<1x509xf32>
    %max3A_1851 = arith.maximumf %slice3A_1848, %max3A_1850 : vector<1x509xf32>
    %get3A_1852 = arith.constant 0 : index
    %get3A_1853 = arith.constant 0 : index
    %get3A_1854 = vector.load %arg18[%get3A_1852, %get3A_1853] : memref<1x509xf32, #tpu.memory_space<vmem>>, vector<1x509xf32>
    %sub3A_1855 = arith.subf %get3A_1854, %slice3A_1847 : vector<1x509xf32>
    %add3A_1856 = arith.constant 2.000000e+00 : f32
    %add3A_1857 = vector.broadcast %add3A_1856 : f32 to vector<1x509xf32>
    %add3A_1858 = arith.addf %sub3A_1855, %add3A_1857 : vector<1x509xf32>
    %neg3A_1859 = arith.constant 0.000000e+00 : f32
    %neg3A_1860 = vector.broadcast %neg3A_1859 : f32 to vector<1x509xf32>
    %neg3A_1861 = arith.subf %neg3A_1860, %max3A_1851 : vector<1x509xf32>
    %exp3A_1862 = math.exp %neg3A_1861 : vector<1x509xf32>
    %mul3A_1863 = arith.mulf %add3A_1858, %exp3A_1862 : vector<1x509xf32>
    %mul3A_1864 = arith.mulf %mul3A_1863, %mul3A_1863 : vector<1x509xf32>
    %add3A_1865 = arith.constant 1.83787704 : f32
    %add3A_1866 = vector.broadcast %add3A_1865 : f32 to vector<1x509xf32>
    %add3A_1867 = arith.addf %add3A_1866, %mul3A_1864 : vector<1x509xf32>
    %reduce_sum3A_1868 = vector.shape_cast %add3A_1867 : vector<1x509xf32> to vector<1x1x509xf32>
    %reduce_sum3A_1869 = arith.constant dense<0.000000e+00> : vector<1xf32>
    %reduce_sum3A_1870 = vector.multi_reduction <add>, %reduce_sum3A_1868, %reduce_sum3A_1869 [1, 2] : vector<1x1x509xf32> to vector<1xf32>
    %reduce_sum3A_1871 = vector.shape_cast %reduce_sum3A_1870 : vector<1xf32> to vector<1x1x1xf32>
    %reduce_sum3A_1872 = vector.extract %reduce_sum3A_1871[0, 0, 0] : f32 from vector<1x1x1xf32>
    %mul3A_1873 = arith.constant -5.000000e-01 : f32
    %mul3A_1874 = arith.mulf %mul3A_1873, %reduce_sum3A_1872 : f32
    %reduce_sum3A_1875 = vector.shape_cast %max3A_1851 : vector<1x509xf32> to vector<1x1x509xf32>
    %reduce_sum3A_1876 = arith.constant dense<0.000000e+00> : vector<1xf32>
    %reduce_sum3A_1877 = vector.multi_reduction <add>, %reduce_sum3A_1875, %reduce_sum3A_1876 [1, 2] : vector<1x1x509xf32> to vector<1xf32>
    %reduce_sum3A_1878 = vector.shape_cast %reduce_sum3A_1877 : vector<1xf32> to vector<1x1x1xf32>
    %reduce_sum3A_1879 = vector.extract %reduce_sum3A_1878[0, 0, 0] : f32 from vector<1x1x1xf32>
    %sub3A_1880 = arith.subf %mul3A_1874, %reduce_sum3A_1879 : f32
    %broadcast_in_dim3A_1881 = vector.broadcast %sub3A_1880 : f32 to vector<1x1x1x128xf32>
    %get3A_1882 = arith.constant 0 : index
    %get3A_1883 = arith.constant 29 : index
    %get3A_1884 = arith.constant 0 : index
    %get3A_1885 = arith.constant 0 : index
    %get3A_1886 = vector.load %arg10[%get3A_1882, %get3A_1883, %get3A_1884, %get3A_1885] : memref<1x32x509x50xf32, #tpu.memory_space<vmem>>, vector<1x1x509x50xf32>
    %get3A_1887 = vector.shape_cast %get3A_1886 : vector<1x1x509x50xf32> to vector<509x50xf32>
    %get3A_1888 = arith.constant 0 : index
    %get3A_1889 = arith.constant 0 : index
    %get3A_1890 = vector.load %arg11[%get3A_1888, %get3A_1889] : memref<50x256xf32, #tpu.memory_space<vmem>>, vector<50x256xf32>
    %dot_general3A_1891 = arith.constant dense<0.000000e+00> : vector<256x509xf32>
    %dot_general3A_1892 = tpu.matmul %get3A_1890, %get3A_1887, %dot_general3A_1891 {dimension_numbers = #tpu.dot_dimension_numbers<[0], [1], [1], [0], [0, 1, 1, 0], [], []>, transpose_lhs_hint = false} : vector<50x256xf32>, vector<509x50xf32>, vector<256x509xf32> -> vector<256x509xf32>
    %add3A_1893 = arith.addf %get3A_3, %dot_general3A_1892 : vector<256x509xf32>
    %gt3A_1894 = arith.constant 0.000000e+00 : f32
    %gt3A_1895 = vector.broadcast %gt3A_1894 : f32 to vector<256x509xf32>
    %gt3A_1896 = arith.cmpf ogt, %add3A_1893, %gt3A_1895 : vector<256x509xf32>
    %exp3A_1897 = math.exp %add3A_1893 : vector<256x509xf32>
    %sub3A_1898 = arith.constant 1.000000e+00 : f32
    %sub3A_1899 = vector.broadcast %sub3A_1898 : f32 to vector<256x509xf32>
    %sub3A_1900 = arith.subf %exp3A_1897, %sub3A_1899 : vector<256x509xf32>
    %select_n3A_1901 = arith.select %gt3A_1896, %add3A_1893, %sub3A_1900 : vector<256x509xi1>, vector<256x509xf32>
    %get3A_1902 = arith.constant 0 : index
    %get3A_1903 = arith.constant 0 : index
    %get3A_1904 = vector.load %arg12[%get3A_1902, %get3A_1903] : memref<256x2xf32, #tpu.memory_space<vmem>>, vector<256x2xf32>
    %dot_general3A_1905 = arith.constant dense<0.000000e+00> : vector<2x509xf32>
    %dot_general3A_1906 = tpu.matmul %get3A_1904, %select_n3A_1901, %dot_general3A_1905 {dimension_numbers = #tpu.dot_dimension_numbers<[0], [0], [1], [1], [0, 1, 1, 1], [], []>, transpose_lhs_hint = false} : vector<256x2xf32>, vector<256x509xf32>, vector<2x509xf32> -> vector<2x509xf32>
    %get3A_1907 = arith.constant 0 : index
    %get3A_1908 = arith.constant 0 : index
    %get3A_1909 = vector.load %arg13[%get3A_1907, %get3A_1908] : memref<2x1xf32, #tpu.memory_space<vmem>>, vector<2x1xf32>
    %add3A_1910 = vector.broadcast %get3A_1909 : vector<2x1xf32> to vector<2x509xf32>
    %add3A_1911 = arith.addf %dot_general3A_1906, %add3A_1910 : vector<2x509xf32>
    %slice3A_1912 = vector.extract_strided_slice %add3A_1911 {offsets = [0, 0], sizes = [1, 509], strides = [1, 1]} : vector<2x509xf32> to vector<1x509xf32>
    %slice3A_1913 = vector.extract_strided_slice %add3A_1911 {offsets = [1, 0], sizes = [1, 509], strides = [1, 1]} : vector<2x509xf32> to vector<1x509xf32>
    %max3A_1914 = arith.constant -3.000000e+00 : f32
    %max3A_1915 = vector.broadcast %max3A_1914 : f32 to vector<1x509xf32>
    %max3A_1916 = arith.maximumf %slice3A_1913, %max3A_1915 : vector<1x509xf32>
    %get3A_1917 = arith.constant 0 : index
    %get3A_1918 = arith.constant 0 : index
    %get3A_1919 = vector.load %arg18[%get3A_1917, %get3A_1918] : memref<1x509xf32, #tpu.memory_space<vmem>>, vector<1x509xf32>
    %sub3A_1920 = arith.subf %get3A_1919, %slice3A_1912 : vector<1x509xf32>
    %add3A_1921 = arith.constant 2.000000e+00 : f32
    %add3A_1922 = vector.broadcast %add3A_1921 : f32 to vector<1x509xf32>
    %add3A_1923 = arith.addf %sub3A_1920, %add3A_1922 : vector<1x509xf32>
    %neg3A_1924 = arith.constant 0.000000e+00 : f32
    %neg3A_1925 = vector.broadcast %neg3A_1924 : f32 to vector<1x509xf32>
    %neg3A_1926 = arith.subf %neg3A_1925, %max3A_1916 : vector<1x509xf32>
    %exp3A_1927 = math.exp %neg3A_1926 : vector<1x509xf32>
    %mul3A_1928 = arith.mulf %add3A_1923, %exp3A_1927 : vector<1x509xf32>
    %mul3A_1929 = arith.mulf %mul3A_1928, %mul3A_1928 : vector<1x509xf32>
    %add3A_1930 = arith.constant 1.83787704 : f32
    %add3A_1931 = vector.broadcast %add3A_1930 : f32 to vector<1x509xf32>
    %add3A_1932 = arith.addf %add3A_1931, %mul3A_1929 : vector<1x509xf32>
    %reduce_sum3A_1933 = vector.shape_cast %add3A_1932 : vector<1x509xf32> to vector<1x1x509xf32>
    %reduce_sum3A_1934 = arith.constant dense<0.000000e+00> : vector<1xf32>
    %reduce_sum3A_1935 = vector.multi_reduction <add>, %reduce_sum3A_1933, %reduce_sum3A_1934 [1, 2] : vector<1x1x509xf32> to vector<1xf32>
    %reduce_sum3A_1936 = vector.shape_cast %reduce_sum3A_1935 : vector<1xf32> to vector<1x1x1xf32>
    %reduce_sum3A_1937 = vector.extract %reduce_sum3A_1936[0, 0, 0] : f32 from vector<1x1x1xf32>
    %mul3A_1938 = arith.constant -5.000000e-01 : f32
    %mul3A_1939 = arith.mulf %mul3A_1938, %reduce_sum3A_1937 : f32
    %reduce_sum3A_1940 = vector.shape_cast %max3A_1916 : vector<1x509xf32> to vector<1x1x509xf32>
    %reduce_sum3A_1941 = arith.constant dense<0.000000e+00> : vector<1xf32>
    %reduce_sum3A_1942 = vector.multi_reduction <add>, %reduce_sum3A_1940, %reduce_sum3A_1941 [1, 2] : vector<1x1x509xf32> to vector<1xf32>
    %reduce_sum3A_1943 = vector.shape_cast %reduce_sum3A_1942 : vector<1xf32> to vector<1x1x1xf32>
    %reduce_sum3A_1944 = vector.extract %reduce_sum3A_1943[0, 0, 0] : f32 from vector<1x1x1xf32>
    %sub3A_1945 = arith.subf %mul3A_1939, %reduce_sum3A_1944 : f32
    %broadcast_in_dim3A_1946 = vector.broadcast %sub3A_1945 : f32 to vector<1x1x1x128xf32>
    %get3A_1947 = arith.constant 0 : index
    %get3A_1948 = arith.constant 30 : index
    %get3A_1949 = arith.constant 0 : index
    %get3A_1950 = arith.constant 0 : index
    %get3A_1951 = vector.load %arg10[%get3A_1947, %get3A_1948, %get3A_1949, %get3A_1950] : memref<1x32x509x50xf32, #tpu.memory_space<vmem>>, vector<1x1x509x50xf32>
    %get3A_1952 = vector.shape_cast %get3A_1951 : vector<1x1x509x50xf32> to vector<509x50xf32>
    %get3A_1953 = arith.constant 0 : index
    %get3A_1954 = arith.constant 0 : index
    %get3A_1955 = vector.load %arg11[%get3A_1953, %get3A_1954] : memref<50x256xf32, #tpu.memory_space<vmem>>, vector<50x256xf32>
    %dot_general3A_1956 = arith.constant dense<0.000000e+00> : vector<256x509xf32>
    %dot_general3A_1957 = tpu.matmul %get3A_1955, %get3A_1952, %dot_general3A_1956 {dimension_numbers = #tpu.dot_dimension_numbers<[0], [1], [1], [0], [0, 1, 1, 0], [], []>, transpose_lhs_hint = false} : vector<50x256xf32>, vector<509x50xf32>, vector<256x509xf32> -> vector<256x509xf32>
    %add3A_1958 = arith.addf %get3A_3, %dot_general3A_1957 : vector<256x509xf32>
    %gt3A_1959 = arith.constant 0.000000e+00 : f32
    %gt3A_1960 = vector.broadcast %gt3A_1959 : f32 to vector<256x509xf32>
    %gt3A_1961 = arith.cmpf ogt, %add3A_1958, %gt3A_1960 : vector<256x509xf32>
    %exp3A_1962 = math.exp %add3A_1958 : vector<256x509xf32>
    %sub3A_1963 = arith.constant 1.000000e+00 : f32
    %sub3A_1964 = vector.broadcast %sub3A_1963 : f32 to vector<256x509xf32>
    %sub3A_1965 = arith.subf %exp3A_1962, %sub3A_1964 : vector<256x509xf32>
    %select_n3A_1966 = arith.select %gt3A_1961, %add3A_1958, %sub3A_1965 : vector<256x509xi1>, vector<256x509xf32>
    %get3A_1967 = arith.constant 0 : index
    %get3A_1968 = arith.constant 0 : index
    %get3A_1969 = vector.load %arg12[%get3A_1967, %get3A_1968] : memref<256x2xf32, #tpu.memory_space<vmem>>, vector<256x2xf32>
    %dot_general3A_1970 = arith.constant dense<0.000000e+00> : vector<2x509xf32>
    %dot_general3A_1971 = tpu.matmul %get3A_1969, %select_n3A_1966, %dot_general3A_1970 {dimension_numbers = #tpu.dot_dimension_numbers<[0], [0], [1], [1], [0, 1, 1, 1], [], []>, transpose_lhs_hint = false} : vector<256x2xf32>, vector<256x509xf32>, vector<2x509xf32> -> vector<2x509xf32>
    %get3A_1972 = arith.constant 0 : index
    %get3A_1973 = arith.constant 0 : index
    %get3A_1974 = vector.load %arg13[%get3A_1972, %get3A_1973] : memref<2x1xf32, #tpu.memory_space<vmem>>, vector<2x1xf32>
    %add3A_1975 = vector.broadcast %get3A_1974 : vector<2x1xf32> to vector<2x509xf32>
    %add3A_1976 = arith.addf %dot_general3A_1971, %add3A_1975 : vector<2x509xf32>
    %slice3A_1977 = vector.extract_strided_slice %add3A_1976 {offsets = [0, 0], sizes = [1, 509], strides = [1, 1]} : vector<2x509xf32> to vector<1x509xf32>
    %slice3A_1978 = vector.extract_strided_slice %add3A_1976 {offsets = [1, 0], sizes = [1, 509], strides = [1, 1]} : vector<2x509xf32> to vector<1x509xf32>
    %max3A_1979 = arith.constant -3.000000e+00 : f32
    %max3A_1980 = vector.broadcast %max3A_1979 : f32 to vector<1x509xf32>
    %max3A_1981 = arith.maximumf %slice3A_1978, %max3A_1980 : vector<1x509xf32>
    %get3A_1982 = arith.constant 0 : index
    %get3A_1983 = arith.constant 0 : index
    %get3A_1984 = vector.load %arg18[%get3A_1982, %get3A_1983] : memref<1x509xf32, #tpu.memory_space<vmem>>, vector<1x509xf32>
    %sub3A_1985 = arith.subf %get3A_1984, %slice3A_1977 : vector<1x509xf32>
    %add3A_1986 = arith.constant 2.000000e+00 : f32
    %add3A_1987 = vector.broadcast %add3A_1986 : f32 to vector<1x509xf32>
    %add3A_1988 = arith.addf %sub3A_1985, %add3A_1987 : vector<1x509xf32>
    %neg3A_1989 = arith.constant 0.000000e+00 : f32
    %neg3A_1990 = vector.broadcast %neg3A_1989 : f32 to vector<1x509xf32>
    %neg3A_1991 = arith.subf %neg3A_1990, %max3A_1981 : vector<1x509xf32>
    %exp3A_1992 = math.exp %neg3A_1991 : vector<1x509xf32>
    %mul3A_1993 = arith.mulf %add3A_1988, %exp3A_1992 : vector<1x509xf32>
    %mul3A_1994 = arith.mulf %mul3A_1993, %mul3A_1993 : vector<1x509xf32>
    %add3A_1995 = arith.constant 1.83787704 : f32
    %add3A_1996 = vector.broadcast %add3A_1995 : f32 to vector<1x509xf32>
    %add3A_1997 = arith.addf %add3A_1996, %mul3A_1994 : vector<1x509xf32>
    %reduce_sum3A_1998 = vector.shape_cast %add3A_1997 : vector<1x509xf32> to vector<1x1x509xf32>
    %reduce_sum3A_1999 = arith.constant dense<0.000000e+00> : vector<1xf32>
    %reduce_sum3A_2000 = vector.multi_reduction <add>, %reduce_sum3A_1998, %reduce_sum3A_1999 [1, 2] : vector<1x1x509xf32> to vector<1xf32>
    %reduce_sum3A_2001 = vector.shape_cast %reduce_sum3A_2000 : vector<1xf32> to vector<1x1x1xf32>
    %reduce_sum3A_2002 = vector.extract %reduce_sum3A_2001[0, 0, 0] : f32 from vector<1x1x1xf32>
    %mul3A_2003 = arith.constant -5.000000e-01 : f32
    %mul3A_2004 = arith.mulf %mul3A_2003, %reduce_sum3A_2002 : f32
    %reduce_sum3A_2005 = vector.shape_cast %max3A_1981 : vector<1x509xf32> to vector<1x1x509xf32>
    %reduce_sum3A_2006 = arith.constant dense<0.000000e+00> : vector<1xf32>
    %reduce_sum3A_2007 = vector.multi_reduction <add>, %reduce_sum3A_2005, %reduce_sum3A_2006 [1, 2] : vector<1x1x509xf32> to vector<1xf32>
    %reduce_sum3A_2008 = vector.shape_cast %reduce_sum3A_2007 : vector<1xf32> to vector<1x1x1xf32>
    %reduce_sum3A_2009 = vector.extract %reduce_sum3A_2008[0, 0, 0] : f32 from vector<1x1x1xf32>
    %sub3A_2010 = arith.subf %mul3A_2004, %reduce_sum3A_2009 : f32
    %broadcast_in_dim3A_2011 = vector.broadcast %sub3A_2010 : f32 to vector<1x1x1x128xf32>
    %get3A_2012 = arith.constant 0 : index
    %get3A_2013 = arith.constant 31 : index
    %get3A_2014 = arith.constant 0 : index
    %get3A_2015 = arith.constant 0 : index
    %get3A_2016 = vector.load %arg10[%get3A_2012, %get3A_2013, %get3A_2014, %get3A_2015] : memref<1x32x509x50xf32, #tpu.memory_space<vmem>>, vector<1x1x509x50xf32>
    %get3A_2017 = vector.shape_cast %get3A_2016 : vector<1x1x509x50xf32> to vector<509x50xf32>
    %get3A_2018 = arith.constant 0 : index
    %get3A_2019 = arith.constant 0 : index
    %get3A_2020 = vector.load %arg11[%get3A_2018, %get3A_2019] : memref<50x256xf32, #tpu.memory_space<vmem>>, vector<50x256xf32>
    %dot_general3A_2021 = arith.constant dense<0.000000e+00> : vector<256x509xf32>
    %dot_general3A_2022 = tpu.matmul %get3A_2020, %get3A_2017, %dot_general3A_2021 {dimension_numbers = #tpu.dot_dimension_numbers<[0], [1], [1], [0], [0, 1, 1, 0], [], []>, transpose_lhs_hint = false} : vector<50x256xf32>, vector<509x50xf32>, vector<256x509xf32> -> vector<256x509xf32>
    %add3A_2023 = arith.addf %get3A_3, %dot_general3A_2022 : vector<256x509xf32>
    %gt3A_2024 = arith.constant 0.000000e+00 : f32
    %gt3A_2025 = vector.broadcast %gt3A_2024 : f32 to vector<256x509xf32>
    %gt3A_2026 = arith.cmpf ogt, %add3A_2023, %gt3A_2025 : vector<256x509xf32>
    %exp3A_2027 = math.exp %add3A_2023 : vector<256x509xf32>
    %sub3A_2028 = arith.constant 1.000000e+00 : f32
    %sub3A_2029 = vector.broadcast %sub3A_2028 : f32 to vector<256x509xf32>
    %sub3A_2030 = arith.subf %exp3A_2027, %sub3A_2029 : vector<256x509xf32>
    %select_n3A_2031 = arith.select %gt3A_2026, %add3A_2023, %sub3A_2030 : vector<256x509xi1>, vector<256x509xf32>
    %get3A_2032 = arith.constant 0 : index
    %get3A_2033 = arith.constant 0 : index
    %get3A_2034 = vector.load %arg12[%get3A_2032, %get3A_2033] : memref<256x2xf32, #tpu.memory_space<vmem>>, vector<256x2xf32>
    %dot_general3A_2035 = arith.constant dense<0.000000e+00> : vector<2x509xf32>
    %dot_general3A_2036 = tpu.matmul %get3A_2034, %select_n3A_2031, %dot_general3A_2035 {dimension_numbers = #tpu.dot_dimension_numbers<[0], [0], [1], [1], [0, 1, 1, 1], [], []>, transpose_lhs_hint = false} : vector<256x2xf32>, vector<256x509xf32>, vector<2x509xf32> -> vector<2x509xf32>
    %get3A_2037 = arith.constant 0 : index
    %get3A_2038 = arith.constant 0 : index
    %get3A_2039 = vector.load %arg13[%get3A_2037, %get3A_2038] : memref<2x1xf32, #tpu.memory_space<vmem>>, vector<2x1xf32>
    %add3A_2040 = vector.broadcast %get3A_2039 : vector<2x1xf32> to vector<2x509xf32>
    %add3A_2041 = arith.addf %dot_general3A_2036, %add3A_2040 : vector<2x509xf32>
    %slice3A_2042 = vector.extract_strided_slice %add3A_2041 {offsets = [0, 0], sizes = [1, 509], strides = [1, 1]} : vector<2x509xf32> to vector<1x509xf32>
    %slice3A_2043 = vector.extract_strided_slice %add3A_2041 {offsets = [1, 0], sizes = [1, 509], strides = [1, 1]} : vector<2x509xf32> to vector<1x509xf32>
    %max3A_2044 = arith.constant -3.000000e+00 : f32
    %max3A_2045 = vector.broadcast %max3A_2044 : f32 to vector<1x509xf32>
    %max3A_2046 = arith.maximumf %slice3A_2043, %max3A_2045 : vector<1x509xf32>
    %get3A_2047 = arith.constant 0 : index
    %get3A_2048 = arith.constant 0 : index
    %get3A_2049 = vector.load %arg18[%get3A_2047, %get3A_2048] : memref<1x509xf32, #tpu.memory_space<vmem>>, vector<1x509xf32>
    %sub3A_2050 = arith.subf %get3A_2049, %slice3A_2042 : vector<1x509xf32>
    %add3A_2051 = arith.constant 2.000000e+00 : f32
    %add3A_2052 = vector.broadcast %add3A_2051 : f32 to vector<1x509xf32>
    %add3A_2053 = arith.addf %sub3A_2050, %add3A_2052 : vector<1x509xf32>
    %neg3A_2054 = arith.constant 0.000000e+00 : f32
    %neg3A_2055 = vector.broadcast %neg3A_2054 : f32 to vector<1x509xf32>
    %neg3A_2056 = arith.subf %neg3A_2055, %max3A_2046 : vector<1x509xf32>
    %exp3A_2057 = math.exp %neg3A_2056 : vector<1x509xf32>
    %mul3A_2058 = arith.mulf %add3A_2053, %exp3A_2057 : vector<1x509xf32>
    %mul3A_2059 = arith.mulf %mul3A_2058, %mul3A_2058 : vector<1x509xf32>
    %add3A_2060 = arith.constant 1.83787704 : f32
    %add3A_2061 = vector.broadcast %add3A_2060 : f32 to vector<1x509xf32>
    %add3A_2062 = arith.addf %add3A_2061, %mul3A_2059 : vector<1x509xf32>
    %reduce_sum3A_2063 = vector.shape_cast %add3A_2062 : vector<1x509xf32> to vector<1x1x509xf32>
    %reduce_sum3A_2064 = arith.constant dense<0.000000e+00> : vector<1xf32>
    %reduce_sum3A_2065 = vector.multi_reduction <add>, %reduce_sum3A_2063, %reduce_sum3A_2064 [1, 2] : vector<1x1x509xf32> to vector<1xf32>
    %reduce_sum3A_2066 = vector.shape_cast %reduce_sum3A_2065 : vector<1xf32> to vector<1x1x1xf32>
    %reduce_sum3A_2067 = vector.extract %reduce_sum3A_2066[0, 0, 0] : f32 from vector<1x1x1xf32>
    %mul3A_2068 = arith.constant -5.000000e-01 : f32
    %mul3A_2069 = arith.mulf %mul3A_2068, %reduce_sum3A_2067 : f32
    %reduce_sum3A_2070 = vector.shape_cast %max3A_2046 : vector<1x509xf32> to vector<1x1x509xf32>
    %reduce_sum3A_2071 = arith.constant dense<0.000000e+00> : vector<1xf32>
    %reduce_sum3A_2072 = vector.multi_reduction <add>, %reduce_sum3A_2070, %reduce_sum3A_2071 [1, 2] : vector<1x1x509xf32> to vector<1xf32>
    %reduce_sum3A_2073 = vector.shape_cast %reduce_sum3A_2072 : vector<1xf32> to vector<1x1x1xf32>
    %reduce_sum3A_2074 = vector.extract %reduce_sum3A_2073[0, 0, 0] : f32 from vector<1x1x1xf32>
    %sub3A_2075 = arith.subf %mul3A_2069, %reduce_sum3A_2074 : f32
    %broadcast_in_dim3A_2076 = vector.broadcast %sub3A_2075 : f32 to vector<1x1x1x128xf32>
    %concatenate3A = tpu.concatenate %broadcast_in_dim3A, %broadcast_in_dim3A_126, %broadcast_in_dim3A_191, %broadcast_in_dim3A_256, %broadcast_in_dim3A_321, %broadcast_in_dim3A_386, %broadcast_in_dim3A_451, %broadcast_in_dim3A_516, %broadcast_in_dim3A_581, %broadcast_in_dim3A_646, %broadcast_in_dim3A_711, %broadcast_in_dim3A_776, %broadcast_in_dim3A_841, %broadcast_in_dim3A_906, %broadcast_in_dim3A_971, %broadcast_in_dim3A_1036, %broadcast_in_dim3A_1101, %broadcast_in_dim3A_1166, %broadcast_in_dim3A_1231, %broadcast_in_dim3A_1296, %broadcast_in_dim3A_1361, %broadcast_in_dim3A_1426, %broadcast_in_dim3A_1491, %broadcast_in_dim3A_1556, %broadcast_in_dim3A_1621, %broadcast_in_dim3A_1686, %broadcast_in_dim3A_1751, %broadcast_in_dim3A_1816, %broadcast_in_dim3A_1881, %broadcast_in_dim3A_1946, %broadcast_in_dim3A_2011, %broadcast_in_dim3A_2076 in 1 : vector<1x1x1x128xf32>, vector<1x1x1x128xf32>, vector<1x1x1x128xf32>, vector<1x1x1x128xf32>, vector<1x1x1x128xf32>, vector<1x1x1x128xf32>, vector<1x1x1x128xf32>, vector<1x1x1x128xf32>, vector<1x1x1x128xf32>, vector<1x1x1x128xf32>, vector<1x1x1x128xf32>, vector<1x1x1x128xf32>, vector<1x1x1x128xf32>, vector<1x1x1x128xf32>, vector<1x1x1x128xf32>, vector<1x1x1x128xf32>, vector<1x1x1x128xf32>, vector<1x1x1x128xf32>, vector<1x1x1x128xf32>, vector<1x1x1x128xf32>, vector<1x1x1x128xf32>, vector<1x1x1x128xf32>, vector<1x1x1x128xf32>, vector<1x1x1x128xf32>, vector<1x1x1x128xf32>, vector<1x1x1x128xf32>, vector<1x1x1x128xf32>, vector<1x1x1x128xf32>, vector<1x1x1x128xf32>, vector<1x1x1x128xf32>, vector<1x1x1x128xf32>, vector<1x1x1x128xf32> -> vector<1x32x1x128xf32>
    %swap3A = arith.constant 0 : index
    %swap3A_2077 = arith.constant 0 : index
    %swap3A_2078 = arith.constant 0 : index
    %swap3A_2079 = arith.constant 0 : index
    %swap3A_2080 = vector.load %arg16[%swap3A, %swap3A_2077, %swap3A_2078, %swap3A_2079] : memref<1x32x1x128xf32, #tpu.memory_space<vmem>>, vector<1x32x1x128xf32>
    tpu.vector_store %arg16[%swap3A, %swap3A_2077, %swap3A_2078, %swap3A_2079], %concatenate3A {strides = array<i32>} : memref<1x32x1x128xf32, #tpu.memory_space<vmem>>, vector<1x32x1x128xf32>,
    return
  }
  func.func @transform_0(%arg0: i32, %arg1: i32) -> (i32, i32, i32) {
    %c0_i32 = arith.constant 0 : i32
    %c0_i32_0 = arith.constant 0 : i32
    %c0_i32_1 = arith.constant 0 : i32
    return %arg0, %c0_i32, %c0_i32_0 : i32, i32, i32
  }
  func.func @transform_1(%arg0: i32, %arg1: i32) -> (i32, i32, i32) {
    %c0_i32 = arith.constant 0 : i32
    %c0_i32_0 = arith.constant 0 : i32
    %c0_i32_1 = arith.constant 0 : i32
    return %arg0, %c0_i32, %c0_i32_0 : i32, i32, i32
  }
  func.func @transform_2(%arg0: i32, %arg1: i32) -> (i32, i32) {
    %c0_i32 = arith.constant 0 : i32
    %c0_i32_0 = arith.constant 0 : i32
    %c0_i32_1 = arith.constant 0 : i32
    return %c0_i32, %c0_i32_0 : i32, i32
  }
  func.func @transform_3(%arg0: i32, %arg1: i32) -> (i32, i32) {
    %c0_i32 = arith.constant 0 : i32
    %c0_i32_0 = arith.constant 0 : i32
    %c0_i32_1 = arith.constant 0 : i32
    return %c0_i32, %c0_i32_0 : i32, i32
  }
  func.func @transform_4(%arg0: i32, %arg1: i32) -> (i32, i32) {
    %c0_i32 = arith.constant 0 : i32
    %c0_i32_0 = arith.constant 0 : i32
    %c0_i32_1 = arith.constant 0 : i32
    return %c0_i32, %c0_i32_0 : i32, i32
  }
  func.func @transform_5(%arg0: i32, %arg1: i32) -> (i32, i32) {
    %c0_i32 = arith.constant 0 : i32
    %c0_i32_0 = arith.constant 0 : i32
    %c0_i32_1 = arith.constant 0 : i32
    return %c0_i32, %c0_i32_0 : i32, i32
  }
  func.func @transform_6(%arg0: i32, %arg1: i32) -> (i32, i32) {
    %c0_i32 = arith.constant 0 : i32
    %c0_i32_0 = arith.constant 0 : i32
    %c0_i32_1 = arith.constant 0 : i32
    return %c0_i32, %c0_i32_0 : i32, i32
  }
  func.func @transform_7(%arg0: i32, %arg1: i32) -> (i32, i32) {
    %c0_i32 = arith.constant 0 : i32
    %c0_i32_0 = arith.constant 0 : i32
    %c0_i32_1 = arith.constant 0 : i32
    return %c0_i32, %c0_i32_0 : i32, i32
  }
  func.func @transform_8(%arg0: i32, %arg1: i32) -> (i32, i32, i32, i32) {
    %c0_i32 = arith.constant 0 : i32
    %c0_i32_0 = arith.constant 0 : i32
    %c0_i32_1 = arith.constant 0 : i32
    return %arg0, %arg1, %c0_i32, %c0_i32_0 : i32, i32, i32, i32
  }
  func.func @transform_9(%arg0: i32, %arg1: i32) -> (i32, i32) {
    %c0_i32 = arith.constant 0 : i32
    %c0_i32_0 = arith.constant 0 : i32
    %c0_i32_1 = arith.constant 0 : i32
    return %c0_i32, %c0_i32_0 : i32, i32
  }
  func.func @transform_10(%arg0: i32, %arg1: i32) -> (i32, i32) {
    %c0_i32 = arith.constant 0 : i32
    %c0_i32_0 = arith.constant 0 : i32
    %c0_i32_1 = arith.constant 0 : i32
    return %c0_i32, %c0_i32_0 : i32, i32
  }
  func.func @transform_11(%arg0: i32, %arg1: i32) -> (i32, i32) {
    %c0_i32 = arith.constant 0 : i32
    %c0_i32_0 = arith.constant 0 : i32
    %c0_i32_1 = arith.constant 0 : i32
    return %c0_i32, %c0_i32_0 : i32, i32
  }
  func.func @transform_12(%arg0: i32, %arg1: i32) -> (i32, i32, i32) {
    %c0_i32 = arith.constant 0 : i32
    %c0_i32_0 = arith.constant 0 : i32
    %c0_i32_1 = arith.constant 0 : i32
    return %arg0, %c0_i32, %c0_i32_0 : i32, i32, i32
  }
  func.func @transform_13(%arg0: i32, %arg1: i32) -> (i32, i32, i32) {
    %c0_i32 = arith.constant 0 : i32
    %c0_i32_0 = arith.constant 0 : i32
    %c0_i32_1 = arith.constant 0 : i32
    return %arg0, %c0_i32, %c0_i32_0 : i32, i32, i32
  }
  func.func @transform_14(%arg0: i32, %arg1: i32) -> (i32, i32, i32, i32) {
    %c0_i32 = arith.constant 0 : i32
    %c0_i32_0 = arith.constant 0 : i32
    %c0_i32_1 = arith.constant 0 : i32
    return %arg0, %arg1, %c0_i32, %c0_i32_0 : i32, i32, i32, i32
  }
}

</mosaic_0001>

<sc_bundles>
// kernel: kernel.4.cloned.1.call-start
scs
__scs_entry_jumppad:
0x0: {  	(pc) =	sbr.rel $0x88, $3  }
0x1: {  	(tag) =	ssettag $0x0;
	lr =	simm.s32 $0x1  }
0x2: {  	[smem:$0x3F95] =	sst lr;
	_ =	strace $0xD0000000  }
0x3: {  	_ = 	snop  }
0x4: {  	_ = 	snop  }
0x5: {  	_ = 	snop  }
0x6: {  	_ = 	snop  }
0x7: {  	_ = 	snop  }
__scs_overlays_trampoline_lowered:
0x8: {  	[smem:$0x3FA4] =	sst s0  }
0x9: {  	[smem:$0x3FA5] =	sst s1  }
0xa: {  	[smem:$0x3FA6] =	sst s2  }
0xb: {  	[smem:$0x3FA7] =	sst s3  }
0xc: {  	[smem:$0x3FA8] =	sst s4  }
0xd: {  	[smem:$0x3FA9] =	sst s5  }
0xe: {  	[smem:$0x3FAA] =	sst s6  }
0xf: {  	[smem:$0x3FAB] =	sst s7  }
0x10: {  	[smem:$0x3FAC] =	sst s8  }
0x11: {  	[smem:$0x3FAD] =	sst s9;
	s0 =	simm.s32 @!p0 $0x0  }
0x12: {  	s1 =	sld [smem:$0x3F93];
	s0 =	simm.s32 @p0 $0x1  }
0x13: {  	[smem:$0x3FAE] =	sst s0;
	s0 =	simm.s32 @!p1 $0x0  }
0x14: {  	s2 =	sld [smem:$0x3F92];
	s0 =	simm.s32 @p1 $0x1  }
0x15: {  	[smem:$0x3FAF] =	sst s0;
	s0 =	simm.s32 @!p2 $0x0  }
0x16: {  	s3 =	sld [smem:$0x3FDB];
	s0 =	simm.s32 @p2 $0x1  }
0x17: {  	s4 =	simm.s32 $0x1BF5;
	[smem:$0x3FB1] =	sst s0  }
0x18: {  	s0 =	sld [smem:$0x3F94];
	_ =	swait.ge [sflag:s4], $0x0  }
0x19: {  	s7 =	sld [smem:$0x3F95]  }
0x1a: {  	s8 =	sadd.s32 $0xFFFFE003, lr  }
0x1b: {  	s9 =	sadd.s32 $0xFFFFFEF7, lr;
	s5 =	simm.s32 $0xFFFFFFFF;
	p2 =	slt.u32 s8, $0xFFFFF086  }
0x1c: {  	p1 =	slt.u32 s9, $0xF7A;
	s5 =	simm.s32 @!p2 $0x0  }
0x1d: {  	s5 =	simm.s32 @p1 $0x1;
	p0 =	seq.s32 s7, s2  }
0x1e: {  	s7 =	smul.u32 @!p0 $0xF7A, s2;
	p2 =	seq.s32 @!p0 s5, $0x0  }
0x1f: {  	s9 =	smul.u32 $0xF7A, s1;
	s8 =	simm.s32 @!p0 $0x1BF5;
	p2 =	por !p2, p0  }
0x20: {  	[sflag:s8] =	ssyncset.s32 @!p0 $0xFFFFF086;
	s6 =	sadd.s32 @!p0 s3, s7;
	s7 =	simm.s32 @!p0 $0x108  }
0x21: {  	s3 =	sadd.s32 s3, s9;
	s6 =	sadd.s32 @!p0 $0x88, s6;
	s7 =	simm.s32 @p2 $0x1082  }
0x22: {  	[simem:s7], [sflag:s8] =	dma.local @!p0 [hbm:s6], $0xF7A  }
0x23: {  	s9 =	sor.u32 $0xD0000000, s2;
	s6 =	simm.s32 $0x108;
	_ =	swait.ge @!p0 [sflag:s8], $0x0  }
0x24: {  	s3 =	sadd.s32 $0x88, s3;
	s6 =	simm.s32 @!p1 $0x1082;
	[sflag:s4] =	ssyncset.s32 $0xFFFFF086  }
0x25: {  	[simem:s6], [sflag:s4] =	dma.local [hbm:s3], $0xF7A  }
0x26: {  	[smem:$0x3F95] =	sst s1;
	(tag) =	ssettag s2;
	_ =	strace s9  }
0x27: {  	s1 =	sld [smem:$0x3FA5]  }
0x28: {  	s2 =	sld [smem:$0x3FA6]  }
0x29: {  	s4 =	sld [smem:$0x3FA8]  }
0x2a: {  	p0 =	seq.s32 s5, $0x0;
	s5 =	sld [smem:$0x3FA9]  }
0x2b: {  	s6 =	sld [smem:$0x3FAA]  }
0x2c: {  	s7 =	sld [smem:$0x3FAB]  }
0x2d: {  	s3 =	simm.s32 $0x108;
	s8 =	sld [smem:$0x3FAC]  }
0x2e: {  	s3 =	simm.s32 @!p0 $0x1082;
	s9 =	sld [smem:$0x3FAD]  }
0x2f: {  	lr =	sadd.s32 s0, s3;
	s0 =	sld [smem:$0x3FA4]  }
0x30: {  	s3 =	sld [smem:$0x3FA7]  }
0x31: {  	[smem:$0x3FB0] =	sst s10  }
0x32: {  	s10 =	sld [smem:$0x3FAE];
	_ =	sdelay $0x3  }
0x33: {  	p0 =	seq.s32 s10, $0x1;
	s10 =	sld [smem:$0x3FB0];
	_ =	sdelay $0x3  }
0x34: {  	[smem:$0x3FB0] =	sst s10  }
0x35: {  	s10 =	sld [smem:$0x3FAF];
	_ =	sdelay $0x3  }
0x36: {  	p1 =	seq.s32 s10, $0x1;
	s10 =	sld [smem:$0x3FB0];
	_ =	sdelay $0x3  }
0x37: {  	[smem:$0x3FB0] =	sst s10  }
0x38: {  	s10 =	sld [smem:$0x3FB1]  }
0x39: {  	_ = 	snop;
	(pc) =	sbr.ind lr, $3  }
0x3a: {  	_ = 	snop  }
0x3b: {  	_ = 	snop  }
0x3c: {  	p2 =	seq.s32 s10, $0x1;
	s10 =	sld [smem:$0x3FB0]  }
0x3d: {  	_ =	shalt  }
0x3e: {  	_ =	shalt  }
0x3f: {  	_ =	shalt  }
0x40: {  	_ =	shalt  }
0x41: {  	_ =	shalt  }
0x42: {  	_ =	shalt  }
0x43: {  	_ =	shalt  }
0x44: {  	_ =	shalt  }
0x45: {  	_ =	shalt  }
0x46: {  	_ =	shalt  }
0x47: {  	_ =	shalt  }
0x48: {  	_ =	shalt  }
0x49: {  	_ =	shalt  }
0x4a: {  	_ =	shalt  }
0x4b: {  	_ =	shalt  }
0x4c: {  	_ =	shalt  }
0x4d: {  	_ =	shalt  }
0x4e: {  	_ =	shalt  }
0x4f: {  	_ =	shalt  }
0x50: {  	_ =	shalt  }
0x51: {  	_ =	shalt  }
0x52: {  	_ =	shalt  }
0x53: {  	_ =	shalt  }
0x54: {  	_ =	shalt  }
0x55: {  	_ =	shalt  }
0x56: {  	_ =	shalt  }
0x57: {  	_ =	shalt  }
0x58: {  	_ =	shalt  }
0x59: {  	_ =	shalt  }
0x5a: {  	_ =	shalt  }
0x5b: {  	_ =	shalt  }
0x5c: {  	_ =	shalt  }
0x5d: {  	_ =	shalt  }
0x5e: {  	_ =	shalt  }
0x5f: {  	_ =	shalt  }
0x60: {  	_ =	shalt  }
0x61: {  	_ =	shalt  }
0x62: {  	_ =	shalt  }
0x63: {  	_ =	shalt  }
0x64: {  	_ =	shalt  }
0x65: {  	_ =	shalt  }
0x66: {  	_ =	shalt  }
0x67: {  	_ =	shalt  }
0x68: {  	_ =	shalt  }
0x69: {  	_ =	shalt  }
0x6a: {  	_ =	shalt  }
0x6b: {  	_ =	shalt  }
0x6c: {  	_ =	shalt  }
0x6d: {  	_ =	shalt  }
0x6e: {  	_ =	shalt  }
0x6f: {  	_ =	shalt  }
0x70: {  	_ =	shalt  }
0x71: {  	_ =	shalt  }
0x72: {  	_ =	shalt  }
0x73: {  	_ =	shalt  }
0x74: {  	_ =	shalt  }
0x75: {  	_ =	shalt  }
0x76: {  	_ =	shalt  }
0x77: {  	_ =	shalt  }
0x78: {  	_ =	shalt  }
0x79: {  	_ =	shalt  }
0x7a: {  	_ =	shalt  }
0x7b: {  	_ =	shalt  }
0x7c: {  	_ =	shalt  }
0x7d: {  	_ =	shalt  }
0x7e: {  	_ =	shalt  }
0x7f: {  	_ =	shalt  }
0x80: {  	_ =	shalt  }
0x81: {  	_ =	shalt  }
0x82: {  	_ =	shalt  }
0x83: {  	_ =	shalt  }
0x84: {  	_ =	shalt  }
0x85: {  	_ =	shalt  }
0x86: {  	_ =	shalt  }
0x87: {  	_ =	shalt  }
.Lfunc_end0:
.L_simem_size_0:
called_computation_lowered:
.L_overlay_start_0:
0x88: {  	s2 =	sld [smem:$0x3FD9]  }
0x89: {  	s3 =	sld [smem:$0x3FFE];
	_ =	sdelay $0x1  }
0x8a: {  	s1 =	srdreg.scid  }
0x8b: {  	s0 =	sand.u32 $0x1, s1  }
0x8c: {  	s14 =	sshll.u32 s0, $0xA;
	s2 =	sadd.s32 s3, s2  }
0x8d: {  	s2 =	sadd.s32 s2, s14  }
0x8e: {  	[smem:$0x3FBC] =	sst s2  }
0x8f: {  	_ = 	snop  }
0x90: {  	s2 =	sld [smem:$0x3FD0];
	_ =	sdelay $0x2  }
0x91: {  	s15 =	simm.s32 $0xA;
	s4 =	simm.s32 $0x10  }
0x92: {  	[smem:s4], [sflag:s15] =	dma.local [hbm:s2], $0x1  }
0x93: {  	_ =	swait.eq [sflag:s15], $0x1  }
0x94: {  	[sflag:s15] =	ssyncset.done $0x0  }
0x95: {  	[sflag:s15] =	ssyncadd.s32 $0xFFFFFFFF  }
0x96: {  	s16 =	sld [smem:$0x10];
	(tm) =	ssettm $0x1  }
0x97: {  	s17 =	sld [smem:$0x3FFB];
	_ =	sdelay $0x3  }
0x98: {  	_ =	strace s17  }
0x99: {  	s3 =	sld [smem:$0x3FFC];
	_ =	sdelay $0x3  }
0x9a: {  	_ =	strace s3  }
0x9b: {  	s3 =	sld [smem:$0x3FFD];
	_ =	sdelay $0x3  }
0x9c: {  	_ =	strace s3  }
0x9d: {  	_ =	strace $0x8FFFFFFF  }
0x9e: {  	s18 =	sld [smem:$0x3FDB];
	_ =	sdelay $0x1  }
0x9f: {  	s19 =	simm.s32 $_scs_section_size  }
0xa0: {  	s5 =	simm.s32 $_size__tile_overlayer_lowered;
	s6 =	simm.s32 $_tile_overlayer_lowered  }
0xa1: {  	s22 =	simm.s32 $0x1BFF;
	s21 =	sshll.u32 s6, $0x1;
	s3 =	sadd.s32 s19, s18  }
0xa2: {  	s7 =	simm.s32 $0x0;
	s20 =	sshll.u32 s5, $0x1;
	s5 =	sadd.s32 s21, s3  }
0xa3: {  	[timem:s7], [sflag:s22] =	dma.local [hbm:s5], s20  }
0xa4: {  	_ =	swait.ge [sflag:s22], s20  }
0xa5: {  	s4 =	ssub.s32 $0x0, s20;
	[sflag:s22] =	ssyncset.done $0x0  }
0xa6: {  	[sflag:s22] =	ssyncadd.s32 s4;
	_ =	sdelay $0x1  }
0xa7: {  	s23 =	simm.s32 $0x1B8B  }
0xa8: {  	_ =	swait.ge [sflag:s23], $0x1  }
0xa9: {  	[sflag:s23] =	ssyncset.done $0x0  }
0xaa: {  	s25 =	simm.s32 $0x1B8E;
	s24 =	sld [smem:$0x3FFE];
	[sflag:s23] =	ssyncadd.s32 $0xFFFFFFFF  }
0xab: {  	s26 =	simm.s32 $execute0_lowered;
	[smem:$0x3FD2] =	sst s25  }
0xac: {  	s5 =	sshll.u32 s26, $0x1;
	_ =	strace $0x80000046;
	[dreg:$0x1] =	wrdreg $0xFFFFFFFF  }
0xad: {  	s28 =	simm.s32 $_size_execute0_lowered;
	s3 =	sadd.s32 s3, s5;
	[dreg:$0x0] =	wrdreg $0x0  }
0xae: {  	s5 =	sshll.u32 s28, $0x1;
	[dreg:$0x2] =	wrdreg s3  }
0xaf: {  	[dreg:$0x3] =	wrdreg s5  }
0xb0: {  	[dreg:$0x4] =	wrdreg $0xC0  }
0xb1: {  	_ =	task [dreg:s7], $0x5FFFF  }
0xb2: {  	[dreg:$0x1] =	wrdreg $0xFFFFFFFF  }
0xb3: {  	[dreg:$0x0] =	wrdreg $0x60  }
0xb4: {  	[dreg:$0x2] =	wrdreg s24  }
0xb5: {  	[dreg:$0x3] =	wrdreg s16  }
0xb6: {  	[dreg:$0x4] =	wrdreg $0x9  }
0xb7: {  	_ =	task.clear_ibuf [dreg:s7], $0x5FFFF;
	_ =	strace $0x90000046  }
0xb8: {  	s29 =	simm.s32 $0x9;
	_ =	strace $0x80000048  }
0xb9: {  	_ =	swait.ge [sflag:s29], $0x1  }
0xba: {  	[sflag:s29] =	ssyncadd.s32 $0xFFFFFFFF  }
0xbb: {  	_ =	strace $0x90000048  }
0xbc: {  	_ =	sfence  }
0xbd: {  	s30 =	sld [smem:$0x0];
	_ =	sdelay $0x2  }
0xbe: {  	s31 =	sshll.u32 s1, $0xD;
	s1 =	sshrl.u32 s1, $0x2  }
0xbf: {  	s3 =	sand.u32 $0x4000, s31;
	s1 =	sadd.s32 s1, s30  }
0xc0: {  	s0 =	sor.u32 s3, s0;
	s1 =	sshll.u32 s1, $0x11  }
0xc1: {  	s0 =	sor.u32 s1, s0  }
0xc2: {  	s0 =	sadd.s32 $0x8F2B, s0  }
0xc3: {  	[sflag:s0] =	ssyncadd.remote.s32 $0x1  }
0xc4: {  	_ =	sfence.sel $0xFFFF  }
0xc5: {  	[dreg:$0x0] =	wrdreg $0xFFFFFFFF;
	(pc) =	sbr.abs _section_cstart, $3  }
0xc6: {  	[dreg:$0x1] =	wrdreg $0xFFFFFFFF  }
0xc7: {  	_ =	task.clear_ibuf [dreg:s7], $0x2FFFF;
	_ =	strace $0x9FFFFFFF  }
0xc8: {  	(tm) =	ssettm $0x7FFFFFFF  }
0xc9: {  	_ =	shalt  }
tec
execute0_lowered:
.L_overlay_start_1:
0x0: {  	(tag) =	ssettag $0x1  }
0x1: {  	s4 =	rddreg [dreg:$0x0]  }
0x2: {  	s5 =	rddreg [dreg:$0x1]  }
0x3: {  	s0 =	rddreg [dreg:$0x2];
	s2 =	simm.s32 $0x0;
	s3 =	srdreg.scid  }
0x4: {  	s1 =	stileid.u32;
	s10 =	simm.s32 $0x1080;
	s11 =	simm.s32 $0x1880  }
0x5: {  	s12 =	simm.s32 $0x2080;
	s13 =	simm.s32 $0x2880;
	s14 =	simm.s32 $0x3080  }
0x6: {  	s15 =	simm.s32 $0x3880;
	s16 =	simm.s32 $0x1;
	s6 =	sand.u32 $0x1, s3  }
0x7: {  	[smem:$0x7FF] =	sst s2;
	s7 =	sshll.u32 s1, $0x7;
	s8 =	sshll.u32 s6, $0x6  }
0x8: {  	s3 =	sadd.s32 $0x1800, s4;
	s6 =	ssub.s32 $0x2, s6;
	s7 =	sor.u32 s8, s7  }
0x9: {  	_ =	strace $0x80000047;
	s9 =	sshrl.u32 s6, $0x1;
	s8 =	sshll.u32 s7, $0x5  }
0xa: {  	v2 =	vlaneseq.u32;
	s7 =	sshrl.u32 s7, $0x3;
	s6 =	ssub.s32 s6, s9;
	s9 =	simm.s32 $0x880  }
0xb: {  	vm0 =	vmmov $0xffff;
	v1 =	vshrl.u32 v2, $0x3;
	s8 =	sadd.s32 s8, s4;
	s4 =	sadd.s32 s5, s7;
	s6 =	smax.u32 s6, $0x1  }
0xc: {  	v0 =	vand.u32 $0x7, v2;
	v2 =	vor.u32 $0x8, v2;
	v1 =	vmul.u32 $0x8, v1;
	s7 =	simm.s32 $0x2;
	s5 =	sadd.s32 $0x11800, s8;
	s8 =	simm.s32 $0x80  }
.LBB2_1:
0xd: {  	[tilespmem:s2], [sflag:$0x2] =	stream.linear.gather [hbm4b:s4+s2], $0x40, $0x38;
	[tilespmem:$0x4080] =	vst v63  }
0xe: {  	_ =	swait.ge [sflag:s7], $0x40  }
0xf: {  	[sflag:s7] =	ssyncset.done $0x0  }
0x10: {  	[sflag:s7] =	ssyncadd.s32 $0xFFFFFFC0  }
0x11: {  	v3 =	vld [tilespmem:$0x0];
	_ =	sdelay $0x4  }
0x12: {  	v4 =	vshll.u32 v3, $0x1  }
0x13: {  	v3 =	vand.u32 $0x7, v3;
	v4 =	vand.u32 $0xFFFFFFF0, v4  }
0x14: {  	v3 =	vor.u32 v3, v4  }
0x15: {  	v4 =	vperm.xlane v3, v0;
	_ =	sdelay $0x1  }
0x16: {  	v3 =	vperm.xlane v3, v2;
	v4 =	vadd.s32 v1, v4;
	_ =	sdelay $0x1  }
0x17: {  	v3 =	vadd.s32 v1, v3;
	_ =	sdelay $0x2  }
0x18: {  	[tilespmem:s8], [sflag:$0x1] =	stream.indirect_vreg.gather [hbm4b:s3+s2], $0x80, v4, vm0, $0xb8;
	[tilespmem:$0x4080] =	vst v63  }
0x19: {  	_ = 	snop  }
0x1a: {  	[tilespmem:s9], [sflag:$0x1] =	stream.indirect_vreg.gather [hbm4b:s3+s2], $0x80, v3, vm0, $0xb8;
	[tilespmem:$0x4080] =	vst v63  }
0x1b: {  	v3 =	vld [tilespmem:$0x10];
	_ =	sdelay $0x4  }
0x1c: {  	v61 =	vshll.u32 v3, $0x1  }
0x1d: {  	v3 =	vand.u32 $0x7, v3;
	v4 =	vand.u32 $0xFFFFFFF0, v61  }
0x1e: {  	v3 =	vor.u32 v3, v4  }
0x1f: {  	v4 =	vperm.xlane v3, v0;
	_ =	sdelay $0x1  }
0x20: {  	v3 =	vperm.xlane v3, v2;
	v4 =	vadd.s32 v1, v4;
	_ =	sdelay $0x1  }
0x21: {  	v3 =	vadd.s32 v1, v3;
	_ =	sdelay $0x2  }
0x22: {  	[tilespmem:s10], [sflag:$0x1] =	stream.indirect_vreg.gather [hbm4b:s3+s2], $0x80, v4, vm0, $0xb8;
	[tilespmem:$0x4080] =	vst v63  }
0x23: {  	_ = 	snop  }
0x24: {  	[tilespmem:s11], [sflag:$0x1] =	stream.indirect_vreg.gather [hbm4b:s3+s2], $0x80, v3, vm0, $0xb8;
	[tilespmem:$0x4080] =	vst v63  }
0x25: {  	v3 =	vld [tilespmem:$0x20];
	_ =	sdelay $0x4  }
0x26: {  	v62 =	vshll.u32 v3, $0x1  }
0x27: {  	v3 =	vand.u32 $0x7, v3;
	v4 =	vand.u32 $0xFFFFFFF0, v62  }
0x28: {  	v3 =	vor.u32 v3, v4  }
0x29: {  	v4 =	vperm.xlane v3, v0;
	_ =	sdelay $0x1  }
0x2a: {  	v3 =	vperm.xlane v3, v2;
	v4 =	vadd.s32 v1, v4;
	_ =	sdelay $0x1  }
0x2b: {  	v3 =	vadd.s32 v1, v3;
	_ =	sdelay $0x2  }
0x2c: {  	[tilespmem:s12], [sflag:$0x1] =	stream.indirect_vreg.gather [hbm4b:s3+s2], $0x80, v4, vm0, $0xb8;
	[tilespmem:$0x4080] =	vst v63  }
0x2d: {  	_ = 	snop  }
0x2e: {  	[tilespmem:s13], [sflag:$0x1] =	stream.indirect_vreg.gather [hbm4b:s3+s2], $0x80, v3, vm0, $0xb8;
	[tilespmem:$0x4080] =	vst v63  }
0x2f: {  	v3 =	vld [tilespmem:$0x30];
	_ =	sdelay $0x4  }
0x30: {  	v63 =	vshll.u32 v3, $0x1  }
0x31: {  	v3 =	vand.u32 $0x7, v3;
	v4 =	vand.u32 $0xFFFFFFF0, v63  }
0x32: {  	v3 =	vor.u32 v3, v4  }
0x33: {  	v4 =	vperm.xlane v3, v0;
	_ =	sdelay $0x1  }
0x34: {  	v3 =	vperm.xlane v3, v2;
	v4 =	vadd.s32 v1, v4;
	_ =	sdelay $0x1  }
0x35: {  	v3 =	vadd.s32 v1, v3;
	_ =	sdelay $0x2  }
0x36: {  	[tilespmem:s14], [sflag:$0x1] =	stream.indirect_vreg.gather [hbm4b:s3+s2], $0x80, v4, vm0, $0xb8;
	[tilespmem:$0x4080] =	vst v63  }
0x37: {  	_ = 	snop  }
0x38: {  	[tilespmem:s15], [sflag:$0x1] =	stream.indirect_vreg.gather [hbm4b:s3+s2], $0x80, v3, vm0, $0xb8;
	[tilespmem:$0x4080] =	vst v63  }
0x39: {  	_ =	swait.ge [sflag:s16], $0x4000  }
0x3a: {  	p0 =	sne.s32 s6, $0x1;
	[sflag:s16] =	ssyncset.done $0x0  }
.Ltmp0:
0x3b: {  	[sflag:s16] =	ssyncadd.s32 $0xFFFFC000;
	(pc) =	sbr.rel @p0 .LBB2_1-.Ltmp0, $4  }
0x3c: {  	[hbm4b:s5+s2] =	stream.linear.scatter [tilespmem:s8], [sflag:$0x2], $0x4000, $0x38;
	[tilespmem:$0x4080] =	vst v63  }
0x3d: {  	_ =	swait.ge [sflag:s7], $0x4000  }
0x3e: {  	[sflag:s7] =	ssyncset.done $0x0  }
0x3f: {  	s6 =	sadd.s32 $0xFFFFFFFF, s6;
	[sflag:s7] =	ssyncadd.s32 $0xFFFFC000  }
0x40: {  	_ =	sfence.sel $0x180000  }
0x41: {  	[bflag:$0x0] =	sbarrier.arrive $0xFFFF  }
0x42: {  	p0 =	sne.s32 s1, $0x0;
	_ =	strace $0x90000047  }
0x43: {  	s0 =	sadd.s32 @!p0 $0x100000, s0;
	[bflag:$0x2] =	sbarrier.arrive $0xFFFF  }
0x44: {  	[sflag:s0] =	ssyncadd.tile.s32 @!p0 $0x1;
	_ =	shalt  }
.Lfunc_end2:
_tile_overlayer_lowered:
.L_overlay_start_2:
0x45: {  	(tag) =	ssettag $0x2  }
0x46: {  	s0 =	rddreg [dreg:$0x0];
	s2 =	stileid.u32  }
0x47: {  	s1 =	rddreg [dreg:$0x1];
	p0 =	sne.s32 s2, $0x0  }
0x48: {  	s3 =	rddreg [dreg:$0x2];
	[bflag:$0x3] =	sbarrier.arrive $0xFFFF;
	s2 =	simm.s32 @!p0 $0x1C02  }
0x49: {  	[timem:s3], [sflag:s2] =	dma.local @!p0 [hbm:s0], s1  }
0x4a: {  	s0 =	simm.s32 @!p0 $0x2  }
0x4b: {  	_ =	swait.ge @!p0 [sflag:s0], s1  }
0x4c: {  	s1 =	ssub.s32 @!p0 $0x0, s1;
	[sflag:s0] =	ssyncset.done @!p0 $0x0  }
0x4d: {  	[sflag:s0] =	ssyncadd.s32 @!p0 s1  }
0x4e: {  	[bflag:$0x3] =	sbarrier.arrive $0xFFFF  }
0x4f: {  	_ =	shalt  }

</sc_bundles>
